<compile_context>
chip_gen: v7x
topology: tpu7x:2x2x1
jax: 0.10.2.dev20260603
libtpu: 0.0.44.dev20260713+nightly
codegen_flags: <defaults>
</compile_context>

<pallas_src>
import functools

import jax
import jax.numpy as jnp
from jax import lax
from jax.experimental import pallas as pl
from jax.experimental.pallas import tpu as pltpu
from jax.experimental.pallas import tpu_sc as plsc

NUM_N = 8192
IN_SZ = 2048
BATCH = 1024

SC_CORES = 2
SC_SUBCORES = 16
NW = SC_CORES * SC_SUBCORES
LANES = 16
B_W = BATCH // NW
NC_OUT = 256
T_STEPS = NUM_N // NC_OUT


def _coef_body(wt_ref, it_ref, pk_ref):
    wv = wt_ref[...]
    m = jnp.max(wv, axis=0, keepdims=True)
    e = jnp.exp(wv - m)
    p = e / jnp.sum(e, axis=0, keepdims=True)
    c0 = p[8] + p[9] + p[10] + p[11] + p[12] + p[13] + p[14] + p[15]
    c1 = p[2] + p[3] + p[6] + p[7] - p[8] - p[9] - p[12] - p[13]
    c2 = p[4] + p[5] + p[6] + p[7] - p[8] - p[9] - p[10] - p[11]
    c3 = (p[1] - p[2] - p[4] - 2.0 * p[6] - p[7] + p[8] + 2.0 * p[9]
          + p[11] + p[13] - p[14])
    i12 = it_ref[0, :] | (it_ref[1, :] << 16)
    pk_ref[pl.ds(0, NUM_N)] = lax.bitcast_convert_type(i12, jnp.float32)
    pk_ref[pl.ds(NUM_N, NUM_N)] = c0
    pk_ref[pl.ds(2 * NUM_N, NUM_N)] = c1
    pk_ref[pl.ds(3 * NUM_N, NUM_N)] = c2
    pk_ref[pl.ds(4 * NUM_N, NUM_N)] = c3


def _packed_side(w, conn_indices):
    return pl.pallas_call(
        _coef_body,
        out_shape=jax.ShapeDtypeStruct((5 * NUM_N,), jnp.float32),
    )(w.T, conn_indices.T)


def _flatten_body(x_ref, o_ref):
    o_ref[...] = x_ref[...].reshape(B_W * IN_SZ)


def _flatten_x(x):
    return pl.pallas_call(
        _flatten_body,
        grid=(NW,),
        in_specs=[pl.BlockSpec((B_W, IN_SZ), lambda w: (w, 0))],
        out_specs=pl.BlockSpec((B_W * IN_SZ,), lambda w: (w,)),
        out_shape=jax.ShapeDtypeStruct((BATCH * IN_SZ,), jnp.float32),
    )(x)


def _sc_body(x_hbm, pk_hbm, out_hbm, xc, cb, ob0, ob1,
             sem_x, sem_pk, sem_o0, sem_o1):
    wid = lax.axis_index("s") * SC_CORES + lax.axis_index("c")
    b0 = wid * B_W
    for r in range(B_W):
        pltpu.async_copy(
            x_hbm.at[b0 + r], xc.at[pl.ds(r * IN_SZ, IN_SZ)], sem_x)
    cp = pltpu.async_copy(pk_hbm, cb, sem_pk)
    for r in range(B_W):
        pltpu.make_async_copy(
            x_hbm.at[b0 + r], xc.at[pl.ds(r * IN_SZ, IN_SZ)], sem_x).wait()
    cp.wait()

    def _chunk(t, obuf, osem, first):
        n0 = t * NC_OUT
        if not first:
            pltpu.make_async_copy(
                obuf, out_hbm.at[pl.ds(b0, B_W), pl.ds(n0, NC_OUT)],
                osem).wait()

        @pl.loop(0, NC_OUT // LANES)
        def _group(g):
            gb = n0 + g * LANES
            i12 = plsc.bitcast(cb[pl.ds(gb, LANES)], jnp.int32)
            i1g = i12 & 0xFFFF
            i2g = lax.shift_right_logical(i12, 16)
            c0g = cb[pl.ds(NUM_N + gb, LANES)]
            c1g = cb[pl.ds(2 * NUM_N + gb, LANES)]
            c2g = cb[pl.ds(3 * NUM_N + gb, LANES)]
            c3g = cb[pl.ds(4 * NUM_N + gb, LANES)]
            go = g * LANES

            @plsc.parallel_loop(0, B_W, 1, unroll=4)
            def _row(b):
                base = b * IN_SZ
                a1 = plsc.load_gather(xc, [i1g + base])
                a2 = plsc.load_gather(xc, [i2g + base])
                obuf[b, pl.ds(go, LANES)] = (
                    c0g + a1 * c1g + a2 * (c2g + a1 * c3g))

        pltpu.async_copy(
            obuf, out_hbm.at[pl.ds(b0, B_W), pl.ds(n0, NC_OUT)], osem)

    _chunk(0, ob0, sem_o0, True)
    _chunk(1, ob1, sem_o1, True)

    @pl.loop(1, T_STEPS // 2)
    def _pair(tp):
        _chunk(2 * tp, ob0, sem_o0, False)
        _chunk(2 * tp + 1, ob1, sem_o1, False)

    pltpu.make_async_copy(
        ob0, out_hbm.at[pl.ds(b0, B_W), pl.ds(0, NC_OUT)], sem_o0).wait()
    pltpu.make_async_copy(
        ob1, out_hbm.at[pl.ds(b0, B_W), pl.ds(0, NC_OUT)], sem_o1).wait()


@functools.partial(
    pl.kernel,
    out_type=jax.ShapeDtypeStruct((BATCH, NUM_N), jnp.float32),
    mesh=plsc.VectorSubcoreMesh(core_axis_name="c", subcore_axis_name="s"),
    compiler_params=pltpu.CompilerParams(
        needs_layout_passes=False, disable_bounds_checks=True,
        skip_device_barrier=True),
    scratch_types=[
        pltpu.VMEM((B_W * IN_SZ,), jnp.float32),
        pltpu.VMEM((5 * NUM_N,), jnp.float32),
        pltpu.VMEM((B_W, NC_OUT), jnp.float32),
        pltpu.VMEM((B_W, NC_OUT), jnp.float32),
        pltpu.SemaphoreType.DMA,
        pltpu.SemaphoreType.DMA,
        pltpu.SemaphoreType.DMA,
        pltpu.SemaphoreType.DMA,
    ],
)
def _sc_combine(*refs):
    _sc_body(*refs)


def kernel(x, w, conn_indices):
    pk = _packed_side(w, conn_indices)
    return _sc_combine(x, pk)

# --- scband reference (transcript-rebuilt; emitter-appended) ---
"""Pipeline reference for scband-logic-layer-89292370084190 (READ-ONLY COPY).

The authoritative reference and input builder live on the scoring server;
editing this copy changes nothing except your own understanding.
"""

import jax, jax.numpy as jnp
import numpy as np

NUM_NEURONS = 8192
INPUT_SIZE = 2048
BATCH = 1024

def setup_inputs(seed: int = 0) -> dict:
    key = jax.random.key(seed)
    k1, k2, k3 = jax.random.split(key, 3)
    x = jax.random.uniform(k1, (BATCH, INPUT_SIZE), dtype=jnp.float32)
    w = jax.random.normal(k2, (NUM_NEURONS, 16), dtype=jnp.float32)
    conn_indices = jax.random.randint(k3, (NUM_NEURONS, 2), 0, INPUT_SIZE, dtype=jnp.int32)
    return {"x": x, "w": w, "conn_indices": conn_indices}

def reference(x, w, conn_indices):
    a1 = jnp.take(x, conn_indices[:, 0], axis=1)
    a2 = jnp.take(x, conn_indices[:, 1], axis=1)
    ops = []
    ops.append(jnp.zeros_like(a1))
    ops.append(a1 * a2)
    ops.append(a1 - a1 * a2)
    ops.append(a1)
    ops.append(a2 - a1 * a2)
    ops.append(a2)
    ops.append(a1 + a2 - 2 * a1 * a2)
    ops.append(a1 + a2 - a1 * a2)
    ops.append(1 - (a1 + a2 - a1 * a2))
    ops.append(1 - (a1 + a2 - 2 * a1 * a2))
    ops.append(1 - a2)
    ops.append(1 - a2 + a1 * a2)
    ops.append(1 - a1)
    ops.append(1 - a1 + a1 * a2)
    ops.append(1 - a1 * a2)
    ops.append(jnp.ones_like(a1))
    all_ops = jnp.stack(ops, axis=0)
    probs = jax.nn.softmax(w, axis=1)
    probs = probs.T[:, None, :]
    return jnp.sum(all_ops * probs, axis=0)

if __name__ == "__main__":
    import jax
    _d = setup_inputs()
    print(jax.jit(kernel)(*tuple(_d.values())))

</pallas_src>

<mosaic_0001>
#map = affine_map<(d0, d1) -> (0, 0)>
#map1 = affine_map<(d0, d1) -> (0)>
module attributes {stable_mosaic.version = 14 : i64} {
  func.func @_sc_combine(%arg0: i32, %arg1: i32, %arg2: memref<1024x2048xf32, #tpu.memory_space<hbm>>, %arg3: memref<40960xf32, #tpu.memory_space<hbm>>, %arg4: memref<1024x8192xf32, #tpu.memory_space<hbm>>, %arg5: memref<65536xf32, #tpu.memory_space<vmem>>, %arg6: memref<40960xf32, #tpu.memory_space<vmem>>, %arg7: memref<32x256xf32, #tpu.memory_space<vmem>>, %arg8: memref<32x256xf32, #tpu.memory_space<vmem>>, %arg9: memref<!tpu.dma_semaphore, #tpu.memory_space<semaphore_mem>>, %arg10: memref<!tpu.dma_semaphore, #tpu.memory_space<semaphore_mem>>, %arg11: memref<!tpu.dma_semaphore, #tpu.memory_space<semaphore_mem>>, %arg12: memref<!tpu.dma_semaphore, #tpu.memory_space<semaphore_mem>>) attributes {dimension_semantics = [#tpu.dimension_semantics<core_parallel>, #tpu.dimension_semantics<subcore_parallel>], iteration_bounds = array<i64: 2, 16>, scalar_prefetch = 0 : i64, scratch_operands = 8 : i64, tpu.core_type = #tpu.core_type<sc_vector_subcore>, window_params = [{transform_indices = #map}, {transform_indices = #map1}, {transform_indices = #map}]} {
    %mul3A = arith.constant 2 : i32
    %mul3A_0 = arith.muli %arg1, %mul3A : i32
    %add3A = arith.addi %mul3A_0, %arg0 : i32
    %mul3A_1 = arith.constant 32 : i32
    %mul3A_2 = arith.muli %add3A, %mul3A_1 : i32
    %add3A_3 = arith.constant 0 : i32
    %add3A_4 = arith.addi %mul3A_2, %add3A_3 : i32
    %dma_start3A = arith.constant 0 : i32
    %dma_start3A_5 = tpu.memref_slice %arg5[%dma_start3A] : memref<65536xf32, #tpu.memory_space<vmem>> -> memref<2048xf32, #tpu.memory_space<vmem>>
    %dma_start3A_6 = arith.constant 0 : i32
    %dma_start3A_7 = tpu.memref_slice %arg2[%add3A_4, %dma_start3A_6] : memref<1024x2048xf32, #tpu.memory_space<hbm>> -> memref<1x2048xf32, #tpu.memory_space<hbm>>
    %dma_start3A_8 = tpu.memref_squeeze %dma_start3A_7 : memref<1x2048xf32, #tpu.memory_space<hbm>> -> memref<2048xf32, #tpu.memory_space<hbm>>
    %dma_start3A_9 = arith.constant 0 : i32
    %dma_start3A_10 = tpu.memref_slice %arg5[%dma_start3A_9] : memref<65536xf32, #tpu.memory_space<vmem>> -> memref<2048xf32, #tpu.memory_space<vmem>>
    %dma_start3A_11 = arith.constant 0 : i32
    %dma_start3A_12 = tpu.memref_slice %arg2[%add3A_4, %dma_start3A_11] : memref<1024x2048xf32, #tpu.memory_space<hbm>> -> memref<1x2048xf32, #tpu.memory_space<hbm>>
    %dma_start3A_13 = tpu.memref_squeeze %dma_start3A_12 : memref<1x2048xf32, #tpu.memory_space<hbm>> -> memref<2048xf32, #tpu.memory_space<hbm>>
    tpu.enqueue_dma source(%dma_start3A_13 : memref<2048xf32, #tpu.memory_space<hbm>>) target(%dma_start3A_10 : memref<2048xf32, #tpu.memory_space<vmem>>) target_semaphore(%arg9 : memref<!tpu.dma_semaphore, #tpu.memory_space<semaphore_mem>>)
    %add3A_14 = arith.constant 1 : i32
    %add3A_15 = arith.addi %mul3A_2, %add3A_14 : i32
    %dma_start3A_16 = arith.constant 2048 : i32
    %dma_start3A_17 = tpu.memref_slice %arg5[%dma_start3A_16] : memref<65536xf32, #tpu.memory_space<vmem>> -> memref<2048xf32, #tpu.memory_space<vmem>>
    %dma_start3A_18 = arith.constant 0 : i32
    %dma_start3A_19 = tpu.memref_slice %arg2[%add3A_15, %dma_start3A_18] : memref<1024x2048xf32, #tpu.memory_space<hbm>> -> memref<1x2048xf32, #tpu.memory_space<hbm>>
    %dma_start3A_20 = tpu.memref_squeeze %dma_start3A_19 : memref<1x2048xf32, #tpu.memory_space<hbm>> -> memref<2048xf32, #tpu.memory_space<hbm>>
    %dma_start3A_21 = arith.constant 2048 : i32
    %dma_start3A_22 = tpu.memref_slice %arg5[%dma_start3A_21] : memref<65536xf32, #tpu.memory_space<vmem>> -> memref<2048xf32, #tpu.memory_space<vmem>>
    %dma_start3A_23 = arith.constant 0 : i32
    %dma_start3A_24 = tpu.memref_slice %arg2[%add3A_15, %dma_start3A_23] : memref<1024x2048xf32, #tpu.memory_space<hbm>> -> memref<1x2048xf32, #tpu.memory_space<hbm>>
    %dma_start3A_25 = tpu.memref_squeeze %dma_start3A_24 : memref<1x2048xf32, #tpu.memory_space<hbm>> -> memref<2048xf32, #tpu.memory_space<hbm>>
    tpu.enqueue_dma source(%dma_start3A_25 : memref<2048xf32, #tpu.memory_space<hbm>>) target(%dma_start3A_22 : memref<2048xf32, #tpu.memory_space<vmem>>) target_semaphore(%arg9 : memref<!tpu.dma_semaphore, #tpu.memory_space<semaphore_mem>>)
    %add3A_26 = arith.constant 2 : i32
    %add3A_27 = arith.addi %mul3A_2, %add3A_26 : i32
    %dma_start3A_28 = arith.constant 4096 : i32
    %dma_start3A_29 = tpu.memref_slice %arg5[%dma_start3A_28] : memref<65536xf32, #tpu.memory_space<vmem>> -> memref<2048xf32, #tpu.memory_space<vmem>>
    %dma_start3A_30 = arith.constant 0 : i32
    %dma_start3A_31 = tpu.memref_slice %arg2[%add3A_27, %dma_start3A_30] : memref<1024x2048xf32, #tpu.memory_space<hbm>> -> memref<1x2048xf32, #tpu.memory_space<hbm>>
    %dma_start3A_32 = tpu.memref_squeeze %dma_start3A_31 : memref<1x2048xf32, #tpu.memory_space<hbm>> -> memref<2048xf32, #tpu.memory_space<hbm>>
    %dma_start3A_33 = arith.constant 4096 : i32
    %dma_start3A_34 = tpu.memref_slice %arg5[%dma_start3A_33] : memref<65536xf32, #tpu.memory_space<vmem>> -> memref<2048xf32, #tpu.memory_space<vmem>>
    %dma_start3A_35 = arith.constant 0 : i32
    %dma_start3A_36 = tpu.memref_slice %arg2[%add3A_27, %dma_start3A_35] : memref<1024x2048xf32, #tpu.memory_space<hbm>> -> memref<1x2048xf32, #tpu.memory_space<hbm>>
    %dma_start3A_37 = tpu.memref_squeeze %dma_start3A_36 : memref<1x2048xf32, #tpu.memory_space<hbm>> -> memref<2048xf32, #tpu.memory_space<hbm>>
    tpu.enqueue_dma source(%dma_start3A_37 : memref<2048xf32, #tpu.memory_space<hbm>>) target(%dma_start3A_34 : memref<2048xf32, #tpu.memory_space<vmem>>) target_semaphore(%arg9 : memref<!tpu.dma_semaphore, #tpu.memory_space<semaphore_mem>>)
    %add3A_38 = arith.constant 3 : i32
    %add3A_39 = arith.addi %mul3A_2, %add3A_38 : i32
    %dma_start3A_40 = arith.constant 6144 : i32
    %dma_start3A_41 = tpu.memref_slice %arg5[%dma_start3A_40] : memref<65536xf32, #tpu.memory_space<vmem>> -> memref<2048xf32, #tpu.memory_space<vmem>>
    %dma_start3A_42 = arith.constant 0 : i32
    %dma_start3A_43 = tpu.memref_slice %arg2[%add3A_39, %dma_start3A_42] : memref<1024x2048xf32, #tpu.memory_space<hbm>> -> memref<1x2048xf32, #tpu.memory_space<hbm>>
    %dma_start3A_44 = tpu.memref_squeeze %dma_start3A_43 : memref<1x2048xf32, #tpu.memory_space<hbm>> -> memref<2048xf32, #tpu.memory_space<hbm>>
    %dma_start3A_45 = arith.constant 6144 : i32
    %dma_start3A_46 = tpu.memref_slice %arg5[%dma_start3A_45] : memref<65536xf32, #tpu.memory_space<vmem>> -> memref<2048xf32, #tpu.memory_space<vmem>>
    %dma_start3A_47 = arith.constant 0 : i32
    %dma_start3A_48 = tpu.memref_slice %arg2[%add3A_39, %dma_start3A_47] : memref<1024x2048xf32, #tpu.memory_space<hbm>> -> memref<1x2048xf32, #tpu.memory_space<hbm>>
    %dma_start3A_49 = tpu.memref_squeeze %dma_start3A_48 : memref<1x2048xf32, #tpu.memory_space<hbm>> -> memref<2048xf32, #tpu.memory_space<hbm>>
    tpu.enqueue_dma source(%dma_start3A_49 : memref<2048xf32, #tpu.memory_space<hbm>>) target(%dma_start3A_46 : memref<2048xf32, #tpu.memory_space<vmem>>) target_semaphore(%arg9 : memref<!tpu.dma_semaphore, #tpu.memory_space<semaphore_mem>>)
    %add3A_50 = arith.constant 4 : i32
    %add3A_51 = arith.addi %mul3A_2, %add3A_50 : i32
    %dma_start3A_52 = arith.constant 8192 : i32
    %dma_start3A_53 = tpu.memref_slice %arg5[%dma_start3A_52] : memref<65536xf32, #tpu.memory_space<vmem>> -> memref<2048xf32, #tpu.memory_space<vmem>>
    %dma_start3A_54 = arith.constant 0 : i32
    %dma_start3A_55 = tpu.memref_slice %arg2[%add3A_51, %dma_start3A_54] : memref<1024x2048xf32, #tpu.memory_space<hbm>> -> memref<1x2048xf32, #tpu.memory_space<hbm>>
    %dma_start3A_56 = tpu.memref_squeeze %dma_start3A_55 : memref<1x2048xf32, #tpu.memory_space<hbm>> -> memref<2048xf32, #tpu.memory_space<hbm>>
    %dma_start3A_57 = arith.constant 8192 : i32
    %dma_start3A_58 = tpu.memref_slice %arg5[%dma_start3A_57] : memref<65536xf32, #tpu.memory_space<vmem>> -> memref<2048xf32, #tpu.memory_space<vmem>>
    %dma_start3A_59 = arith.constant 0 : i32
    %dma_start3A_60 = tpu.memref_slice %arg2[%add3A_51, %dma_start3A_59] : memref<1024x2048xf32, #tpu.memory_space<hbm>> -> memref<1x2048xf32, #tpu.memory_space<hbm>>
    %dma_start3A_61 = tpu.memref_squeeze %dma_start3A_60 : memref<1x2048xf32, #tpu.memory_space<hbm>> -> memref<2048xf32, #tpu.memory_space<hbm>>
    tpu.enqueue_dma source(%dma_start3A_61 : memref<2048xf32, #tpu.memory_space<hbm>>) target(%dma_start3A_58 : memref<2048xf32, #tpu.memory_space<vmem>>) target_semaphore(%arg9 : memref<!tpu.dma_semaphore, #tpu.memory_space<semaphore_mem>>)
    %add3A_62 = arith.constant 5 : i32
    %add3A_63 = arith.addi %mul3A_2, %add3A_62 : i32
    %dma_start3A_64 = arith.constant 10240 : i32
    %dma_start3A_65 = tpu.memref_slice %arg5[%dma_start3A_64] : memref<65536xf32, #tpu.memory_space<vmem>> -> memref<2048xf32, #tpu.memory_space<vmem>>
    %dma_start3A_66 = arith.constant 0 : i32
    %dma_start3A_67 = tpu.memref_slice %arg2[%add3A_63, %dma_start3A_66] : memref<1024x2048xf32, #tpu.memory_space<hbm>> -> memref<1x2048xf32, #tpu.memory_space<hbm>>
    %dma_start3A_68 = tpu.memref_squeeze %dma_start3A_67 : memref<1x2048xf32, #tpu.memory_space<hbm>> -> memref<2048xf32, #tpu.memory_space<hbm>>
    %dma_start3A_69 = arith.constant 10240 : i32
    %dma_start3A_70 = tpu.memref_slice %arg5[%dma_start3A_69] : memref<65536xf32, #tpu.memory_space<vmem>> -> memref<2048xf32, #tpu.memory_space<vmem>>
    %dma_start3A_71 = arith.constant 0 : i32
    %dma_start3A_72 = tpu.memref_slice %arg2[%add3A_63, %dma_start3A_71] : memref<1024x2048xf32, #tpu.memory_space<hbm>> -> memref<1x2048xf32, #tpu.memory_space<hbm>>
    %dma_start3A_73 = tpu.memref_squeeze %dma_start3A_72 : memref<1x2048xf32, #tpu.memory_space<hbm>> -> memref<2048xf32, #tpu.memory_space<hbm>>
    tpu.enqueue_dma source(%dma_start3A_73 : memref<2048xf32, #tpu.memory_space<hbm>>) target(%dma_start3A_70 : memref<2048xf32, #tpu.memory_space<vmem>>) target_semaphore(%arg9 : memref<!tpu.dma_semaphore, #tpu.memory_space<semaphore_mem>>)
    %add3A_74 = arith.constant 6 : i32
    %add3A_75 = arith.addi %mul3A_2, %add3A_74 : i32
    %dma_start3A_76 = arith.constant 12288 : i32
    %dma_start3A_77 = tpu.memref_slice %arg5[%dma_start3A_76] : memref<65536xf32, #tpu.memory_space<vmem>> -> memref<2048xf32, #tpu.memory_space<vmem>>
    %dma_start3A_78 = arith.constant 0 : i32
    %dma_start3A_79 = tpu.memref_slice %arg2[%add3A_75, %dma_start3A_78] : memref<1024x2048xf32, #tpu.memory_space<hbm>> -> memref<1x2048xf32, #tpu.memory_space<hbm>>
    %dma_start3A_80 = tpu.memref_squeeze %dma_start3A_79 : memref<1x2048xf32, #tpu.memory_space<hbm>> -> memref<2048xf32, #tpu.memory_space<hbm>>
    %dma_start3A_81 = arith.constant 12288 : i32
    %dma_start3A_82 = tpu.memref_slice %arg5[%dma_start3A_81] : memref<65536xf32, #tpu.memory_space<vmem>> -> memref<2048xf32, #tpu.memory_space<vmem>>
    %dma_start3A_83 = arith.constant 0 : i32
    %dma_start3A_84 = tpu.memref_slice %arg2[%add3A_75, %dma_start3A_83] : memref<1024x2048xf32, #tpu.memory_space<hbm>> -> memref<1x2048xf32, #tpu.memory_space<hbm>>
    %dma_start3A_85 = tpu.memref_squeeze %dma_start3A_84 : memref<1x2048xf32, #tpu.memory_space<hbm>> -> memref<2048xf32, #tpu.memory_space<hbm>>
    tpu.enqueue_dma source(%dma_start3A_85 : memref<2048xf32, #tpu.memory_space<hbm>>) target(%dma_start3A_82 : memref<2048xf32, #tpu.memory_space<vmem>>) target_semaphore(%arg9 : memref<!tpu.dma_semaphore, #tpu.memory_space<semaphore_mem>>)
    %add3A_86 = arith.constant 7 : i32
    %add3A_87 = arith.addi %mul3A_2, %add3A_86 : i32
    %dma_start3A_88 = arith.constant 14336 : i32
    %dma_start3A_89 = tpu.memref_slice %arg5[%dma_start3A_88] : memref<65536xf32, #tpu.memory_space<vmem>> -> memref<2048xf32, #tpu.memory_space<vmem>>
    %dma_start3A_90 = arith.constant 0 : i32
    %dma_start3A_91 = tpu.memref_slice %arg2[%add3A_87, %dma_start3A_90] : memref<1024x2048xf32, #tpu.memory_space<hbm>> -> memref<1x2048xf32, #tpu.memory_space<hbm>>
    %dma_start3A_92 = tpu.memref_squeeze %dma_start3A_91 : memref<1x2048xf32, #tpu.memory_space<hbm>> -> memref<2048xf32, #tpu.memory_space<hbm>>
    %dma_start3A_93 = arith.constant 14336 : i32
    %dma_start3A_94 = tpu.memref_slice %arg5[%dma_start3A_93] : memref<65536xf32, #tpu.memory_space<vmem>> -> memref<2048xf32, #tpu.memory_space<vmem>>
    %dma_start3A_95 = arith.constant 0 : i32
    %dma_start3A_96 = tpu.memref_slice %arg2[%add3A_87, %dma_start3A_95] : memref<1024x2048xf32, #tpu.memory_space<hbm>> -> memref<1x2048xf32, #tpu.memory_space<hbm>>
    %dma_start3A_97 = tpu.memref_squeeze %dma_start3A_96 : memref<1x2048xf32, #tpu.memory_space<hbm>> -> memref<2048xf32, #tpu.memory_space<hbm>>
    tpu.enqueue_dma source(%dma_start3A_97 : memref<2048xf32, #tpu.memory_space<hbm>>) target(%dma_start3A_94 : memref<2048xf32, #tpu.memory_space<vmem>>) target_semaphore(%arg9 : memref<!tpu.dma_semaphore, #tpu.memory_space<semaphore_mem>>)
    %add3A_98 = arith.constant 8 : i32
    %add3A_99 = arith.addi %mul3A_2, %add3A_98 : i32
    %dma_start3A_100 = arith.constant 16384 : i32
    %dma_start3A_101 = tpu.memref_slice %arg5[%dma_start3A_100] : memref<65536xf32, #tpu.memory_space<vmem>> -> memref<2048xf32, #tpu.memory_space<vmem>>
    %dma_start3A_102 = arith.constant 0 : i32
    %dma_start3A_103 = tpu.memref_slice %arg2[%add3A_99, %dma_start3A_102] : memref<1024x2048xf32, #tpu.memory_space<hbm>> -> memref<1x2048xf32, #tpu.memory_space<hbm>>
    %dma_start3A_104 = tpu.memref_squeeze %dma_start3A_103 : memref<1x2048xf32, #tpu.memory_space<hbm>> -> memref<2048xf32, #tpu.memory_space<hbm>>
    %dma_start3A_105 = arith.constant 16384 : i32
    %dma_start3A_106 = tpu.memref_slice %arg5[%dma_start3A_105] : memref<65536xf32, #tpu.memory_space<vmem>> -> memref<2048xf32, #tpu.memory_space<vmem>>
    %dma_start3A_107 = arith.constant 0 : i32
    %dma_start3A_108 = tpu.memref_slice %arg2[%add3A_99, %dma_start3A_107] : memref<1024x2048xf32, #tpu.memory_space<hbm>> -> memref<1x2048xf32, #tpu.memory_space<hbm>>
    %dma_start3A_109 = tpu.memref_squeeze %dma_start3A_108 : memref<1x2048xf32, #tpu.memory_space<hbm>> -> memref<2048xf32, #tpu.memory_space<hbm>>
    tpu.enqueue_dma source(%dma_start3A_109 : memref<2048xf32, #tpu.memory_space<hbm>>) target(%dma_start3A_106 : memref<2048xf32, #tpu.memory_space<vmem>>) target_semaphore(%arg9 : memref<!tpu.dma_semaphore, #tpu.memory_space<semaphore_mem>>)
    %add3A_110 = arith.constant 9 : i32
    %add3A_111 = arith.addi %mul3A_2, %add3A_110 : i32
    %dma_start3A_112 = arith.constant 18432 : i32
    %dma_start3A_113 = tpu.memref_slice %arg5[%dma_start3A_112] : memref<65536xf32, #tpu.memory_space<vmem>> -> memref<2048xf32, #tpu.memory_space<vmem>>
    %dma_start3A_114 = arith.constant 0 : i32
    %dma_start3A_115 = tpu.memref_slice %arg2[%add3A_111, %dma_start3A_114] : memref<1024x2048xf32, #tpu.memory_space<hbm>> -> memref<1x2048xf32, #tpu.memory_space<hbm>>
    %dma_start3A_116 = tpu.memref_squeeze %dma_start3A_115 : memref<1x2048xf32, #tpu.memory_space<hbm>> -> memref<2048xf32, #tpu.memory_space<hbm>>
    %dma_start3A_117 = arith.constant 18432 : i32
    %dma_start3A_118 = tpu.memref_slice %arg5[%dma_start3A_117] : memref<65536xf32, #tpu.memory_space<vmem>> -> memref<2048xf32, #tpu.memory_space<vmem>>
    %dma_start3A_119 = arith.constant 0 : i32
    %dma_start3A_120 = tpu.memref_slice %arg2[%add3A_111, %dma_start3A_119] : memref<1024x2048xf32, #tpu.memory_space<hbm>> -> memref<1x2048xf32, #tpu.memory_space<hbm>>
    %dma_start3A_121 = tpu.memref_squeeze %dma_start3A_120 : memref<1x2048xf32, #tpu.memory_space<hbm>> -> memref<2048xf32, #tpu.memory_space<hbm>>
    tpu.enqueue_dma source(%dma_start3A_121 : memref<2048xf32, #tpu.memory_space<hbm>>) target(%dma_start3A_118 : memref<2048xf32, #tpu.memory_space<vmem>>) target_semaphore(%arg9 : memref<!tpu.dma_semaphore, #tpu.memory_space<semaphore_mem>>)
    %add3A_122 = arith.constant 10 : i32
    %add3A_123 = arith.addi %mul3A_2, %add3A_122 : i32
    %dma_start3A_124 = arith.constant 20480 : i32
    %dma_start3A_125 = tpu.memref_slice %arg5[%dma_start3A_124] : memref<65536xf32, #tpu.memory_space<vmem>> -> memref<2048xf32, #tpu.memory_space<vmem>>
    %dma_start3A_126 = arith.constant 0 : i32
    %dma_start3A_127 = tpu.memref_slice %arg2[%add3A_123, %dma_start3A_126] : memref<1024x2048xf32, #tpu.memory_space<hbm>> -> memref<1x2048xf32, #tpu.memory_space<hbm>>
    %dma_start3A_128 = tpu.memref_squeeze %dma_start3A_127 : memref<1x2048xf32, #tpu.memory_space<hbm>> -> memref<2048xf32, #tpu.memory_space<hbm>>
    %dma_start3A_129 = arith.constant 20480 : i32
    %dma_start3A_130 = tpu.memref_slice %arg5[%dma_start3A_129] : memref<65536xf32, #tpu.memory_space<vmem>> -> memref<2048xf32, #tpu.memory_space<vmem>>
    %dma_start3A_131 = arith.constant 0 : i32
    %dma_start3A_132 = tpu.memref_slice %arg2[%add3A_123, %dma_start3A_131] : memref<1024x2048xf32, #tpu.memory_space<hbm>> -> memref<1x2048xf32, #tpu.memory_space<hbm>>
    %dma_start3A_133 = tpu.memref_squeeze %dma_start3A_132 : memref<1x2048xf32, #tpu.memory_space<hbm>> -> memref<2048xf32, #tpu.memory_space<hbm>>
    tpu.enqueue_dma source(%dma_start3A_133 : memref<2048xf32, #tpu.memory_space<hbm>>) target(%dma_start3A_130 : memref<2048xf32, #tpu.memory_space<vmem>>) target_semaphore(%arg9 : memref<!tpu.dma_semaphore, #tpu.memory_space<semaphore_mem>>)
    %add3A_134 = arith.constant 11 : i32
    %add3A_135 = arith.addi %mul3A_2, %add3A_134 : i32
    %dma_start3A_136 = arith.constant 22528 : i32
    %dma_start3A_137 = tpu.memref_slice %arg5[%dma_start3A_136] : memref<65536xf32, #tpu.memory_space<vmem>> -> memref<2048xf32, #tpu.memory_space<vmem>>
    %dma_start3A_138 = arith.constant 0 : i32
    %dma_start3A_139 = tpu.memref_slice %arg2[%add3A_135, %dma_start3A_138] : memref<1024x2048xf32, #tpu.memory_space<hbm>> -> memref<1x2048xf32, #tpu.memory_space<hbm>>
    %dma_start3A_140 = tpu.memref_squeeze %dma_start3A_139 : memref<1x2048xf32, #tpu.memory_space<hbm>> -> memref<2048xf32, #tpu.memory_space<hbm>>
    %dma_start3A_141 = arith.constant 22528 : i32
    %dma_start3A_142 = tpu.memref_slice %arg5[%dma_start3A_141] : memref<65536xf32, #tpu.memory_space<vmem>> -> memref<2048xf32, #tpu.memory_space<vmem>>
    %dma_start3A_143 = arith.constant 0 : i32
    %dma_start3A_144 = tpu.memref_slice %arg2[%add3A_135, %dma_start3A_143] : memref<1024x2048xf32, #tpu.memory_space<hbm>> -> memref<1x2048xf32, #tpu.memory_space<hbm>>
    %dma_start3A_145 = tpu.memref_squeeze %dma_start3A_144 : memref<1x2048xf32, #tpu.memory_space<hbm>> -> memref<2048xf32, #tpu.memory_space<hbm>>
    tpu.enqueue_dma source(%dma_start3A_145 : memref<2048xf32, #tpu.memory_space<hbm>>) target(%dma_start3A_142 : memref<2048xf32, #tpu.memory_space<vmem>>) target_semaphore(%arg9 : memref<!tpu.dma_semaphore, #tpu.memory_space<semaphore_mem>>)
    %add3A_146 = arith.constant 12 : i32
    %add3A_147 = arith.addi %mul3A_2, %add3A_146 : i32
    %dma_start3A_148 = arith.constant 24576 : i32
    %dma_start3A_149 = tpu.memref_slice %arg5[%dma_start3A_148] : memref<65536xf32, #tpu.memory_space<vmem>> -> memref<2048xf32, #tpu.memory_space<vmem>>
    %dma_start3A_150 = arith.constant 0 : i32
    %dma_start3A_151 = tpu.memref_slice %arg2[%add3A_147, %dma_start3A_150] : memref<1024x2048xf32, #tpu.memory_space<hbm>> -> memref<1x2048xf32, #tpu.memory_space<hbm>>
    %dma_start3A_152 = tpu.memref_squeeze %dma_start3A_151 : memref<1x2048xf32, #tpu.memory_space<hbm>> -> memref<2048xf32, #tpu.memory_space<hbm>>
    %dma_start3A_153 = arith.constant 24576 : i32
    %dma_start3A_154 = tpu.memref_slice %arg5[%dma_start3A_153] : memref<65536xf32, #tpu.memory_space<vmem>> -> memref<2048xf32, #tpu.memory_space<vmem>>
    %dma_start3A_155 = arith.constant 0 : i32
    %dma_start3A_156 = tpu.memref_slice %arg2[%add3A_147, %dma_start3A_155] : memref<1024x2048xf32, #tpu.memory_space<hbm>> -> memref<1x2048xf32, #tpu.memory_space<hbm>>
    %dma_start3A_157 = tpu.memref_squeeze %dma_start3A_156 : memref<1x2048xf32, #tpu.memory_space<hbm>> -> memref<2048xf32, #tpu.memory_space<hbm>>
    tpu.enqueue_dma source(%dma_start3A_157 : memref<2048xf32, #tpu.memory_space<hbm>>) target(%dma_start3A_154 : memref<2048xf32, #tpu.memory_space<vmem>>) target_semaphore(%arg9 : memref<!tpu.dma_semaphore, #tpu.memory_space<semaphore_mem>>)
    %add3A_158 = arith.constant 13 : i32
    %add3A_159 = arith.addi %mul3A_2, %add3A_158 : i32
    %dma_start3A_160 = arith.constant 26624 : i32
    %dma_start3A_161 = tpu.memref_slice %arg5[%dma_start3A_160] : memref<65536xf32, #tpu.memory_space<vmem>> -> memref<2048xf32, #tpu.memory_space<vmem>>
    %dma_start3A_162 = arith.constant 0 : i32
    %dma_start3A_163 = tpu.memref_slice %arg2[%add3A_159, %dma_start3A_162] : memref<1024x2048xf32, #tpu.memory_space<hbm>> -> memref<1x2048xf32, #tpu.memory_space<hbm>>
    %dma_start3A_164 = tpu.memref_squeeze %dma_start3A_163 : memref<1x2048xf32, #tpu.memory_space<hbm>> -> memref<2048xf32, #tpu.memory_space<hbm>>
    %dma_start3A_165 = arith.constant 26624 : i32
    %dma_start3A_166 = tpu.memref_slice %arg5[%dma_start3A_165] : memref<65536xf32, #tpu.memory_space<vmem>> -> memref<2048xf32, #tpu.memory_space<vmem>>
    %dma_start3A_167 = arith.constant 0 : i32
    %dma_start3A_168 = tpu.memref_slice %arg2[%add3A_159, %dma_start3A_167] : memref<1024x2048xf32, #tpu.memory_space<hbm>> -> memref<1x2048xf32, #tpu.memory_space<hbm>>
    %dma_start3A_169 = tpu.memref_squeeze %dma_start3A_168 : memref<1x2048xf32, #tpu.memory_space<hbm>> -> memref<2048xf32, #tpu.memory_space<hbm>>
    tpu.enqueue_dma source(%dma_start3A_169 : memref<2048xf32, #tpu.memory_space<hbm>>) target(%dma_start3A_166 : memref<2048xf32, #tpu.memory_space<vmem>>) target_semaphore(%arg9 : memref<!tpu.dma_semaphore, #tpu.memory_space<semaphore_mem>>)
    %add3A_170 = arith.constant 14 : i32
    %add3A_171 = arith.addi %mul3A_2, %add3A_170 : i32
    %dma_start3A_172 = arith.constant 28672 : i32
    %dma_start3A_173 = tpu.memref_slice %arg5[%dma_start3A_172] : memref<65536xf32, #tpu.memory_space<vmem>> -> memref<2048xf32, #tpu.memory_space<vmem>>
    %dma_start3A_174 = arith.constant 0 : i32
    %dma_start3A_175 = tpu.memref_slice %arg2[%add3A_171, %dma_start3A_174] : memref<1024x2048xf32, #tpu.memory_space<hbm>> -> memref<1x2048xf32, #tpu.memory_space<hbm>>
    %dma_start3A_176 = tpu.memref_squeeze %dma_start3A_175 : memref<1x2048xf32, #tpu.memory_space<hbm>> -> memref<2048xf32, #tpu.memory_space<hbm>>
    %dma_start3A_177 = arith.constant 28672 : i32
    %dma_start3A_178 = tpu.memref_slice %arg5[%dma_start3A_177] : memref<65536xf32, #tpu.memory_space<vmem>> -> memref<2048xf32, #tpu.memory_space<vmem>>
    %dma_start3A_179 = arith.constant 0 : i32
    %dma_start3A_180 = tpu.memref_slice %arg2[%add3A_171, %dma_start3A_179] : memref<1024x2048xf32, #tpu.memory_space<hbm>> -> memref<1x2048xf32, #tpu.memory_space<hbm>>
    %dma_start3A_181 = tpu.memref_squeeze %dma_start3A_180 : memref<1x2048xf32, #tpu.memory_space<hbm>> -> memref<2048xf32, #tpu.memory_space<hbm>>
    tpu.enqueue_dma source(%dma_start3A_181 : memref<2048xf32, #tpu.memory_space<hbm>>) target(%dma_start3A_178 : memref<2048xf32, #tpu.memory_space<vmem>>) target_semaphore(%arg9 : memref<!tpu.dma_semaphore, #tpu.memory_space<semaphore_mem>>)
    %add3A_182 = arith.constant 15 : i32
    %add3A_183 = arith.addi %mul3A_2, %add3A_182 : i32
    %dma_start3A_184 = arith.constant 30720 : i32
    %dma_start3A_185 = tpu.memref_slice %arg5[%dma_start3A_184] : memref<65536xf32, #tpu.memory_space<vmem>> -> memref<2048xf32, #tpu.memory_space<vmem>>
    %dma_start3A_186 = arith.constant 0 : i32
    %dma_start3A_187 = tpu.memref_slice %arg2[%add3A_183, %dma_start3A_186] : memref<1024x2048xf32, #tpu.memory_space<hbm>> -> memref<1x2048xf32, #tpu.memory_space<hbm>>
    %dma_start3A_188 = tpu.memref_squeeze %dma_start3A_187 : memref<1x2048xf32, #tpu.memory_space<hbm>> -> memref<2048xf32, #tpu.memory_space<hbm>>
    %dma_start3A_189 = arith.constant 30720 : i32
    %dma_start3A_190 = tpu.memref_slice %arg5[%dma_start3A_189] : memref<65536xf32, #tpu.memory_space<vmem>> -> memref<2048xf32, #tpu.memory_space<vmem>>
    %dma_start3A_191 = arith.constant 0 : i32
    %dma_start3A_192 = tpu.memref_slice %arg2[%add3A_183, %dma_start3A_191] : memref<1024x2048xf32, #tpu.memory_space<hbm>> -> memref<1x2048xf32, #tpu.memory_space<hbm>>
    %dma_start3A_193 = tpu.memref_squeeze %dma_start3A_192 : memref<1x2048xf32, #tpu.memory_space<hbm>> -> memref<2048xf32, #tpu.memory_space<hbm>>
    tpu.enqueue_dma source(%dma_start3A_193 : memref<2048xf32, #tpu.memory_space<hbm>>) target(%dma_start3A_190 : memref<2048xf32, #tpu.memory_space<vmem>>) target_semaphore(%arg9 : memref<!tpu.dma_semaphore, #tpu.memory_space<semaphore_mem>>)
    %add3A_194 = arith.constant 16 : i32
    %add3A_195 = arith.addi %mul3A_2, %add3A_194 : i32
    %dma_start3A_196 = arith.constant 32768 : i32
    %dma_start3A_197 = tpu.memref_slice %arg5[%dma_start3A_196] : memref<65536xf32, #tpu.memory_space<vmem>> -> memref<2048xf32, #tpu.memory_space<vmem>>
    %dma_start3A_198 = arith.constant 0 : i32
    %dma_start3A_199 = tpu.memref_slice %arg2[%add3A_195, %dma_start3A_198] : memref<1024x2048xf32, #tpu.memory_space<hbm>> -> memref<1x2048xf32, #tpu.memory_space<hbm>>
    %dma_start3A_200 = tpu.memref_squeeze %dma_start3A_199 : memref<1x2048xf32, #tpu.memory_space<hbm>> -> memref<2048xf32, #tpu.memory_space<hbm>>
    %dma_start3A_201 = arith.constant 32768 : i32
    %dma_start3A_202 = tpu.memref_slice %arg5[%dma_start3A_201] : memref<65536xf32, #tpu.memory_space<vmem>> -> memref<2048xf32, #tpu.memory_space<vmem>>
    %dma_start3A_203 = arith.constant 0 : i32
    %dma_start3A_204 = tpu.memref_slice %arg2[%add3A_195, %dma_start3A_203] : memref<1024x2048xf32, #tpu.memory_space<hbm>> -> memref<1x2048xf32, #tpu.memory_space<hbm>>
    %dma_start3A_205 = tpu.memref_squeeze %dma_start3A_204 : memref<1x2048xf32, #tpu.memory_space<hbm>> -> memref<2048xf32, #tpu.memory_space<hbm>>
    tpu.enqueue_dma source(%dma_start3A_205 : memref<2048xf32, #tpu.memory_space<hbm>>) target(%dma_start3A_202 : memref<2048xf32, #tpu.memory_space<vmem>>) target_semaphore(%arg9 : memref<!tpu.dma_semaphore, #tpu.memory_space<semaphore_mem>>)
    %add3A_206 = arith.constant 17 : i32
    %add3A_207 = arith.addi %mul3A_2, %add3A_206 : i32
    %dma_start3A_208 = arith.constant 34816 : i32
    %dma_start3A_209 = tpu.memref_slice %arg5[%dma_start3A_208] : memref<65536xf32, #tpu.memory_space<vmem>> -> memref<2048xf32, #tpu.memory_space<vmem>>
    %dma_start3A_210 = arith.constant 0 : i32
    %dma_start3A_211 = tpu.memref_slice %arg2[%add3A_207, %dma_start3A_210] : memref<1024x2048xf32, #tpu.memory_space<hbm>> -> memref<1x2048xf32, #tpu.memory_space<hbm>>
    %dma_start3A_212 = tpu.memref_squeeze %dma_start3A_211 : memref<1x2048xf32, #tpu.memory_space<hbm>> -> memref<2048xf32, #tpu.memory_space<hbm>>
    %dma_start3A_213 = arith.constant 34816 : i32
    %dma_start3A_214 = tpu.memref_slice %arg5[%dma_start3A_213] : memref<65536xf32, #tpu.memory_space<vmem>> -> memref<2048xf32, #tpu.memory_space<vmem>>
    %dma_start3A_215 = arith.constant 0 : i32
    %dma_start3A_216 = tpu.memref_slice %arg2[%add3A_207, %dma_start3A_215] : memref<1024x2048xf32, #tpu.memory_space<hbm>> -> memref<1x2048xf32, #tpu.memory_space<hbm>>
    %dma_start3A_217 = tpu.memref_squeeze %dma_start3A_216 : memref<1x2048xf32, #tpu.memory_space<hbm>> -> memref<2048xf32, #tpu.memory_space<hbm>>
    tpu.enqueue_dma source(%dma_start3A_217 : memref<2048xf32, #tpu.memory_space<hbm>>) target(%dma_start3A_214 : memref<2048xf32, #tpu.memory_space<vmem>>) target_semaphore(%arg9 : memref<!tpu.dma_semaphore, #tpu.memory_space<semaphore_mem>>)
    %add3A_218 = arith.constant 18 : i32
    %add3A_219 = arith.addi %mul3A_2, %add3A_218 : i32
    %dma_start3A_220 = arith.constant 36864 : i32
    %dma_start3A_221 = tpu.memref_slice %arg5[%dma_start3A_220] : memref<65536xf32, #tpu.memory_space<vmem>> -> memref<2048xf32, #tpu.memory_space<vmem>>
    %dma_start3A_222 = arith.constant 0 : i32
    %dma_start3A_223 = tpu.memref_slice %arg2[%add3A_219, %dma_start3A_222] : memref<1024x2048xf32, #tpu.memory_space<hbm>> -> memref<1x2048xf32, #tpu.memory_space<hbm>>
    %dma_start3A_224 = tpu.memref_squeeze %dma_start3A_223 : memref<1x2048xf32, #tpu.memory_space<hbm>> -> memref<2048xf32, #tpu.memory_space<hbm>>
    %dma_start3A_225 = arith.constant 36864 : i32
    %dma_start3A_226 = tpu.memref_slice %arg5[%dma_start3A_225] : memref<65536xf32, #tpu.memory_space<vmem>> -> memref<2048xf32, #tpu.memory_space<vmem>>
    %dma_start3A_227 = arith.constant 0 : i32
    %dma_start3A_228 = tpu.memref_slice %arg2[%add3A_219, %dma_start3A_227] : memref<1024x2048xf32, #tpu.memory_space<hbm>> -> memref<1x2048xf32, #tpu.memory_space<hbm>>
    %dma_start3A_229 = tpu.memref_squeeze %dma_start3A_228 : memref<1x2048xf32, #tpu.memory_space<hbm>> -> memref<2048xf32, #tpu.memory_space<hbm>>
    tpu.enqueue_dma source(%dma_start3A_229 : memref<2048xf32, #tpu.memory_space<hbm>>) target(%dma_start3A_226 : memref<2048xf32, #tpu.memory_space<vmem>>) target_semaphore(%arg9 : memref<!tpu.dma_semaphore, #tpu.memory_space<semaphore_mem>>)
    %add3A_230 = arith.constant 19 : i32
    %add3A_231 = arith.addi %mul3A_2, %add3A_230 : i32
    %dma_start3A_232 = arith.constant 38912 : i32
    %dma_start3A_233 = tpu.memref_slice %arg5[%dma_start3A_232] : memref<65536xf32, #tpu.memory_space<vmem>> -> memref<2048xf32, #tpu.memory_space<vmem>>
    %dma_start3A_234 = arith.constant 0 : i32
    %dma_start3A_235 = tpu.memref_slice %arg2[%add3A_231, %dma_start3A_234] : memref<1024x2048xf32, #tpu.memory_space<hbm>> -> memref<1x2048xf32, #tpu.memory_space<hbm>>
    %dma_start3A_236 = tpu.memref_squeeze %dma_start3A_235 : memref<1x2048xf32, #tpu.memory_space<hbm>> -> memref<2048xf32, #tpu.memory_space<hbm>>
    %dma_start3A_237 = arith.constant 38912 : i32
    %dma_start3A_238 = tpu.memref_slice %arg5[%dma_start3A_237] : memref<65536xf32, #tpu.memory_space<vmem>> -> memref<2048xf32, #tpu.memory_space<vmem>>
    %dma_start3A_239 = arith.constant 0 : i32
    %dma_start3A_240 = tpu.memref_slice %arg2[%add3A_231, %dma_start3A_239] : memref<1024x2048xf32, #tpu.memory_space<hbm>> -> memref<1x2048xf32, #tpu.memory_space<hbm>>
    %dma_start3A_241 = tpu.memref_squeeze %dma_start3A_240 : memref<1x2048xf32, #tpu.memory_space<hbm>> -> memref<2048xf32, #tpu.memory_space<hbm>>
    tpu.enqueue_dma source(%dma_start3A_241 : memref<2048xf32, #tpu.memory_space<hbm>>) target(%dma_start3A_238 : memref<2048xf32, #tpu.memory_space<vmem>>) target_semaphore(%arg9 : memref<!tpu.dma_semaphore, #tpu.memory_space<semaphore_mem>>)
    %add3A_242 = arith.constant 20 : i32
    %add3A_243 = arith.addi %mul3A_2, %add3A_242 : i32
    %dma_start3A_244 = arith.constant 40960 : i32
    %dma_start3A_245 = tpu.memref_slice %arg5[%dma_start3A_244] : memref<65536xf32, #tpu.memory_space<vmem>> -> memref<2048xf32, #tpu.memory_space<vmem>>
    %dma_start3A_246 = arith.constant 0 : i32
    %dma_start3A_247 = tpu.memref_slice %arg2[%add3A_243, %dma_start3A_246] : memref<1024x2048xf32, #tpu.memory_space<hbm>> -> memref<1x2048xf32, #tpu.memory_space<hbm>>
    %dma_start3A_248 = tpu.memref_squeeze %dma_start3A_247 : memref<1x2048xf32, #tpu.memory_space<hbm>> -> memref<2048xf32, #tpu.memory_space<hbm>>
    %dma_start3A_249 = arith.constant 40960 : i32
    %dma_start3A_250 = tpu.memref_slice %arg5[%dma_start3A_249] : memref<65536xf32, #tpu.memory_space<vmem>> -> memref<2048xf32, #tpu.memory_space<vmem>>
    %dma_start3A_251 = arith.constant 0 : i32
    %dma_start3A_252 = tpu.memref_slice %arg2[%add3A_243, %dma_start3A_251] : memref<1024x2048xf32, #tpu.memory_space<hbm>> -> memref<1x2048xf32, #tpu.memory_space<hbm>>
    %dma_start3A_253 = tpu.memref_squeeze %dma_start3A_252 : memref<1x2048xf32, #tpu.memory_space<hbm>> -> memref<2048xf32, #tpu.memory_space<hbm>>
    tpu.enqueue_dma source(%dma_start3A_253 : memref<2048xf32, #tpu.memory_space<hbm>>) target(%dma_start3A_250 : memref<2048xf32, #tpu.memory_space<vmem>>) target_semaphore(%arg9 : memref<!tpu.dma_semaphore, #tpu.memory_space<semaphore_mem>>)
    %add3A_254 = arith.constant 21 : i32
    %add3A_255 = arith.addi %mul3A_2, %add3A_254 : i32
    %dma_start3A_256 = arith.constant 43008 : i32
    %dma_start3A_257 = tpu.memref_slice %arg5[%dma_start3A_256] : memref<65536xf32, #tpu.memory_space<vmem>> -> memref<2048xf32, #tpu.memory_space<vmem>>
    %dma_start3A_258 = arith.constant 0 : i32
    %dma_start3A_259 = tpu.memref_slice %arg2[%add3A_255, %dma_start3A_258] : memref<1024x2048xf32, #tpu.memory_space<hbm>> -> memref<1x2048xf32, #tpu.memory_space<hbm>>
    %dma_start3A_260 = tpu.memref_squeeze %dma_start3A_259 : memref<1x2048xf32, #tpu.memory_space<hbm>> -> memref<2048xf32, #tpu.memory_space<hbm>>
    %dma_start3A_261 = arith.constant 43008 : i32
    %dma_start3A_262 = tpu.memref_slice %arg5[%dma_start3A_261] : memref<65536xf32, #tpu.memory_space<vmem>> -> memref<2048xf32, #tpu.memory_space<vmem>>
    %dma_start3A_263 = arith.constant 0 : i32
    %dma_start3A_264 = tpu.memref_slice %arg2[%add3A_255, %dma_start3A_263] : memref<1024x2048xf32, #tpu.memory_space<hbm>> -> memref<1x2048xf32, #tpu.memory_space<hbm>>
    %dma_start3A_265 = tpu.memref_squeeze %dma_start3A_264 : memref<1x2048xf32, #tpu.memory_space<hbm>> -> memref<2048xf32, #tpu.memory_space<hbm>>
    tpu.enqueue_dma source(%dma_start3A_265 : memref<2048xf32, #tpu.memory_space<hbm>>) target(%dma_start3A_262 : memref<2048xf32, #tpu.memory_space<vmem>>) target_semaphore(%arg9 : memref<!tpu.dma_semaphore, #tpu.memory_space<semaphore_mem>>)
    %add3A_266 = arith.constant 22 : i32
    %add3A_267 = arith.addi %mul3A_2, %add3A_266 : i32
    %dma_start3A_268 = arith.constant 45056 : i32
    %dma_start3A_269 = tpu.memref_slice %arg5[%dma_start3A_268] : memref<65536xf32, #tpu.memory_space<vmem>> -> memref<2048xf32, #tpu.memory_space<vmem>>
    %dma_start3A_270 = arith.constant 0 : i32
    %dma_start3A_271 = tpu.memref_slice %arg2[%add3A_267, %dma_start3A_270] : memref<1024x2048xf32, #tpu.memory_space<hbm>> -> memref<1x2048xf32, #tpu.memory_space<hbm>>
    %dma_start3A_272 = tpu.memref_squeeze %dma_start3A_271 : memref<1x2048xf32, #tpu.memory_space<hbm>> -> memref<2048xf32, #tpu.memory_space<hbm>>
    %dma_start3A_273 = arith.constant 45056 : i32
    %dma_start3A_274 = tpu.memref_slice %arg5[%dma_start3A_273] : memref<65536xf32, #tpu.memory_space<vmem>> -> memref<2048xf32, #tpu.memory_space<vmem>>
    %dma_start3A_275 = arith.constant 0 : i32
    %dma_start3A_276 = tpu.memref_slice %arg2[%add3A_267, %dma_start3A_275] : memref<1024x2048xf32, #tpu.memory_space<hbm>> -> memref<1x2048xf32, #tpu.memory_space<hbm>>
    %dma_start3A_277 = tpu.memref_squeeze %dma_start3A_276 : memref<1x2048xf32, #tpu.memory_space<hbm>> -> memref<2048xf32, #tpu.memory_space<hbm>>
    tpu.enqueue_dma source(%dma_start3A_277 : memref<2048xf32, #tpu.memory_space<hbm>>) target(%dma_start3A_274 : memref<2048xf32, #tpu.memory_space<vmem>>) target_semaphore(%arg9 : memref<!tpu.dma_semaphore, #tpu.memory_space<semaphore_mem>>)
    %add3A_278 = arith.constant 23 : i32
    %add3A_279 = arith.addi %mul3A_2, %add3A_278 : i32
    %dma_start3A_280 = arith.constant 47104 : i32
    %dma_start3A_281 = tpu.memref_slice %arg5[%dma_start3A_280] : memref<65536xf32, #tpu.memory_space<vmem>> -> memref<2048xf32, #tpu.memory_space<vmem>>
    %dma_start3A_282 = arith.constant 0 : i32
    %dma_start3A_283 = tpu.memref_slice %arg2[%add3A_279, %dma_start3A_282] : memref<1024x2048xf32, #tpu.memory_space<hbm>> -> memref<1x2048xf32, #tpu.memory_space<hbm>>
    %dma_start3A_284 = tpu.memref_squeeze %dma_start3A_283 : memref<1x2048xf32, #tpu.memory_space<hbm>> -> memref<2048xf32, #tpu.memory_space<hbm>>
    %dma_start3A_285 = arith.constant 47104 : i32
    %dma_start3A_286 = tpu.memref_slice %arg5[%dma_start3A_285] : memref<65536xf32, #tpu.memory_space<vmem>> -> memref<2048xf32, #tpu.memory_space<vmem>>
    %dma_start3A_287 = arith.constant 0 : i32
    %dma_start3A_288 = tpu.memref_slice %arg2[%add3A_279, %dma_start3A_287] : memref<1024x2048xf32, #tpu.memory_space<hbm>> -> memref<1x2048xf32, #tpu.memory_space<hbm>>
    %dma_start3A_289 = tpu.memref_squeeze %dma_start3A_288 : memref<1x2048xf32, #tpu.memory_space<hbm>> -> memref<2048xf32, #tpu.memory_space<hbm>>
    tpu.enqueue_dma source(%dma_start3A_289 : memref<2048xf32, #tpu.memory_space<hbm>>) target(%dma_start3A_286 : memref<2048xf32, #tpu.memory_space<vmem>>) target_semaphore(%arg9 : memref<!tpu.dma_semaphore, #tpu.memory_space<semaphore_mem>>)
    %add3A_290 = arith.constant 24 : i32
    %add3A_291 = arith.addi %mul3A_2, %add3A_290 : i32
    %dma_start3A_292 = arith.constant 49152 : i32
    %dma_start3A_293 = tpu.memref_slice %arg5[%dma_start3A_292] : memref<65536xf32, #tpu.memory_space<vmem>> -> memref<2048xf32, #tpu.memory_space<vmem>>
    %dma_start3A_294 = arith.constant 0 : i32
    %dma_start3A_295 = tpu.memref_slice %arg2[%add3A_291, %dma_start3A_294] : memref<1024x2048xf32, #tpu.memory_space<hbm>> -> memref<1x2048xf32, #tpu.memory_space<hbm>>
    %dma_start3A_296 = tpu.memref_squeeze %dma_start3A_295 : memref<1x2048xf32, #tpu.memory_space<hbm>> -> memref<2048xf32, #tpu.memory_space<hbm>>
    %dma_start3A_297 = arith.constant 49152 : i32
    %dma_start3A_298 = tpu.memref_slice %arg5[%dma_start3A_297] : memref<65536xf32, #tpu.memory_space<vmem>> -> memref<2048xf32, #tpu.memory_space<vmem>>
    %dma_start3A_299 = arith.constant 0 : i32
    %dma_start3A_300 = tpu.memref_slice %arg2[%add3A_291, %dma_start3A_299] : memref<1024x2048xf32, #tpu.memory_space<hbm>> -> memref<1x2048xf32, #tpu.memory_space<hbm>>
    %dma_start3A_301 = tpu.memref_squeeze %dma_start3A_300 : memref<1x2048xf32, #tpu.memory_space<hbm>> -> memref<2048xf32, #tpu.memory_space<hbm>>
    tpu.enqueue_dma source(%dma_start3A_301 : memref<2048xf32, #tpu.memory_space<hbm>>) target(%dma_start3A_298 : memref<2048xf32, #tpu.memory_space<vmem>>) target_semaphore(%arg9 : memref<!tpu.dma_semaphore, #tpu.memory_space<semaphore_mem>>)
    %add3A_302 = arith.constant 25 : i32
    %add3A_303 = arith.addi %mul3A_2, %add3A_302 : i32
    %dma_start3A_304 = arith.constant 51200 : i32
    %dma_start3A_305 = tpu.memref_slice %arg5[%dma_start3A_304] : memref<65536xf32, #tpu.memory_space<vmem>> -> memref<2048xf32, #tpu.memory_space<vmem>>
    %dma_start3A_306 = arith.constant 0 : i32
    %dma_start3A_307 = tpu.memref_slice %arg2[%add3A_303, %dma_start3A_306] : memref<1024x2048xf32, #tpu.memory_space<hbm>> -> memref<1x2048xf32, #tpu.memory_space<hbm>>
    %dma_start3A_308 = tpu.memref_squeeze %dma_start3A_307 : memref<1x2048xf32, #tpu.memory_space<hbm>> -> memref<2048xf32, #tpu.memory_space<hbm>>
    %dma_start3A_309 = arith.constant 51200 : i32
    %dma_start3A_310 = tpu.memref_slice %arg5[%dma_start3A_309] : memref<65536xf32, #tpu.memory_space<vmem>> -> memref<2048xf32, #tpu.memory_space<vmem>>
    %dma_start3A_311 = arith.constant 0 : i32
    %dma_start3A_312 = tpu.memref_slice %arg2[%add3A_303, %dma_start3A_311] : memref<1024x2048xf32, #tpu.memory_space<hbm>> -> memref<1x2048xf32, #tpu.memory_space<hbm>>
    %dma_start3A_313 = tpu.memref_squeeze %dma_start3A_312 : memref<1x2048xf32, #tpu.memory_space<hbm>> -> memref<2048xf32, #tpu.memory_space<hbm>>
    tpu.enqueue_dma source(%dma_start3A_313 : memref<2048xf32, #tpu.memory_space<hbm>>) target(%dma_start3A_310 : memref<2048xf32, #tpu.memory_space<vmem>>) target_semaphore(%arg9 : memref<!tpu.dma_semaphore, #tpu.memory_space<semaphore_mem>>)
    %add3A_314 = arith.constant 26 : i32
    %add3A_315 = arith.addi %mul3A_2, %add3A_314 : i32
    %dma_start3A_316 = arith.constant 53248 : i32
    %dma_start3A_317 = tpu.memref_slice %arg5[%dma_start3A_316] : memref<65536xf32, #tpu.memory_space<vmem>> -> memref<2048xf32, #tpu.memory_space<vmem>>
    %dma_start3A_318 = arith.constant 0 : i32
    %dma_start3A_319 = tpu.memref_slice %arg2[%add3A_315, %dma_start3A_318] : memref<1024x2048xf32, #tpu.memory_space<hbm>> -> memref<1x2048xf32, #tpu.memory_space<hbm>>
    %dma_start3A_320 = tpu.memref_squeeze %dma_start3A_319 : memref<1x2048xf32, #tpu.memory_space<hbm>> -> memref<2048xf32, #tpu.memory_space<hbm>>
    %dma_start3A_321 = arith.constant 53248 : i32
    %dma_start3A_322 = tpu.memref_slice %arg5[%dma_start3A_321] : memref<65536xf32, #tpu.memory_space<vmem>> -> memref<2048xf32, #tpu.memory_space<vmem>>
    %dma_start3A_323 = arith.constant 0 : i32
    %dma_start3A_324 = tpu.memref_slice %arg2[%add3A_315, %dma_start3A_323] : memref<1024x2048xf32, #tpu.memory_space<hbm>> -> memref<1x2048xf32, #tpu.memory_space<hbm>>
    %dma_start3A_325 = tpu.memref_squeeze %dma_start3A_324 : memref<1x2048xf32, #tpu.memory_space<hbm>> -> memref<2048xf32, #tpu.memory_space<hbm>>
    tpu.enqueue_dma source(%dma_start3A_325 : memref<2048xf32, #tpu.memory_space<hbm>>) target(%dma_start3A_322 : memref<2048xf32, #tpu.memory_space<vmem>>) target_semaphore(%arg9 : memref<!tpu.dma_semaphore, #tpu.memory_space<semaphore_mem>>)
    %add3A_326 = arith.constant 27 : i32
    %add3A_327 = arith.addi %mul3A_2, %add3A_326 : i32
    %dma_start3A_328 = arith.constant 55296 : i32
    %dma_start3A_329 = tpu.memref_slice %arg5[%dma_start3A_328] : memref<65536xf32, #tpu.memory_space<vmem>> -> memref<2048xf32, #tpu.memory_space<vmem>>
    %dma_start3A_330 = arith.constant 0 : i32
    %dma_start3A_331 = tpu.memref_slice %arg2[%add3A_327, %dma_start3A_330] : memref<1024x2048xf32, #tpu.memory_space<hbm>> -> memref<1x2048xf32, #tpu.memory_space<hbm>>
    %dma_start3A_332 = tpu.memref_squeeze %dma_start3A_331 : memref<1x2048xf32, #tpu.memory_space<hbm>> -> memref<2048xf32, #tpu.memory_space<hbm>>
    %dma_start3A_333 = arith.constant 55296 : i32
    %dma_start3A_334 = tpu.memref_slice %arg5[%dma_start3A_333] : memref<65536xf32, #tpu.memory_space<vmem>> -> memref<2048xf32, #tpu.memory_space<vmem>>
    %dma_start3A_335 = arith.constant 0 : i32
    %dma_start3A_336 = tpu.memref_slice %arg2[%add3A_327, %dma_start3A_335] : memref<1024x2048xf32, #tpu.memory_space<hbm>> -> memref<1x2048xf32, #tpu.memory_space<hbm>>
    %dma_start3A_337 = tpu.memref_squeeze %dma_start3A_336 : memref<1x2048xf32, #tpu.memory_space<hbm>> -> memref<2048xf32, #tpu.memory_space<hbm>>
    tpu.enqueue_dma source(%dma_start3A_337 : memref<2048xf32, #tpu.memory_space<hbm>>) target(%dma_start3A_334 : memref<2048xf32, #tpu.memory_space<vmem>>) target_semaphore(%arg9 : memref<!tpu.dma_semaphore, #tpu.memory_space<semaphore_mem>>)
    %add3A_338 = arith.constant 28 : i32
    %add3A_339 = arith.addi %mul3A_2, %add3A_338 : i32
    %dma_start3A_340 = arith.constant 57344 : i32
    %dma_start3A_341 = tpu.memref_slice %arg5[%dma_start3A_340] : memref<65536xf32, #tpu.memory_space<vmem>> -> memref<2048xf32, #tpu.memory_space<vmem>>
    %dma_start3A_342 = arith.constant 0 : i32
    %dma_start3A_343 = tpu.memref_slice %arg2[%add3A_339, %dma_start3A_342] : memref<1024x2048xf32, #tpu.memory_space<hbm>> -> memref<1x2048xf32, #tpu.memory_space<hbm>>
    %dma_start3A_344 = tpu.memref_squeeze %dma_start3A_343 : memref<1x2048xf32, #tpu.memory_space<hbm>> -> memref<2048xf32, #tpu.memory_space<hbm>>
    %dma_start3A_345 = arith.constant 57344 : i32
    %dma_start3A_346 = tpu.memref_slice %arg5[%dma_start3A_345] : memref<65536xf32, #tpu.memory_space<vmem>> -> memref<2048xf32, #tpu.memory_space<vmem>>
    %dma_start3A_347 = arith.constant 0 : i32
    %dma_start3A_348 = tpu.memref_slice %arg2[%add3A_339, %dma_start3A_347] : memref<1024x2048xf32, #tpu.memory_space<hbm>> -> memref<1x2048xf32, #tpu.memory_space<hbm>>
    %dma_start3A_349 = tpu.memref_squeeze %dma_start3A_348 : memref<1x2048xf32, #tpu.memory_space<hbm>> -> memref<2048xf32, #tpu.memory_space<hbm>>
    tpu.enqueue_dma source(%dma_start3A_349 : memref<2048xf32, #tpu.memory_space<hbm>>) target(%dma_start3A_346 : memref<2048xf32, #tpu.memory_space<vmem>>) target_semaphore(%arg9 : memref<!tpu.dma_semaphore, #tpu.memory_space<semaphore_mem>>)
    %add3A_350 = arith.constant 29 : i32
    %add3A_351 = arith.addi %mul3A_2, %add3A_350 : i32
    %dma_start3A_352 = arith.constant 59392 : i32
    %dma_start3A_353 = tpu.memref_slice %arg5[%dma_start3A_352] : memref<65536xf32, #tpu.memory_space<vmem>> -> memref<2048xf32, #tpu.memory_space<vmem>>
    %dma_start3A_354 = arith.constant 0 : i32
    %dma_start3A_355 = tpu.memref_slice %arg2[%add3A_351, %dma_start3A_354] : memref<1024x2048xf32, #tpu.memory_space<hbm>> -> memref<1x2048xf32, #tpu.memory_space<hbm>>
    %dma_start3A_356 = tpu.memref_squeeze %dma_start3A_355 : memref<1x2048xf32, #tpu.memory_space<hbm>> -> memref<2048xf32, #tpu.memory_space<hbm>>
    %dma_start3A_357 = arith.constant 59392 : i32
    %dma_start3A_358 = tpu.memref_slice %arg5[%dma_start3A_357] : memref<65536xf32, #tpu.memory_space<vmem>> -> memref<2048xf32, #tpu.memory_space<vmem>>
    %dma_start3A_359 = arith.constant 0 : i32
    %dma_start3A_360 = tpu.memref_slice %arg2[%add3A_351, %dma_start3A_359] : memref<1024x2048xf32, #tpu.memory_space<hbm>> -> memref<1x2048xf32, #tpu.memory_space<hbm>>
    %dma_start3A_361 = tpu.memref_squeeze %dma_start3A_360 : memref<1x2048xf32, #tpu.memory_space<hbm>> -> memref<2048xf32, #tpu.memory_space<hbm>>
    tpu.enqueue_dma source(%dma_start3A_361 : memref<2048xf32, #tpu.memory_space<hbm>>) target(%dma_start3A_358 : memref<2048xf32, #tpu.memory_space<vmem>>) target_semaphore(%arg9 : memref<!tpu.dma_semaphore, #tpu.memory_space<semaphore_mem>>)
    %add3A_362 = arith.constant 30 : i32
    %add3A_363 = arith.addi %mul3A_2, %add3A_362 : i32
    %dma_start3A_364 = arith.constant 61440 : i32
    %dma_start3A_365 = tpu.memref_slice %arg5[%dma_start3A_364] : memref<65536xf32, #tpu.memory_space<vmem>> -> memref<2048xf32, #tpu.memory_space<vmem>>
    %dma_start3A_366 = arith.constant 0 : i32
    %dma_start3A_367 = tpu.memref_slice %arg2[%add3A_363, %dma_start3A_366] : memref<1024x2048xf32, #tpu.memory_space<hbm>> -> memref<1x2048xf32, #tpu.memory_space<hbm>>
    %dma_start3A_368 = tpu.memref_squeeze %dma_start3A_367 : memref<1x2048xf32, #tpu.memory_space<hbm>> -> memref<2048xf32, #tpu.memory_space<hbm>>
    %dma_start3A_369 = arith.constant 61440 : i32
    %dma_start3A_370 = tpu.memref_slice %arg5[%dma_start3A_369] : memref<65536xf32, #tpu.memory_space<vmem>> -> memref<2048xf32, #tpu.memory_space<vmem>>
    %dma_start3A_371 = arith.constant 0 : i32
    %dma_start3A_372 = tpu.memref_slice %arg2[%add3A_363, %dma_start3A_371] : memref<1024x2048xf32, #tpu.memory_space<hbm>> -> memref<1x2048xf32, #tpu.memory_space<hbm>>
    %dma_start3A_373 = tpu.memref_squeeze %dma_start3A_372 : memref<1x2048xf32, #tpu.memory_space<hbm>> -> memref<2048xf32, #tpu.memory_space<hbm>>
    tpu.enqueue_dma source(%dma_start3A_373 : memref<2048xf32, #tpu.memory_space<hbm>>) target(%dma_start3A_370 : memref<2048xf32, #tpu.memory_space<vmem>>) target_semaphore(%arg9 : memref<!tpu.dma_semaphore, #tpu.memory_space<semaphore_mem>>)
    %add3A_374 = arith.constant 31 : i32
    %add3A_375 = arith.addi %mul3A_2, %add3A_374 : i32
    %dma_start3A_376 = arith.constant 63488 : i32
    %dma_start3A_377 = tpu.memref_slice %arg5[%dma_start3A_376] : memref<65536xf32, #tpu.memory_space<vmem>> -> memref<2048xf32, #tpu.memory_space<vmem>>
    %dma_start3A_378 = arith.constant 0 : i32
    %dma_start3A_379 = tpu.memref_slice %arg2[%add3A_375, %dma_start3A_378] : memref<1024x2048xf32, #tpu.memory_space<hbm>> -> memref<1x2048xf32, #tpu.memory_space<hbm>>
    %dma_start3A_380 = tpu.memref_squeeze %dma_start3A_379 : memref<1x2048xf32, #tpu.memory_space<hbm>> -> memref<2048xf32, #tpu.memory_space<hbm>>
    %dma_start3A_381 = arith.constant 63488 : i32
    %dma_start3A_382 = tpu.memref_slice %arg5[%dma_start3A_381] : memref<65536xf32, #tpu.memory_space<vmem>> -> memref<2048xf32, #tpu.memory_space<vmem>>
    %dma_start3A_383 = arith.constant 0 : i32
    %dma_start3A_384 = tpu.memref_slice %arg2[%add3A_375, %dma_start3A_383] : memref<1024x2048xf32, #tpu.memory_space<hbm>> -> memref<1x2048xf32, #tpu.memory_space<hbm>>
    %dma_start3A_385 = tpu.memref_squeeze %dma_start3A_384 : memref<1x2048xf32, #tpu.memory_space<hbm>> -> memref<2048xf32, #tpu.memory_space<hbm>>
    tpu.enqueue_dma source(%dma_start3A_385 : memref<2048xf32, #tpu.memory_space<hbm>>) target(%dma_start3A_382 : memref<2048xf32, #tpu.memory_space<vmem>>) target_semaphore(%arg9 : memref<!tpu.dma_semaphore, #tpu.memory_space<semaphore_mem>>)
    tpu.enqueue_dma source(%arg3 : memref<40960xf32, #tpu.memory_space<hbm>>) target(%arg6 : memref<40960xf32, #tpu.memory_space<vmem>>) target_semaphore(%arg10 : memref<!tpu.dma_semaphore, #tpu.memory_space<semaphore_mem>>)
    %add3A_386 = arith.constant 0 : i32
    %add3A_387 = arith.addi %mul3A_2, %add3A_386 : i32
    %dma_wait3A = arith.constant 0 : i32
    %dma_wait3A_388 = tpu.memref_slice %arg5[%dma_wait3A] : memref<65536xf32, #tpu.memory_space<vmem>> -> memref<2048xf32, #tpu.memory_space<vmem>>
    %dma_wait3A_389 = arith.constant 0 : i32
    %dma_wait3A_390 = tpu.memref_slice %arg2[%add3A_387, %dma_wait3A_389] : memref<1024x2048xf32, #tpu.memory_space<hbm>> -> memref<1x2048xf32, #tpu.memory_space<hbm>>
    %dma_wait3A_391 = tpu.memref_squeeze %dma_wait3A_390 : memref<1x2048xf32, #tpu.memory_space<hbm>> -> memref<2048xf32, #tpu.memory_space<hbm>>
    %dma_wait3A_392 = arith.constant 0 : i32
    %dma_wait3A_393 = tpu.memref_slice %arg5[%dma_wait3A_392] : memref<65536xf32, #tpu.memory_space<vmem>> -> memref<2048xf32, #tpu.memory_space<vmem>>
    %dma_wait3A_394 = arith.constant 0 : i32
    %dma_wait3A_395 = tpu.memref_slice %arg2[%add3A_387, %dma_wait3A_394] : memref<1024x2048xf32, #tpu.memory_space<hbm>> -> memref<1x2048xf32, #tpu.memory_space<hbm>>
    %dma_wait3A_396 = tpu.memref_squeeze %dma_wait3A_395 : memref<1x2048xf32, #tpu.memory_space<hbm>> -> memref<2048xf32, #tpu.memory_space<hbm>>
    tpu.wait_dma2 semaphore(%arg9 : memref<!tpu.dma_semaphore, #tpu.memory_space<semaphore_mem>>) src(%dma_wait3A_396 : memref<2048xf32, #tpu.memory_space<hbm>>) dst(%dma_wait3A_393 : memref<2048xf32, #tpu.memory_space<vmem>>)
    %add3A_397 = arith.constant 1 : i32
    %add3A_398 = arith.addi %mul3A_2, %add3A_397 : i32
    %dma_wait3A_399 = arith.constant 2048 : i32
    %dma_wait3A_400 = tpu.memref_slice %arg5[%dma_wait3A_399] : memref<65536xf32, #tpu.memory_space<vmem>> -> memref<2048xf32, #tpu.memory_space<vmem>>
    %dma_wait3A_401 = arith.constant 0 : i32
    %dma_wait3A_402 = tpu.memref_slice %arg2[%add3A_398, %dma_wait3A_401] : memref<1024x2048xf32, #tpu.memory_space<hbm>> -> memref<1x2048xf32, #tpu.memory_space<hbm>>
    %dma_wait3A_403 = tpu.memref_squeeze %dma_wait3A_402 : memref<1x2048xf32, #tpu.memory_space<hbm>> -> memref<2048xf32, #tpu.memory_space<hbm>>
    %dma_wait3A_404 = arith.constant 2048 : i32
    %dma_wait3A_405 = tpu.memref_slice %arg5[%dma_wait3A_404] : memref<65536xf32, #tpu.memory_space<vmem>> -> memref<2048xf32, #tpu.memory_space<vmem>>
    %dma_wait3A_406 = arith.constant 0 : i32
    %dma_wait3A_407 = tpu.memref_slice %arg2[%add3A_398, %dma_wait3A_406] : memref<1024x2048xf32, #tpu.memory_space<hbm>> -> memref<1x2048xf32, #tpu.memory_space<hbm>>
    %dma_wait3A_408 = tpu.memref_squeeze %dma_wait3A_407 : memref<1x2048xf32, #tpu.memory_space<hbm>> -> memref<2048xf32, #tpu.memory_space<hbm>>
    tpu.wait_dma2 semaphore(%arg9 : memref<!tpu.dma_semaphore, #tpu.memory_space<semaphore_mem>>) src(%dma_wait3A_408 : memref<2048xf32, #tpu.memory_space<hbm>>) dst(%dma_wait3A_405 : memref<2048xf32, #tpu.memory_space<vmem>>)
    %add3A_409 = arith.constant 2 : i32
    %add3A_410 = arith.addi %mul3A_2, %add3A_409 : i32
    %dma_wait3A_411 = arith.constant 4096 : i32
    %dma_wait3A_412 = tpu.memref_slice %arg5[%dma_wait3A_411] : memref<65536xf32, #tpu.memory_space<vmem>> -> memref<2048xf32, #tpu.memory_space<vmem>>
    %dma_wait3A_413 = arith.constant 0 : i32
    %dma_wait3A_414 = tpu.memref_slice %arg2[%add3A_410, %dma_wait3A_413] : memref<1024x2048xf32, #tpu.memory_space<hbm>> -> memref<1x2048xf32, #tpu.memory_space<hbm>>
    %dma_wait3A_415 = tpu.memref_squeeze %dma_wait3A_414 : memref<1x2048xf32, #tpu.memory_space<hbm>> -> memref<2048xf32, #tpu.memory_space<hbm>>
    %dma_wait3A_416 = arith.constant 4096 : i32
    %dma_wait3A_417 = tpu.memref_slice %arg5[%dma_wait3A_416] : memref<65536xf32, #tpu.memory_space<vmem>> -> memref<2048xf32, #tpu.memory_space<vmem>>
    %dma_wait3A_418 = arith.constant 0 : i32
    %dma_wait3A_419 = tpu.memref_slice %arg2[%add3A_410, %dma_wait3A_418] : memref<1024x2048xf32, #tpu.memory_space<hbm>> -> memref<1x2048xf32, #tpu.memory_space<hbm>>
    %dma_wait3A_420 = tpu.memref_squeeze %dma_wait3A_419 : memref<1x2048xf32, #tpu.memory_space<hbm>> -> memref<2048xf32, #tpu.memory_space<hbm>>
    tpu.wait_dma2 semaphore(%arg9 : memref<!tpu.dma_semaphore, #tpu.memory_space<semaphore_mem>>) src(%dma_wait3A_420 : memref<2048xf32, #tpu.memory_space<hbm>>) dst(%dma_wait3A_417 : memref<2048xf32, #tpu.memory_space<vmem>>)
    %add3A_421 = arith.constant 3 : i32
    %add3A_422 = arith.addi %mul3A_2, %add3A_421 : i32
    %dma_wait3A_423 = arith.constant 6144 : i32
    %dma_wait3A_424 = tpu.memref_slice %arg5[%dma_wait3A_423] : memref<65536xf32, #tpu.memory_space<vmem>> -> memref<2048xf32, #tpu.memory_space<vmem>>
    %dma_wait3A_425 = arith.constant 0 : i32
    %dma_wait3A_426 = tpu.memref_slice %arg2[%add3A_422, %dma_wait3A_425] : memref<1024x2048xf32, #tpu.memory_space<hbm>> -> memref<1x2048xf32, #tpu.memory_space<hbm>>
    %dma_wait3A_427 = tpu.memref_squeeze %dma_wait3A_426 : memref<1x2048xf32, #tpu.memory_space<hbm>> -> memref<2048xf32, #tpu.memory_space<hbm>>
    %dma_wait3A_428 = arith.constant 6144 : i32
    %dma_wait3A_429 = tpu.memref_slice %arg5[%dma_wait3A_428] : memref<65536xf32, #tpu.memory_space<vmem>> -> memref<2048xf32, #tpu.memory_space<vmem>>
    %dma_wait3A_430 = arith.constant 0 : i32
    %dma_wait3A_431 = tpu.memref_slice %arg2[%add3A_422, %dma_wait3A_430] : memref<1024x2048xf32, #tpu.memory_space<hbm>> -> memref<1x2048xf32, #tpu.memory_space<hbm>>
    %dma_wait3A_432 = tpu.memref_squeeze %dma_wait3A_431 : memref<1x2048xf32, #tpu.memory_space<hbm>> -> memref<2048xf32, #tpu.memory_space<hbm>>
    tpu.wait_dma2 semaphore(%arg9 : memref<!tpu.dma_semaphore, #tpu.memory_space<semaphore_mem>>) src(%dma_wait3A_432 : memref<2048xf32, #tpu.memory_space<hbm>>) dst(%dma_wait3A_429 : memref<2048xf32, #tpu.memory_space<vmem>>)
    %add3A_433 = arith.constant 4 : i32
    %add3A_434 = arith.addi %mul3A_2, %add3A_433 : i32
    %dma_wait3A_435 = arith.constant 8192 : i32
    %dma_wait3A_436 = tpu.memref_slice %arg5[%dma_wait3A_435] : memref<65536xf32, #tpu.memory_space<vmem>> -> memref<2048xf32, #tpu.memory_space<vmem>>
    %dma_wait3A_437 = arith.constant 0 : i32
    %dma_wait3A_438 = tpu.memref_slice %arg2[%add3A_434, %dma_wait3A_437] : memref<1024x2048xf32, #tpu.memory_space<hbm>> -> memref<1x2048xf32, #tpu.memory_space<hbm>>
    %dma_wait3A_439 = tpu.memref_squeeze %dma_wait3A_438 : memref<1x2048xf32, #tpu.memory_space<hbm>> -> memref<2048xf32, #tpu.memory_space<hbm>>
    %dma_wait3A_440 = arith.constant 8192 : i32
    %dma_wait3A_441 = tpu.memref_slice %arg5[%dma_wait3A_440] : memref<65536xf32, #tpu.memory_space<vmem>> -> memref<2048xf32, #tpu.memory_space<vmem>>
    %dma_wait3A_442 = arith.constant 0 : i32
    %dma_wait3A_443 = tpu.memref_slice %arg2[%add3A_434, %dma_wait3A_442] : memref<1024x2048xf32, #tpu.memory_space<hbm>> -> memref<1x2048xf32, #tpu.memory_space<hbm>>
    %dma_wait3A_444 = tpu.memref_squeeze %dma_wait3A_443 : memref<1x2048xf32, #tpu.memory_space<hbm>> -> memref<2048xf32, #tpu.memory_space<hbm>>
    tpu.wait_dma2 semaphore(%arg9 : memref<!tpu.dma_semaphore, #tpu.memory_space<semaphore_mem>>) src(%dma_wait3A_444 : memref<2048xf32, #tpu.memory_space<hbm>>) dst(%dma_wait3A_441 : memref<2048xf32, #tpu.memory_space<vmem>>)
    %add3A_445 = arith.constant 5 : i32
    %add3A_446 = arith.addi %mul3A_2, %add3A_445 : i32
    %dma_wait3A_447 = arith.constant 10240 : i32
    %dma_wait3A_448 = tpu.memref_slice %arg5[%dma_wait3A_447] : memref<65536xf32, #tpu.memory_space<vmem>> -> memref<2048xf32, #tpu.memory_space<vmem>>
    %dma_wait3A_449 = arith.constant 0 : i32
    %dma_wait3A_450 = tpu.memref_slice %arg2[%add3A_446, %dma_wait3A_449] : memref<1024x2048xf32, #tpu.memory_space<hbm>> -> memref<1x2048xf32, #tpu.memory_space<hbm>>
    %dma_wait3A_451 = tpu.memref_squeeze %dma_wait3A_450 : memref<1x2048xf32, #tpu.memory_space<hbm>> -> memref<2048xf32, #tpu.memory_space<hbm>>
    %dma_wait3A_452 = arith.constant 10240 : i32
    %dma_wait3A_453 = tpu.memref_slice %arg5[%dma_wait3A_452] : memref<65536xf32, #tpu.memory_space<vmem>> -> memref<2048xf32, #tpu.memory_space<vmem>>
    %dma_wait3A_454 = arith.constant 0 : i32
    %dma_wait3A_455 = tpu.memref_slice %arg2[%add3A_446, %dma_wait3A_454] : memref<1024x2048xf32, #tpu.memory_space<hbm>> -> memref<1x2048xf32, #tpu.memory_space<hbm>>
    %dma_wait3A_456 = tpu.memref_squeeze %dma_wait3A_455 : memref<1x2048xf32, #tpu.memory_space<hbm>> -> memref<2048xf32, #tpu.memory_space<hbm>>
    tpu.wait_dma2 semaphore(%arg9 : memref<!tpu.dma_semaphore, #tpu.memory_space<semaphore_mem>>) src(%dma_wait3A_456 : memref<2048xf32, #tpu.memory_space<hbm>>) dst(%dma_wait3A_453 : memref<2048xf32, #tpu.memory_space<vmem>>)
    %add3A_457 = arith.constant 6 : i32
    %add3A_458 = arith.addi %mul3A_2, %add3A_457 : i32
    %dma_wait3A_459 = arith.constant 12288 : i32
    %dma_wait3A_460 = tpu.memref_slice %arg5[%dma_wait3A_459] : memref<65536xf32, #tpu.memory_space<vmem>> -> memref<2048xf32, #tpu.memory_space<vmem>>
    %dma_wait3A_461 = arith.constant 0 : i32
    %dma_wait3A_462 = tpu.memref_slice %arg2[%add3A_458, %dma_wait3A_461] : memref<1024x2048xf32, #tpu.memory_space<hbm>> -> memref<1x2048xf32, #tpu.memory_space<hbm>>
    %dma_wait3A_463 = tpu.memref_squeeze %dma_wait3A_462 : memref<1x2048xf32, #tpu.memory_space<hbm>> -> memref<2048xf32, #tpu.memory_space<hbm>>
    %dma_wait3A_464 = arith.constant 12288 : i32
    %dma_wait3A_465 = tpu.memref_slice %arg5[%dma_wait3A_464] : memref<65536xf32, #tpu.memory_space<vmem>> -> memref<2048xf32, #tpu.memory_space<vmem>>
    %dma_wait3A_466 = arith.constant 0 : i32
    %dma_wait3A_467 = tpu.memref_slice %arg2[%add3A_458, %dma_wait3A_466] : memref<1024x2048xf32, #tpu.memory_space<hbm>> -> memref<1x2048xf32, #tpu.memory_space<hbm>>
    %dma_wait3A_468 = tpu.memref_squeeze %dma_wait3A_467 : memref<1x2048xf32, #tpu.memory_space<hbm>> -> memref<2048xf32, #tpu.memory_space<hbm>>
    tpu.wait_dma2 semaphore(%arg9 : memref<!tpu.dma_semaphore, #tpu.memory_space<semaphore_mem>>) src(%dma_wait3A_468 : memref<2048xf32, #tpu.memory_space<hbm>>) dst(%dma_wait3A_465 : memref<2048xf32, #tpu.memory_space<vmem>>)
    %add3A_469 = arith.constant 7 : i32
    %add3A_470 = arith.addi %mul3A_2, %add3A_469 : i32
    %dma_wait3A_471 = arith.constant 14336 : i32
    %dma_wait3A_472 = tpu.memref_slice %arg5[%dma_wait3A_471] : memref<65536xf32, #tpu.memory_space<vmem>> -> memref<2048xf32, #tpu.memory_space<vmem>>
    %dma_wait3A_473 = arith.constant 0 : i32
    %dma_wait3A_474 = tpu.memref_slice %arg2[%add3A_470, %dma_wait3A_473] : memref<1024x2048xf32, #tpu.memory_space<hbm>> -> memref<1x2048xf32, #tpu.memory_space<hbm>>
    %dma_wait3A_475 = tpu.memref_squeeze %dma_wait3A_474 : memref<1x2048xf32, #tpu.memory_space<hbm>> -> memref<2048xf32, #tpu.memory_space<hbm>>
    %dma_wait3A_476 = arith.constant 14336 : i32
    %dma_wait3A_477 = tpu.memref_slice %arg5[%dma_wait3A_476] : memref<65536xf32, #tpu.memory_space<vmem>> -> memref<2048xf32, #tpu.memory_space<vmem>>
    %dma_wait3A_478 = arith.constant 0 : i32
    %dma_wait3A_479 = tpu.memref_slice %arg2[%add3A_470, %dma_wait3A_478] : memref<1024x2048xf32, #tpu.memory_space<hbm>> -> memref<1x2048xf32, #tpu.memory_space<hbm>>
    %dma_wait3A_480 = tpu.memref_squeeze %dma_wait3A_479 : memref<1x2048xf32, #tpu.memory_space<hbm>> -> memref<2048xf32, #tpu.memory_space<hbm>>
    tpu.wait_dma2 semaphore(%arg9 : memref<!tpu.dma_semaphore, #tpu.memory_space<semaphore_mem>>) src(%dma_wait3A_480 : memref<2048xf32, #tpu.memory_space<hbm>>) dst(%dma_wait3A_477 : memref<2048xf32, #tpu.memory_space<vmem>>)
    %add3A_481 = arith.constant 8 : i32
    %add3A_482 = arith.addi %mul3A_2, %add3A_481 : i32
    %dma_wait3A_483 = arith.constant 16384 : i32
    %dma_wait3A_484 = tpu.memref_slice %arg5[%dma_wait3A_483] : memref<65536xf32, #tpu.memory_space<vmem>> -> memref<2048xf32, #tpu.memory_space<vmem>>
    %dma_wait3A_485 = arith.constant 0 : i32
    %dma_wait3A_486 = tpu.memref_slice %arg2[%add3A_482, %dma_wait3A_485] : memref<1024x2048xf32, #tpu.memory_space<hbm>> -> memref<1x2048xf32, #tpu.memory_space<hbm>>
    %dma_wait3A_487 = tpu.memref_squeeze %dma_wait3A_486 : memref<1x2048xf32, #tpu.memory_space<hbm>> -> memref<2048xf32, #tpu.memory_space<hbm>>
    %dma_wait3A_488 = arith.constant 16384 : i32
    %dma_wait3A_489 = tpu.memref_slice %arg5[%dma_wait3A_488] : memref<65536xf32, #tpu.memory_space<vmem>> -> memref<2048xf32, #tpu.memory_space<vmem>>
    %dma_wait3A_490 = arith.constant 0 : i32
    %dma_wait3A_491 = tpu.memref_slice %arg2[%add3A_482, %dma_wait3A_490] : memref<1024x2048xf32, #tpu.memory_space<hbm>> -> memref<1x2048xf32, #tpu.memory_space<hbm>>
    %dma_wait3A_492 = tpu.memref_squeeze %dma_wait3A_491 : memref<1x2048xf32, #tpu.memory_space<hbm>> -> memref<2048xf32, #tpu.memory_space<hbm>>
    tpu.wait_dma2 semaphore(%arg9 : memref<!tpu.dma_semaphore, #tpu.memory_space<semaphore_mem>>) src(%dma_wait3A_492 : memref<2048xf32, #tpu.memory_space<hbm>>) dst(%dma_wait3A_489 : memref<2048xf32, #tpu.memory_space<vmem>>)
    %add3A_493 = arith.constant 9 : i32
    %add3A_494 = arith.addi %mul3A_2, %add3A_493 : i32
    %dma_wait3A_495 = arith.constant 18432 : i32
    %dma_wait3A_496 = tpu.memref_slice %arg5[%dma_wait3A_495] : memref<65536xf32, #tpu.memory_space<vmem>> -> memref<2048xf32, #tpu.memory_space<vmem>>
    %dma_wait3A_497 = arith.constant 0 : i32
    %dma_wait3A_498 = tpu.memref_slice %arg2[%add3A_494, %dma_wait3A_497] : memref<1024x2048xf32, #tpu.memory_space<hbm>> -> memref<1x2048xf32, #tpu.memory_space<hbm>>
    %dma_wait3A_499 = tpu.memref_squeeze %dma_wait3A_498 : memref<1x2048xf32, #tpu.memory_space<hbm>> -> memref<2048xf32, #tpu.memory_space<hbm>>
    %dma_wait3A_500 = arith.constant 18432 : i32
    %dma_wait3A_501 = tpu.memref_slice %arg5[%dma_wait3A_500] : memref<65536xf32, #tpu.memory_space<vmem>> -> memref<2048xf32, #tpu.memory_space<vmem>>
    %dma_wait3A_502 = arith.constant 0 : i32
    %dma_wait3A_503 = tpu.memref_slice %arg2[%add3A_494, %dma_wait3A_502] : memref<1024x2048xf32, #tpu.memory_space<hbm>> -> memref<1x2048xf32, #tpu.memory_space<hbm>>
    %dma_wait3A_504 = tpu.memref_squeeze %dma_wait3A_503 : memref<1x2048xf32, #tpu.memory_space<hbm>> -> memref<2048xf32, #tpu.memory_space<hbm>>
    tpu.wait_dma2 semaphore(%arg9 : memref<!tpu.dma_semaphore, #tpu.memory_space<semaphore_mem>>) src(%dma_wait3A_504 : memref<2048xf32, #tpu.memory_space<hbm>>) dst(%dma_wait3A_501 : memref<2048xf32, #tpu.memory_space<vmem>>)
    %add3A_505 = arith.constant 10 : i32
    %add3A_506 = arith.addi %mul3A_2, %add3A_505 : i32
    %dma_wait3A_507 = arith.constant 20480 : i32
    %dma_wait3A_508 = tpu.memref_slice %arg5[%dma_wait3A_507] : memref<65536xf32, #tpu.memory_space<vmem>> -> memref<2048xf32, #tpu.memory_space<vmem>>
    %dma_wait3A_509 = arith.constant 0 : i32
    %dma_wait3A_510 = tpu.memref_slice %arg2[%add3A_506, %dma_wait3A_509] : memref<1024x2048xf32, #tpu.memory_space<hbm>> -> memref<1x2048xf32, #tpu.memory_space<hbm>>
    %dma_wait3A_511 = tpu.memref_squeeze %dma_wait3A_510 : memref<1x2048xf32, #tpu.memory_space<hbm>> -> memref<2048xf32, #tpu.memory_space<hbm>>
    %dma_wait3A_512 = arith.constant 20480 : i32
    %dma_wait3A_513 = tpu.memref_slice %arg5[%dma_wait3A_512] : memref<65536xf32, #tpu.memory_space<vmem>> -> memref<2048xf32, #tpu.memory_space<vmem>>
    %dma_wait3A_514 = arith.constant 0 : i32
    %dma_wait3A_515 = tpu.memref_slice %arg2[%add3A_506, %dma_wait3A_514] : memref<1024x2048xf32, #tpu.memory_space<hbm>> -> memref<1x2048xf32, #tpu.memory_space<hbm>>
    %dma_wait3A_516 = tpu.memref_squeeze %dma_wait3A_515 : memref<1x2048xf32, #tpu.memory_space<hbm>> -> memref<2048xf32, #tpu.memory_space<hbm>>
    tpu.wait_dma2 semaphore(%arg9 : memref<!tpu.dma_semaphore, #tpu.memory_space<semaphore_mem>>) src(%dma_wait3A_516 : memref<2048xf32, #tpu.memory_space<hbm>>) dst(%dma_wait3A_513 : memref<2048xf32, #tpu.memory_space<vmem>>)
    %add3A_517 = arith.constant 11 : i32
    %add3A_518 = arith.addi %mul3A_2, %add3A_517 : i32
    %dma_wait3A_519 = arith.constant 22528 : i32
    %dma_wait3A_520 = tpu.memref_slice %arg5[%dma_wait3A_519] : memref<65536xf32, #tpu.memory_space<vmem>> -> memref<2048xf32, #tpu.memory_space<vmem>>
    %dma_wait3A_521 = arith.constant 0 : i32
    %dma_wait3A_522 = tpu.memref_slice %arg2[%add3A_518, %dma_wait3A_521] : memref<1024x2048xf32, #tpu.memory_space<hbm>> -> memref<1x2048xf32, #tpu.memory_space<hbm>>
    %dma_wait3A_523 = tpu.memref_squeeze %dma_wait3A_522 : memref<1x2048xf32, #tpu.memory_space<hbm>> -> memref<2048xf32, #tpu.memory_space<hbm>>
    %dma_wait3A_524 = arith.constant 22528 : i32
    %dma_wait3A_525 = tpu.memref_slice %arg5[%dma_wait3A_524] : memref<65536xf32, #tpu.memory_space<vmem>> -> memref<2048xf32, #tpu.memory_space<vmem>>
    %dma_wait3A_526 = arith.constant 0 : i32
    %dma_wait3A_527 = tpu.memref_slice %arg2[%add3A_518, %dma_wait3A_526] : memref<1024x2048xf32, #tpu.memory_space<hbm>> -> memref<1x2048xf32, #tpu.memory_space<hbm>>
    %dma_wait3A_528 = tpu.memref_squeeze %dma_wait3A_527 : memref<1x2048xf32, #tpu.memory_space<hbm>> -> memref<2048xf32, #tpu.memory_space<hbm>>
    tpu.wait_dma2 semaphore(%arg9 : memref<!tpu.dma_semaphore, #tpu.memory_space<semaphore_mem>>) src(%dma_wait3A_528 : memref<2048xf32, #tpu.memory_space<hbm>>) dst(%dma_wait3A_525 : memref<2048xf32, #tpu.memory_space<vmem>>)
    %add3A_529 = arith.constant 12 : i32
    %add3A_530 = arith.addi %mul3A_2, %add3A_529 : i32
    %dma_wait3A_531 = arith.constant 24576 : i32
    %dma_wait3A_532 = tpu.memref_slice %arg5[%dma_wait3A_531] : memref<65536xf32, #tpu.memory_space<vmem>> -> memref<2048xf32, #tpu.memory_space<vmem>>
    %dma_wait3A_533 = arith.constant 0 : i32
    %dma_wait3A_534 = tpu.memref_slice %arg2[%add3A_530, %dma_wait3A_533] : memref<1024x2048xf32, #tpu.memory_space<hbm>> -> memref<1x2048xf32, #tpu.memory_space<hbm>>
    %dma_wait3A_535 = tpu.memref_squeeze %dma_wait3A_534 : memref<1x2048xf32, #tpu.memory_space<hbm>> -> memref<2048xf32, #tpu.memory_space<hbm>>
    %dma_wait3A_536 = arith.constant 24576 : i32
    %dma_wait3A_537 = tpu.memref_slice %arg5[%dma_wait3A_536] : memref<65536xf32, #tpu.memory_space<vmem>> -> memref<2048xf32, #tpu.memory_space<vmem>>
    %dma_wait3A_538 = arith.constant 0 : i32
    %dma_wait3A_539 = tpu.memref_slice %arg2[%add3A_530, %dma_wait3A_538] : memref<1024x2048xf32, #tpu.memory_space<hbm>> -> memref<1x2048xf32, #tpu.memory_space<hbm>>
    %dma_wait3A_540 = tpu.memref_squeeze %dma_wait3A_539 : memref<1x2048xf32, #tpu.memory_space<hbm>> -> memref<2048xf32, #tpu.memory_space<hbm>>
    tpu.wait_dma2 semaphore(%arg9 : memref<!tpu.dma_semaphore, #tpu.memory_space<semaphore_mem>>) src(%dma_wait3A_540 : memref<2048xf32, #tpu.memory_space<hbm>>) dst(%dma_wait3A_537 : memref<2048xf32, #tpu.memory_space<vmem>>)
    %add3A_541 = arith.constant 13 : i32
    %add3A_542 = arith.addi %mul3A_2, %add3A_541 : i32
    %dma_wait3A_543 = arith.constant 26624 : i32
    %dma_wait3A_544 = tpu.memref_slice %arg5[%dma_wait3A_543] : memref<65536xf32, #tpu.memory_space<vmem>> -> memref<2048xf32, #tpu.memory_space<vmem>>
    %dma_wait3A_545 = arith.constant 0 : i32
    %dma_wait3A_546 = tpu.memref_slice %arg2[%add3A_542, %dma_wait3A_545] : memref<1024x2048xf32, #tpu.memory_space<hbm>> -> memref<1x2048xf32, #tpu.memory_space<hbm>>
    %dma_wait3A_547 = tpu.memref_squeeze %dma_wait3A_546 : memref<1x2048xf32, #tpu.memory_space<hbm>> -> memref<2048xf32, #tpu.memory_space<hbm>>
    %dma_wait3A_548 = arith.constant 26624 : i32
    %dma_wait3A_549 = tpu.memref_slice %arg5[%dma_wait3A_548] : memref<65536xf32, #tpu.memory_space<vmem>> -> memref<2048xf32, #tpu.memory_space<vmem>>
    %dma_wait3A_550 = arith.constant 0 : i32
    %dma_wait3A_551 = tpu.memref_slice %arg2[%add3A_542, %dma_wait3A_550] : memref<1024x2048xf32, #tpu.memory_space<hbm>> -> memref<1x2048xf32, #tpu.memory_space<hbm>>
    %dma_wait3A_552 = tpu.memref_squeeze %dma_wait3A_551 : memref<1x2048xf32, #tpu.memory_space<hbm>> -> memref<2048xf32, #tpu.memory_space<hbm>>
    tpu.wait_dma2 semaphore(%arg9 : memref<!tpu.dma_semaphore, #tpu.memory_space<semaphore_mem>>) src(%dma_wait3A_552 : memref<2048xf32, #tpu.memory_space<hbm>>) dst(%dma_wait3A_549 : memref<2048xf32, #tpu.memory_space<vmem>>)
    %add3A_553 = arith.constant 14 : i32
    %add3A_554 = arith.addi %mul3A_2, %add3A_553 : i32
    %dma_wait3A_555 = arith.constant 28672 : i32
    %dma_wait3A_556 = tpu.memref_slice %arg5[%dma_wait3A_555] : memref<65536xf32, #tpu.memory_space<vmem>> -> memref<2048xf32, #tpu.memory_space<vmem>>
    %dma_wait3A_557 = arith.constant 0 : i32
    %dma_wait3A_558 = tpu.memref_slice %arg2[%add3A_554, %dma_wait3A_557] : memref<1024x2048xf32, #tpu.memory_space<hbm>> -> memref<1x2048xf32, #tpu.memory_space<hbm>>
    %dma_wait3A_559 = tpu.memref_squeeze %dma_wait3A_558 : memref<1x2048xf32, #tpu.memory_space<hbm>> -> memref<2048xf32, #tpu.memory_space<hbm>>
    %dma_wait3A_560 = arith.constant 28672 : i32
    %dma_wait3A_561 = tpu.memref_slice %arg5[%dma_wait3A_560] : memref<65536xf32, #tpu.memory_space<vmem>> -> memref<2048xf32, #tpu.memory_space<vmem>>
    %dma_wait3A_562 = arith.constant 0 : i32
    %dma_wait3A_563 = tpu.memref_slice %arg2[%add3A_554, %dma_wait3A_562] : memref<1024x2048xf32, #tpu.memory_space<hbm>> -> memref<1x2048xf32, #tpu.memory_space<hbm>>
    %dma_wait3A_564 = tpu.memref_squeeze %dma_wait3A_563 : memref<1x2048xf32, #tpu.memory_space<hbm>> -> memref<2048xf32, #tpu.memory_space<hbm>>
    tpu.wait_dma2 semaphore(%arg9 : memref<!tpu.dma_semaphore, #tpu.memory_space<semaphore_mem>>) src(%dma_wait3A_564 : memref<2048xf32, #tpu.memory_space<hbm>>) dst(%dma_wait3A_561 : memref<2048xf32, #tpu.memory_space<vmem>>)
    %add3A_565 = arith.constant 15 : i32
    %add3A_566 = arith.addi %mul3A_2, %add3A_565 : i32
    %dma_wait3A_567 = arith.constant 30720 : i32
    %dma_wait3A_568 = tpu.memref_slice %arg5[%dma_wait3A_567] : memref<65536xf32, #tpu.memory_space<vmem>> -> memref<2048xf32, #tpu.memory_space<vmem>>
    %dma_wait3A_569 = arith.constant 0 : i32
    %dma_wait3A_570 = tpu.memref_slice %arg2[%add3A_566, %dma_wait3A_569] : memref<1024x2048xf32, #tpu.memory_space<hbm>> -> memref<1x2048xf32, #tpu.memory_space<hbm>>
    %dma_wait3A_571 = tpu.memref_squeeze %dma_wait3A_570 : memref<1x2048xf32, #tpu.memory_space<hbm>> -> memref<2048xf32, #tpu.memory_space<hbm>>
    %dma_wait3A_572 = arith.constant 30720 : i32
    %dma_wait3A_573 = tpu.memref_slice %arg5[%dma_wait3A_572] : memref<65536xf32, #tpu.memory_space<vmem>> -> memref<2048xf32, #tpu.memory_space<vmem>>
    %dma_wait3A_574 = arith.constant 0 : i32
    %dma_wait3A_575 = tpu.memref_slice %arg2[%add3A_566, %dma_wait3A_574] : memref<1024x2048xf32, #tpu.memory_space<hbm>> -> memref<1x2048xf32, #tpu.memory_space<hbm>>
    %dma_wait3A_576 = tpu.memref_squeeze %dma_wait3A_575 : memref<1x2048xf32, #tpu.memory_space<hbm>> -> memref<2048xf32, #tpu.memory_space<hbm>>
    tpu.wait_dma2 semaphore(%arg9 : memref<!tpu.dma_semaphore, #tpu.memory_space<semaphore_mem>>) src(%dma_wait3A_576 : memref<2048xf32, #tpu.memory_space<hbm>>) dst(%dma_wait3A_573 : memref<2048xf32, #tpu.memory_space<vmem>>)
    %add3A_577 = arith.constant 16 : i32
    %add3A_578 = arith.addi %mul3A_2, %add3A_577 : i32
    %dma_wait3A_579 = arith.constant 32768 : i32
    %dma_wait3A_580 = tpu.memref_slice %arg5[%dma_wait3A_579] : memref<65536xf32, #tpu.memory_space<vmem>> -> memref<2048xf32, #tpu.memory_space<vmem>>
    %dma_wait3A_581 = arith.constant 0 : i32
    %dma_wait3A_582 = tpu.memref_slice %arg2[%add3A_578, %dma_wait3A_581] : memref<1024x2048xf32, #tpu.memory_space<hbm>> -> memref<1x2048xf32, #tpu.memory_space<hbm>>
    %dma_wait3A_583 = tpu.memref_squeeze %dma_wait3A_582 : memref<1x2048xf32, #tpu.memory_space<hbm>> -> memref<2048xf32, #tpu.memory_space<hbm>>
    %dma_wait3A_584 = arith.constant 32768 : i32
    %dma_wait3A_585 = tpu.memref_slice %arg5[%dma_wait3A_584] : memref<65536xf32, #tpu.memory_space<vmem>> -> memref<2048xf32, #tpu.memory_space<vmem>>
    %dma_wait3A_586 = arith.constant 0 : i32
    %dma_wait3A_587 = tpu.memref_slice %arg2[%add3A_578, %dma_wait3A_586] : memref<1024x2048xf32, #tpu.memory_space<hbm>> -> memref<1x2048xf32, #tpu.memory_space<hbm>>
    %dma_wait3A_588 = tpu.memref_squeeze %dma_wait3A_587 : memref<1x2048xf32, #tpu.memory_space<hbm>> -> memref<2048xf32, #tpu.memory_space<hbm>>
    tpu.wait_dma2 semaphore(%arg9 : memref<!tpu.dma_semaphore, #tpu.memory_space<semaphore_mem>>) src(%dma_wait3A_588 : memref<2048xf32, #tpu.memory_space<hbm>>) dst(%dma_wait3A_585 : memref<2048xf32, #tpu.memory_space<vmem>>)
    %add3A_589 = arith.constant 17 : i32
    %add3A_590 = arith.addi %mul3A_2, %add3A_589 : i32
    %dma_wait3A_591 = arith.constant 34816 : i32
    %dma_wait3A_592 = tpu.memref_slice %arg5[%dma_wait3A_591] : memref<65536xf32, #tpu.memory_space<vmem>> -> memref<2048xf32, #tpu.memory_space<vmem>>
    %dma_wait3A_593 = arith.constant 0 : i32
    %dma_wait3A_594 = tpu.memref_slice %arg2[%add3A_590, %dma_wait3A_593] : memref<1024x2048xf32, #tpu.memory_space<hbm>> -> memref<1x2048xf32, #tpu.memory_space<hbm>>
    %dma_wait3A_595 = tpu.memref_squeeze %dma_wait3A_594 : memref<1x2048xf32, #tpu.memory_space<hbm>> -> memref<2048xf32, #tpu.memory_space<hbm>>
    %dma_wait3A_596 = arith.constant 34816 : i32
    %dma_wait3A_597 = tpu.memref_slice %arg5[%dma_wait3A_596] : memref<65536xf32, #tpu.memory_space<vmem>> -> memref<2048xf32, #tpu.memory_space<vmem>>
    %dma_wait3A_598 = arith.constant 0 : i32
    %dma_wait3A_599 = tpu.memref_slice %arg2[%add3A_590, %dma_wait3A_598] : memref<1024x2048xf32, #tpu.memory_space<hbm>> -> memref<1x2048xf32, #tpu.memory_space<hbm>>
    %dma_wait3A_600 = tpu.memref_squeeze %dma_wait3A_599 : memref<1x2048xf32, #tpu.memory_space<hbm>> -> memref<2048xf32, #tpu.memory_space<hbm>>
    tpu.wait_dma2 semaphore(%arg9 : memref<!tpu.dma_semaphore, #tpu.memory_space<semaphore_mem>>) src(%dma_wait3A_600 : memref<2048xf32, #tpu.memory_space<hbm>>) dst(%dma_wait3A_597 : memref<2048xf32, #tpu.memory_space<vmem>>)
    %add3A_601 = arith.constant 18 : i32
    %add3A_602 = arith.addi %mul3A_2, %add3A_601 : i32
    %dma_wait3A_603 = arith.constant 36864 : i32
    %dma_wait3A_604 = tpu.memref_slice %arg5[%dma_wait3A_603] : memref<65536xf32, #tpu.memory_space<vmem>> -> memref<2048xf32, #tpu.memory_space<vmem>>
    %dma_wait3A_605 = arith.constant 0 : i32
    %dma_wait3A_606 = tpu.memref_slice %arg2[%add3A_602, %dma_wait3A_605] : memref<1024x2048xf32, #tpu.memory_space<hbm>> -> memref<1x2048xf32, #tpu.memory_space<hbm>>
    %dma_wait3A_607 = tpu.memref_squeeze %dma_wait3A_606 : memref<1x2048xf32, #tpu.memory_space<hbm>> -> memref<2048xf32, #tpu.memory_space<hbm>>
    %dma_wait3A_608 = arith.constant 36864 : i32
    %dma_wait3A_609 = tpu.memref_slice %arg5[%dma_wait3A_608] : memref<65536xf32, #tpu.memory_space<vmem>> -> memref<2048xf32, #tpu.memory_space<vmem>>
    %dma_wait3A_610 = arith.constant 0 : i32
    %dma_wait3A_611 = tpu.memref_slice %arg2[%add3A_602, %dma_wait3A_610] : memref<1024x2048xf32, #tpu.memory_space<hbm>> -> memref<1x2048xf32, #tpu.memory_space<hbm>>
    %dma_wait3A_612 = tpu.memref_squeeze %dma_wait3A_611 : memref<1x2048xf32, #tpu.memory_space<hbm>> -> memref<2048xf32, #tpu.memory_space<hbm>>
    tpu.wait_dma2 semaphore(%arg9 : memref<!tpu.dma_semaphore, #tpu.memory_space<semaphore_mem>>) src(%dma_wait3A_612 : memref<2048xf32, #tpu.memory_space<hbm>>) dst(%dma_wait3A_609 : memref<2048xf32, #tpu.memory_space<vmem>>)
    %add3A_613 = arith.constant 19 : i32
    %add3A_614 = arith.addi %mul3A_2, %add3A_613 : i32
    %dma_wait3A_615 = arith.constant 38912 : i32
    %dma_wait3A_616 = tpu.memref_slice %arg5[%dma_wait3A_615] : memref<65536xf32, #tpu.memory_space<vmem>> -> memref<2048xf32, #tpu.memory_space<vmem>>
    %dma_wait3A_617 = arith.constant 0 : i32
    %dma_wait3A_618 = tpu.memref_slice %arg2[%add3A_614, %dma_wait3A_617] : memref<1024x2048xf32, #tpu.memory_space<hbm>> -> memref<1x2048xf32, #tpu.memory_space<hbm>>
    %dma_wait3A_619 = tpu.memref_squeeze %dma_wait3A_618 : memref<1x2048xf32, #tpu.memory_space<hbm>> -> memref<2048xf32, #tpu.memory_space<hbm>>
    %dma_wait3A_620 = arith.constant 38912 : i32
    %dma_wait3A_621 = tpu.memref_slice %arg5[%dma_wait3A_620] : memref<65536xf32, #tpu.memory_space<vmem>> -> memref<2048xf32, #tpu.memory_space<vmem>>
    %dma_wait3A_622 = arith.constant 0 : i32
    %dma_wait3A_623 = tpu.memref_slice %arg2[%add3A_614, %dma_wait3A_622] : memref<1024x2048xf32, #tpu.memory_space<hbm>> -> memref<1x2048xf32, #tpu.memory_space<hbm>>
    %dma_wait3A_624 = tpu.memref_squeeze %dma_wait3A_623 : memref<1x2048xf32, #tpu.memory_space<hbm>> -> memref<2048xf32, #tpu.memory_space<hbm>>
    tpu.wait_dma2 semaphore(%arg9 : memref<!tpu.dma_semaphore, #tpu.memory_space<semaphore_mem>>) src(%dma_wait3A_624 : memref<2048xf32, #tpu.memory_space<hbm>>) dst(%dma_wait3A_621 : memref<2048xf32, #tpu.memory_space<vmem>>)
    %add3A_625 = arith.constant 20 : i32
    %add3A_626 = arith.addi %mul3A_2, %add3A_625 : i32
    %dma_wait3A_627 = arith.constant 40960 : i32
    %dma_wait3A_628 = tpu.memref_slice %arg5[%dma_wait3A_627] : memref<65536xf32, #tpu.memory_space<vmem>> -> memref<2048xf32, #tpu.memory_space<vmem>>
    %dma_wait3A_629 = arith.constant 0 : i32
    %dma_wait3A_630 = tpu.memref_slice %arg2[%add3A_626, %dma_wait3A_629] : memref<1024x2048xf32, #tpu.memory_space<hbm>> -> memref<1x2048xf32, #tpu.memory_space<hbm>>
    %dma_wait3A_631 = tpu.memref_squeeze %dma_wait3A_630 : memref<1x2048xf32, #tpu.memory_space<hbm>> -> memref<2048xf32, #tpu.memory_space<hbm>>
    %dma_wait3A_632 = arith.constant 40960 : i32
    %dma_wait3A_633 = tpu.memref_slice %arg5[%dma_wait3A_632] : memref<65536xf32, #tpu.memory_space<vmem>> -> memref<2048xf32, #tpu.memory_space<vmem>>
    %dma_wait3A_634 = arith.constant 0 : i32
    %dma_wait3A_635 = tpu.memref_slice %arg2[%add3A_626, %dma_wait3A_634] : memref<1024x2048xf32, #tpu.memory_space<hbm>> -> memref<1x2048xf32, #tpu.memory_space<hbm>>
    %dma_wait3A_636 = tpu.memref_squeeze %dma_wait3A_635 : memref<1x2048xf32, #tpu.memory_space<hbm>> -> memref<2048xf32, #tpu.memory_space<hbm>>
    tpu.wait_dma2 semaphore(%arg9 : memref<!tpu.dma_semaphore, #tpu.memory_space<semaphore_mem>>) src(%dma_wait3A_636 : memref<2048xf32, #tpu.memory_space<hbm>>) dst(%dma_wait3A_633 : memref<2048xf32, #tpu.memory_space<vmem>>)
    %add3A_637 = arith.constant 21 : i32
    %add3A_638 = arith.addi %mul3A_2, %add3A_637 : i32
    %dma_wait3A_639 = arith.constant 43008 : i32
    %dma_wait3A_640 = tpu.memref_slice %arg5[%dma_wait3A_639] : memref<65536xf32, #tpu.memory_space<vmem>> -> memref<2048xf32, #tpu.memory_space<vmem>>
    %dma_wait3A_641 = arith.constant 0 : i32
    %dma_wait3A_642 = tpu.memref_slice %arg2[%add3A_638, %dma_wait3A_641] : memref<1024x2048xf32, #tpu.memory_space<hbm>> -> memref<1x2048xf32, #tpu.memory_space<hbm>>
    %dma_wait3A_643 = tpu.memref_squeeze %dma_wait3A_642 : memref<1x2048xf32, #tpu.memory_space<hbm>> -> memref<2048xf32, #tpu.memory_space<hbm>>
    %dma_wait3A_644 = arith.constant 43008 : i32
    %dma_wait3A_645 = tpu.memref_slice %arg5[%dma_wait3A_644] : memref<65536xf32, #tpu.memory_space<vmem>> -> memref<2048xf32, #tpu.memory_space<vmem>>
    %dma_wait3A_646 = arith.constant 0 : i32
    %dma_wait3A_647 = tpu.memref_slice %arg2[%add3A_638, %dma_wait3A_646] : memref<1024x2048xf32, #tpu.memory_space<hbm>> -> memref<1x2048xf32, #tpu.memory_space<hbm>>
    %dma_wait3A_648 = tpu.memref_squeeze %dma_wait3A_647 : memref<1x2048xf32, #tpu.memory_space<hbm>> -> memref<2048xf32, #tpu.memory_space<hbm>>
    tpu.wait_dma2 semaphore(%arg9 : memref<!tpu.dma_semaphore, #tpu.memory_space<semaphore_mem>>) src(%dma_wait3A_648 : memref<2048xf32, #tpu.memory_space<hbm>>) dst(%dma_wait3A_645 : memref<2048xf32, #tpu.memory_space<vmem>>)
    %add3A_649 = arith.constant 22 : i32
    %add3A_650 = arith.addi %mul3A_2, %add3A_649 : i32
    %dma_wait3A_651 = arith.constant 45056 : i32
    %dma_wait3A_652 = tpu.memref_slice %arg5[%dma_wait3A_651] : memref<65536xf32, #tpu.memory_space<vmem>> -> memref<2048xf32, #tpu.memory_space<vmem>>
    %dma_wait3A_653 = arith.constant 0 : i32
    %dma_wait3A_654 = tpu.memref_slice %arg2[%add3A_650, %dma_wait3A_653] : memref<1024x2048xf32, #tpu.memory_space<hbm>> -> memref<1x2048xf32, #tpu.memory_space<hbm>>
    %dma_wait3A_655 = tpu.memref_squeeze %dma_wait3A_654 : memref<1x2048xf32, #tpu.memory_space<hbm>> -> memref<2048xf32, #tpu.memory_space<hbm>>
    %dma_wait3A_656 = arith.constant 45056 : i32
    %dma_wait3A_657 = tpu.memref_slice %arg5[%dma_wait3A_656] : memref<65536xf32, #tpu.memory_space<vmem>> -> memref<2048xf32, #tpu.memory_space<vmem>>
    %dma_wait3A_658 = arith.constant 0 : i32
    %dma_wait3A_659 = tpu.memref_slice %arg2[%add3A_650, %dma_wait3A_658] : memref<1024x2048xf32, #tpu.memory_space<hbm>> -> memref<1x2048xf32, #tpu.memory_space<hbm>>
    %dma_wait3A_660 = tpu.memref_squeeze %dma_wait3A_659 : memref<1x2048xf32, #tpu.memory_space<hbm>> -> memref<2048xf32, #tpu.memory_space<hbm>>
    tpu.wait_dma2 semaphore(%arg9 : memref<!tpu.dma_semaphore, #tpu.memory_space<semaphore_mem>>) src(%dma_wait3A_660 : memref<2048xf32, #tpu.memory_space<hbm>>) dst(%dma_wait3A_657 : memref<2048xf32, #tpu.memory_space<vmem>>)
    %add3A_661 = arith.constant 23 : i32
    %add3A_662 = arith.addi %mul3A_2, %add3A_661 : i32
    %dma_wait3A_663 = arith.constant 47104 : i32
    %dma_wait3A_664 = tpu.memref_slice %arg5[%dma_wait3A_663] : memref<65536xf32, #tpu.memory_space<vmem>> -> memref<2048xf32, #tpu.memory_space<vmem>>
    %dma_wait3A_665 = arith.constant 0 : i32
    %dma_wait3A_666 = tpu.memref_slice %arg2[%add3A_662, %dma_wait3A_665] : memref<1024x2048xf32, #tpu.memory_space<hbm>> -> memref<1x2048xf32, #tpu.memory_space<hbm>>
    %dma_wait3A_667 = tpu.memref_squeeze %dma_wait3A_666 : memref<1x2048xf32, #tpu.memory_space<hbm>> -> memref<2048xf32, #tpu.memory_space<hbm>>
    %dma_wait3A_668 = arith.constant 47104 : i32
    %dma_wait3A_669 = tpu.memref_slice %arg5[%dma_wait3A_668] : memref<65536xf32, #tpu.memory_space<vmem>> -> memref<2048xf32, #tpu.memory_space<vmem>>
    %dma_wait3A_670 = arith.constant 0 : i32
    %dma_wait3A_671 = tpu.memref_slice %arg2[%add3A_662, %dma_wait3A_670] : memref<1024x2048xf32, #tpu.memory_space<hbm>> -> memref<1x2048xf32, #tpu.memory_space<hbm>>
    %dma_wait3A_672 = tpu.memref_squeeze %dma_wait3A_671 : memref<1x2048xf32, #tpu.memory_space<hbm>> -> memref<2048xf32, #tpu.memory_space<hbm>>
    tpu.wait_dma2 semaphore(%arg9 : memref<!tpu.dma_semaphore, #tpu.memory_space<semaphore_mem>>) src(%dma_wait3A_672 : memref<2048xf32, #tpu.memory_space<hbm>>) dst(%dma_wait3A_669 : memref<2048xf32, #tpu.memory_space<vmem>>)
    %add3A_673 = arith.constant 24 : i32
    %add3A_674 = arith.addi %mul3A_2, %add3A_673 : i32
    %dma_wait3A_675 = arith.constant 49152 : i32
    %dma_wait3A_676 = tpu.memref_slice %arg5[%dma_wait3A_675] : memref<65536xf32, #tpu.memory_space<vmem>> -> memref<2048xf32, #tpu.memory_space<vmem>>
    %dma_wait3A_677 = arith.constant 0 : i32
    %dma_wait3A_678 = tpu.memref_slice %arg2[%add3A_674, %dma_wait3A_677] : memref<1024x2048xf32, #tpu.memory_space<hbm>> -> memref<1x2048xf32, #tpu.memory_space<hbm>>
    %dma_wait3A_679 = tpu.memref_squeeze %dma_wait3A_678 : memref<1x2048xf32, #tpu.memory_space<hbm>> -> memref<2048xf32, #tpu.memory_space<hbm>>
    %dma_wait3A_680 = arith.constant 49152 : i32
    %dma_wait3A_681 = tpu.memref_slice %arg5[%dma_wait3A_680] : memref<65536xf32, #tpu.memory_space<vmem>> -> memref<2048xf32, #tpu.memory_space<vmem>>
    %dma_wait3A_682 = arith.constant 0 : i32
    %dma_wait3A_683 = tpu.memref_slice %arg2[%add3A_674, %dma_wait3A_682] : memref<1024x2048xf32, #tpu.memory_space<hbm>> -> memref<1x2048xf32, #tpu.memory_space<hbm>>
    %dma_wait3A_684 = tpu.memref_squeeze %dma_wait3A_683 : memref<1x2048xf32, #tpu.memory_space<hbm>> -> memref<2048xf32, #tpu.memory_space<hbm>>
    tpu.wait_dma2 semaphore(%arg9 : memref<!tpu.dma_semaphore, #tpu.memory_space<semaphore_mem>>) src(%dma_wait3A_684 : memref<2048xf32, #tpu.memory_space<hbm>>) dst(%dma_wait3A_681 : memref<2048xf32, #tpu.memory_space<vmem>>)
    %add3A_685 = arith.constant 25 : i32
    %add3A_686 = arith.addi %mul3A_2, %add3A_685 : i32
    %dma_wait3A_687 = arith.constant 51200 : i32
    %dma_wait3A_688 = tpu.memref_slice %arg5[%dma_wait3A_687] : memref<65536xf32, #tpu.memory_space<vmem>> -> memref<2048xf32, #tpu.memory_space<vmem>>
    %dma_wait3A_689 = arith.constant 0 : i32
    %dma_wait3A_690 = tpu.memref_slice %arg2[%add3A_686, %dma_wait3A_689] : memref<1024x2048xf32, #tpu.memory_space<hbm>> -> memref<1x2048xf32, #tpu.memory_space<hbm>>
    %dma_wait3A_691 = tpu.memref_squeeze %dma_wait3A_690 : memref<1x2048xf32, #tpu.memory_space<hbm>> -> memref<2048xf32, #tpu.memory_space<hbm>>
    %dma_wait3A_692 = arith.constant 51200 : i32
    %dma_wait3A_693 = tpu.memref_slice %arg5[%dma_wait3A_692] : memref<65536xf32, #tpu.memory_space<vmem>> -> memref<2048xf32, #tpu.memory_space<vmem>>
    %dma_wait3A_694 = arith.constant 0 : i32
    %dma_wait3A_695 = tpu.memref_slice %arg2[%add3A_686, %dma_wait3A_694] : memref<1024x2048xf32, #tpu.memory_space<hbm>> -> memref<1x2048xf32, #tpu.memory_space<hbm>>
    %dma_wait3A_696 = tpu.memref_squeeze %dma_wait3A_695 : memref<1x2048xf32, #tpu.memory_space<hbm>> -> memref<2048xf32, #tpu.memory_space<hbm>>
    tpu.wait_dma2 semaphore(%arg9 : memref<!tpu.dma_semaphore, #tpu.memory_space<semaphore_mem>>) src(%dma_wait3A_696 : memref<2048xf32, #tpu.memory_space<hbm>>) dst(%dma_wait3A_693 : memref<2048xf32, #tpu.memory_space<vmem>>)
    %add3A_697 = arith.constant 26 : i32
    %add3A_698 = arith.addi %mul3A_2, %add3A_697 : i32
    %dma_wait3A_699 = arith.constant 53248 : i32
    %dma_wait3A_700 = tpu.memref_slice %arg5[%dma_wait3A_699] : memref<65536xf32, #tpu.memory_space<vmem>> -> memref<2048xf32, #tpu.memory_space<vmem>>
    %dma_wait3A_701 = arith.constant 0 : i32
    %dma_wait3A_702 = tpu.memref_slice %arg2[%add3A_698, %dma_wait3A_701] : memref<1024x2048xf32, #tpu.memory_space<hbm>> -> memref<1x2048xf32, #tpu.memory_space<hbm>>
    %dma_wait3A_703 = tpu.memref_squeeze %dma_wait3A_702 : memref<1x2048xf32, #tpu.memory_space<hbm>> -> memref<2048xf32, #tpu.memory_space<hbm>>
    %dma_wait3A_704 = arith.constant 53248 : i32
    %dma_wait3A_705 = tpu.memref_slice %arg5[%dma_wait3A_704] : memref<65536xf32, #tpu.memory_space<vmem>> -> memref<2048xf32, #tpu.memory_space<vmem>>
    %dma_wait3A_706 = arith.constant 0 : i32
    %dma_wait3A_707 = tpu.memref_slice %arg2[%add3A_698, %dma_wait3A_706] : memref<1024x2048xf32, #tpu.memory_space<hbm>> -> memref<1x2048xf32, #tpu.memory_space<hbm>>
    %dma_wait3A_708 = tpu.memref_squeeze %dma_wait3A_707 : memref<1x2048xf32, #tpu.memory_space<hbm>> -> memref<2048xf32, #tpu.memory_space<hbm>>
    tpu.wait_dma2 semaphore(%arg9 : memref<!tpu.dma_semaphore, #tpu.memory_space<semaphore_mem>>) src(%dma_wait3A_708 : memref<2048xf32, #tpu.memory_space<hbm>>) dst(%dma_wait3A_705 : memref<2048xf32, #tpu.memory_space<vmem>>)
    %add3A_709 = arith.constant 27 : i32
    %add3A_710 = arith.addi %mul3A_2, %add3A_709 : i32
    %dma_wait3A_711 = arith.constant 55296 : i32
    %dma_wait3A_712 = tpu.memref_slice %arg5[%dma_wait3A_711] : memref<65536xf32, #tpu.memory_space<vmem>> -> memref<2048xf32, #tpu.memory_space<vmem>>
    %dma_wait3A_713 = arith.constant 0 : i32
    %dma_wait3A_714 = tpu.memref_slice %arg2[%add3A_710, %dma_wait3A_713] : memref<1024x2048xf32, #tpu.memory_space<hbm>> -> memref<1x2048xf32, #tpu.memory_space<hbm>>
    %dma_wait3A_715 = tpu.memref_squeeze %dma_wait3A_714 : memref<1x2048xf32, #tpu.memory_space<hbm>> -> memref<2048xf32, #tpu.memory_space<hbm>>
    %dma_wait3A_716 = arith.constant 55296 : i32
    %dma_wait3A_717 = tpu.memref_slice %arg5[%dma_wait3A_716] : memref<65536xf32, #tpu.memory_space<vmem>> -> memref<2048xf32, #tpu.memory_space<vmem>>
    %dma_wait3A_718 = arith.constant 0 : i32
    %dma_wait3A_719 = tpu.memref_slice %arg2[%add3A_710, %dma_wait3A_718] : memref<1024x2048xf32, #tpu.memory_space<hbm>> -> memref<1x2048xf32, #tpu.memory_space<hbm>>
    %dma_wait3A_720 = tpu.memref_squeeze %dma_wait3A_719 : memref<1x2048xf32, #tpu.memory_space<hbm>> -> memref<2048xf32, #tpu.memory_space<hbm>>
    tpu.wait_dma2 semaphore(%arg9 : memref<!tpu.dma_semaphore, #tpu.memory_space<semaphore_mem>>) src(%dma_wait3A_720 : memref<2048xf32, #tpu.memory_space<hbm>>) dst(%dma_wait3A_717 : memref<2048xf32, #tpu.memory_space<vmem>>)
    %add3A_721 = arith.constant 28 : i32
    %add3A_722 = arith.addi %mul3A_2, %add3A_721 : i32
    %dma_wait3A_723 = arith.constant 57344 : i32
    %dma_wait3A_724 = tpu.memref_slice %arg5[%dma_wait3A_723] : memref<65536xf32, #tpu.memory_space<vmem>> -> memref<2048xf32, #tpu.memory_space<vmem>>
    %dma_wait3A_725 = arith.constant 0 : i32
    %dma_wait3A_726 = tpu.memref_slice %arg2[%add3A_722, %dma_wait3A_725] : memref<1024x2048xf32, #tpu.memory_space<hbm>> -> memref<1x2048xf32, #tpu.memory_space<hbm>>
    %dma_wait3A_727 = tpu.memref_squeeze %dma_wait3A_726 : memref<1x2048xf32, #tpu.memory_space<hbm>> -> memref<2048xf32, #tpu.memory_space<hbm>>
    %dma_wait3A_728 = arith.constant 57344 : i32
    %dma_wait3A_729 = tpu.memref_slice %arg5[%dma_wait3A_728] : memref<65536xf32, #tpu.memory_space<vmem>> -> memref<2048xf32, #tpu.memory_space<vmem>>
    %dma_wait3A_730 = arith.constant 0 : i32
    %dma_wait3A_731 = tpu.memref_slice %arg2[%add3A_722, %dma_wait3A_730] : memref<1024x2048xf32, #tpu.memory_space<hbm>> -> memref<1x2048xf32, #tpu.memory_space<hbm>>
    %dma_wait3A_732 = tpu.memref_squeeze %dma_wait3A_731 : memref<1x2048xf32, #tpu.memory_space<hbm>> -> memref<2048xf32, #tpu.memory_space<hbm>>
    tpu.wait_dma2 semaphore(%arg9 : memref<!tpu.dma_semaphore, #tpu.memory_space<semaphore_mem>>) src(%dma_wait3A_732 : memref<2048xf32, #tpu.memory_space<hbm>>) dst(%dma_wait3A_729 : memref<2048xf32, #tpu.memory_space<vmem>>)
    %add3A_733 = arith.constant 29 : i32
    %add3A_734 = arith.addi %mul3A_2, %add3A_733 : i32
    %dma_wait3A_735 = arith.constant 59392 : i32
    %dma_wait3A_736 = tpu.memref_slice %arg5[%dma_wait3A_735] : memref<65536xf32, #tpu.memory_space<vmem>> -> memref<2048xf32, #tpu.memory_space<vmem>>
    %dma_wait3A_737 = arith.constant 0 : i32
    %dma_wait3A_738 = tpu.memref_slice %arg2[%add3A_734, %dma_wait3A_737] : memref<1024x2048xf32, #tpu.memory_space<hbm>> -> memref<1x2048xf32, #tpu.memory_space<hbm>>
    %dma_wait3A_739 = tpu.memref_squeeze %dma_wait3A_738 : memref<1x2048xf32, #tpu.memory_space<hbm>> -> memref<2048xf32, #tpu.memory_space<hbm>>
    %dma_wait3A_740 = arith.constant 59392 : i32
    %dma_wait3A_741 = tpu.memref_slice %arg5[%dma_wait3A_740] : memref<65536xf32, #tpu.memory_space<vmem>> -> memref<2048xf32, #tpu.memory_space<vmem>>
    %dma_wait3A_742 = arith.constant 0 : i32
    %dma_wait3A_743 = tpu.memref_slice %arg2[%add3A_734, %dma_wait3A_742] : memref<1024x2048xf32, #tpu.memory_space<hbm>> -> memref<1x2048xf32, #tpu.memory_space<hbm>>
    %dma_wait3A_744 = tpu.memref_squeeze %dma_wait3A_743 : memref<1x2048xf32, #tpu.memory_space<hbm>> -> memref<2048xf32, #tpu.memory_space<hbm>>
    tpu.wait_dma2 semaphore(%arg9 : memref<!tpu.dma_semaphore, #tpu.memory_space<semaphore_mem>>) src(%dma_wait3A_744 : memref<2048xf32, #tpu.memory_space<hbm>>) dst(%dma_wait3A_741 : memref<2048xf32, #tpu.memory_space<vmem>>)
    %add3A_745 = arith.constant 30 : i32
    %add3A_746 = arith.addi %mul3A_2, %add3A_745 : i32
    %dma_wait3A_747 = arith.constant 61440 : i32
    %dma_wait3A_748 = tpu.memref_slice %arg5[%dma_wait3A_747] : memref<65536xf32, #tpu.memory_space<vmem>> -> memref<2048xf32, #tpu.memory_space<vmem>>
    %dma_wait3A_749 = arith.constant 0 : i32
    %dma_wait3A_750 = tpu.memref_slice %arg2[%add3A_746, %dma_wait3A_749] : memref<1024x2048xf32, #tpu.memory_space<hbm>> -> memref<1x2048xf32, #tpu.memory_space<hbm>>
    %dma_wait3A_751 = tpu.memref_squeeze %dma_wait3A_750 : memref<1x2048xf32, #tpu.memory_space<hbm>> -> memref<2048xf32, #tpu.memory_space<hbm>>
    %dma_wait3A_752 = arith.constant 61440 : i32
    %dma_wait3A_753 = tpu.memref_slice %arg5[%dma_wait3A_752] : memref<65536xf32, #tpu.memory_space<vmem>> -> memref<2048xf32, #tpu.memory_space<vmem>>
    %dma_wait3A_754 = arith.constant 0 : i32
    %dma_wait3A_755 = tpu.memref_slice %arg2[%add3A_746, %dma_wait3A_754] : memref<1024x2048xf32, #tpu.memory_space<hbm>> -> memref<1x2048xf32, #tpu.memory_space<hbm>>
    %dma_wait3A_756 = tpu.memref_squeeze %dma_wait3A_755 : memref<1x2048xf32, #tpu.memory_space<hbm>> -> memref<2048xf32, #tpu.memory_space<hbm>>
    tpu.wait_dma2 semaphore(%arg9 : memref<!tpu.dma_semaphore, #tpu.memory_space<semaphore_mem>>) src(%dma_wait3A_756 : memref<2048xf32, #tpu.memory_space<hbm>>) dst(%dma_wait3A_753 : memref<2048xf32, #tpu.memory_space<vmem>>)
    %add3A_757 = arith.constant 31 : i32
    %add3A_758 = arith.addi %mul3A_2, %add3A_757 : i32
    %dma_wait3A_759 = arith.constant 63488 : i32
    %dma_wait3A_760 = tpu.memref_slice %arg5[%dma_wait3A_759] : memref<65536xf32, #tpu.memory_space<vmem>> -> memref<2048xf32, #tpu.memory_space<vmem>>
    %dma_wait3A_761 = arith.constant 0 : i32
    %dma_wait3A_762 = tpu.memref_slice %arg2[%add3A_758, %dma_wait3A_761] : memref<1024x2048xf32, #tpu.memory_space<hbm>> -> memref<1x2048xf32, #tpu.memory_space<hbm>>
    %dma_wait3A_763 = tpu.memref_squeeze %dma_wait3A_762 : memref<1x2048xf32, #tpu.memory_space<hbm>> -> memref<2048xf32, #tpu.memory_space<hbm>>
    %dma_wait3A_764 = arith.constant 63488 : i32
    %dma_wait3A_765 = tpu.memref_slice %arg5[%dma_wait3A_764] : memref<65536xf32, #tpu.memory_space<vmem>> -> memref<2048xf32, #tpu.memory_space<vmem>>
    %dma_wait3A_766 = arith.constant 0 : i32
    %dma_wait3A_767 = tpu.memref_slice %arg2[%add3A_758, %dma_wait3A_766] : memref<1024x2048xf32, #tpu.memory_space<hbm>> -> memref<1x2048xf32, #tpu.memory_space<hbm>>
    %dma_wait3A_768 = tpu.memref_squeeze %dma_wait3A_767 : memref<1x2048xf32, #tpu.memory_space<hbm>> -> memref<2048xf32, #tpu.memory_space<hbm>>
    tpu.wait_dma2 semaphore(%arg9 : memref<!tpu.dma_semaphore, #tpu.memory_space<semaphore_mem>>) src(%dma_wait3A_768 : memref<2048xf32, #tpu.memory_space<hbm>>) dst(%dma_wait3A_765 : memref<2048xf32, #tpu.memory_space<vmem>>)
    tpu.wait_dma2 semaphore(%arg10 : memref<!tpu.dma_semaphore, #tpu.memory_space<semaphore_mem>>) src(%arg3 : memref<40960xf32, #tpu.memory_space<hbm>>) dst(%arg6 : memref<40960xf32, #tpu.memory_space<vmem>>)
    %scan3A = arith.constant 0 : i32
    %scan3A_769 = arith.constant 16 : i32
    %scan3A_770 = arith.addi %scan3A, %scan3A_769 : i32
    %scan3A_771 = arith.constant 1 : i32
    scf.for %scan3A_799 = %scan3A to %scan3A_770 step %scan3A_771  : i32 {
      %mul3A_800 = arith.constant 1 : i32
      %mul3A_801 = arith.muli %scan3A_799, %mul3A_800 : i32
      %add3A_802 = arith.constant 0 : i32
      %add3A_803 = arith.addi %add3A_802, %mul3A_801 : i32
      %mul3A_804 = arith.constant 16 : i32
      %mul3A_805 = arith.muli %add3A_803, %mul3A_804 : i32
      %add3A_806 = arith.constant 0 : i32
      %add3A_807 = arith.addi %add3A_806, %mul3A_805 : i32
      %get3A = arith.index_cast %add3A_807 : i32 to index
      %get3A_808 = tpu.vector_load %arg6[%get3A] {strides = array<i32>} : memref<40960xf32, #tpu.memory_space<vmem>>, vector<16xf32>,
      %bitcast3A = vector.bitcast %get3A_808 : vector<16xf32> to vector<16xi32>
      %and3A = arith.constant 65535 : i32
      %and3A_809 = vector.broadcast %and3A : i32 to vector<16xi32>
      %and3A_810 = arith.andi %bitcast3A, %and3A_809 : vector<16xi32>
      %shift_right_logical3A = arith.constant 16 : i32
      %shift_right_logical3A_811 = vector.broadcast %shift_right_logical3A : i32 to vector<16xi32>
      %shift_right_logical3A_812 = arith.shrui %bitcast3A, %shift_right_logical3A_811 : vector<16xi32>
      %add3A_813 = arith.constant 8192 : i32
      %add3A_814 = arith.addi %add3A_813, %add3A_807 : i32
      %get3A_815 = arith.index_cast %add3A_814 : i32 to index
      %get3A_816 = tpu.vector_load %arg6[%get3A_815] {strides = array<i32>} : memref<40960xf32, #tpu.memory_space<vmem>>, vector<16xf32>,
      %add3A_817 = arith.constant 16384 : i32
      %add3A_818 = arith.addi %add3A_817, %add3A_807 : i32
      %get3A_819 = arith.index_cast %add3A_818 : i32 to index
      %get3A_820 = tpu.vector_load %arg6[%get3A_819] {strides = array<i32>} : memref<40960xf32, #tpu.memory_space<vmem>>, vector<16xf32>,
      %add3A_821 = arith.constant 24576 : i32
      %add3A_822 = arith.addi %add3A_821, %add3A_807 : i32
      %get3A_823 = arith.index_cast %add3A_822 : i32 to index
      %get3A_824 = tpu.vector_load %arg6[%get3A_823] {strides = array<i32>} : memref<40960xf32, #tpu.memory_space<vmem>>, vector<16xf32>,
      %add3A_825 = arith.constant 32768 : i32
      %add3A_826 = arith.addi %add3A_825, %add3A_807 : i32
      %get3A_827 = arith.index_cast %add3A_826 : i32 to index
      %get3A_828 = tpu.vector_load %arg6[%get3A_827] {strides = array<i32>} : memref<40960xf32, #tpu.memory_space<vmem>>, vector<16xf32>,
      %mul3A_829 = arith.constant 16 : i32
      %mul3A_830 = arith.muli %add3A_803, %mul3A_829 : i32
      %parallel_loop3A = arith.constant 0 : i32
      %parallel_loop3A_831 = arith.constant 32 : i32
      %parallel_loop3A_832 = arith.constant 1 : i32
      scf.for %parallel_loop3A_833 = %parallel_loop3A to %parallel_loop3A_831 step %parallel_loop3A_832  : i32 {
        %parallel_loop3A_834 = arith.constant 2048 : i32
        %parallel_loop3A_835 = arith.muli %parallel_loop3A_833, %parallel_loop3A_834 : i32
        %parallel_loop3A_836 = vector.broadcast %parallel_loop3A_835 : i32 to vector<16xi32>
        %parallel_loop3A_837 = arith.addi %and3A_810, %parallel_loop3A_836 : vector<16xi32>
        %parallel_loop3A_838 = tpu.vector_load_idx %arg5[%parallel_loop3A_837] : memref<65536xf32, #tpu.memory_space<vmem>>[vector<16xi32>], vector<16xf32>,
        %parallel_loop3A_839 = vector.broadcast %parallel_loop3A_835 : i32 to vector<16xi32>
        %parallel_loop3A_840 = arith.addi %shift_right_logical3A_812, %parallel_loop3A_839 : vector<16xi32>
        %parallel_loop3A_841 = tpu.vector_load_idx %arg5[%parallel_loop3A_840] : memref<65536xf32, #tpu.memory_space<vmem>>[vector<16xi32>], vector<16xf32>,
        %parallel_loop3A_842 = arith.mulf %parallel_loop3A_838, %get3A_820 : vector<16xf32>
        %parallel_loop3A_843 = arith.addf %get3A_816, %parallel_loop3A_842 : vector<16xf32>
        %parallel_loop3A_844 = arith.mulf %parallel_loop3A_838, %get3A_828 : vector<16xf32>
        %parallel_loop3A_845 = arith.addf %get3A_824, %parallel_loop3A_844 : vector<16xf32>
        %parallel_loop3A_846 = arith.mulf %parallel_loop3A_841, %parallel_loop3A_845 : vector<16xf32>
        %parallel_loop3A_847 = arith.addf %parallel_loop3A_843, %parallel_loop3A_846 : vector<16xf32>
        %parallel_loop3A_848 = arith.index_cast %parallel_loop3A_833 : i32 to index
        %parallel_loop3A_849 = arith.index_cast %mul3A_830 : i32 to index
        %parallel_loop3A_850 = tpu.vector_load %arg7[%parallel_loop3A_848, %parallel_loop3A_849] {strides = array<i32>} : memref<32x256xf32, #tpu.memory_space<vmem>>, vector<16xf32>,
        tpu.vector_store %arg7[%parallel_loop3A_848, %parallel_loop3A_849], %parallel_loop3A_847 {strides = array<i32>} : memref<32x256xf32, #tpu.memory_space<vmem>>, vector<16xf32>,
      } {sc.loop_unroll_factor = 4 : i64, sc.parallel_access}
    }
    %scan3A_772 = arith.constant 16 : i32
    %dma_start3A_773 = arith.constant 0 : i32
    %dma_start3A_774 = tpu.memref_slice %arg4[%mul3A_2, %dma_start3A_773] : memref<1024x8192xf32, #tpu.memory_space<hbm>> -> memref<32x256xf32, #tpu.memory_space<hbm>>
    %dma_start3A_775 = arith.constant 0 : i32
    %dma_start3A_776 = tpu.memref_slice %arg4[%mul3A_2, %dma_start3A_775] : memref<1024x8192xf32, #tpu.memory_space<hbm>> -> memref<32x256xf32, #tpu.memory_space<hbm>>
    tpu.enqueue_dma source(%arg7 : memref<32x256xf32, #tpu.memory_space<vmem>>) target(%dma_start3A_776 : memref<32x256xf32, #tpu.memory_space<hbm>>) target_semaphore(%arg11 : memref<!tpu.dma_semaphore, #tpu.memory_space<semaphore_mem>>)
    %scan3A_777 = arith.constant 0 : i32
    %scan3A_778 = arith.constant 16 : i32
    %scan3A_779 = arith.addi %scan3A_777, %scan3A_778 : i32
    %scan3A_780 = arith.constant 1 : i32
    scf.for %scan3A_799 = %scan3A_777 to %scan3A_779 step %scan3A_780  : i32 {
      %mul3A_800 = arith.constant 1 : i32
      %mul3A_801 = arith.muli %scan3A_799, %mul3A_800 : i32
      %add3A_802 = arith.constant 0 : i32
      %add3A_803 = arith.addi %add3A_802, %mul3A_801 : i32
      %mul3A_804 = arith.constant 16 : i32
      %mul3A_805 = arith.muli %add3A_803, %mul3A_804 : i32
      %add3A_806 = arith.constant 256 : i32
      %add3A_807 = arith.addi %add3A_806, %mul3A_805 : i32
      %get3A = arith.index_cast %add3A_807 : i32 to index
      %get3A_808 = tpu.vector_load %arg6[%get3A] {strides = array<i32>} : memref<40960xf32, #tpu.memory_space<vmem>>, vector<16xf32>,
      %bitcast3A = vector.bitcast %get3A_808 : vector<16xf32> to vector<16xi32>
      %and3A = arith.constant 65535 : i32
      %and3A_809 = vector.broadcast %and3A : i32 to vector<16xi32>
      %and3A_810 = arith.andi %bitcast3A, %and3A_809 : vector<16xi32>
      %shift_right_logical3A = arith.constant 16 : i32
      %shift_right_logical3A_811 = vector.broadcast %shift_right_logical3A : i32 to vector<16xi32>
      %shift_right_logical3A_812 = arith.shrui %bitcast3A, %shift_right_logical3A_811 : vector<16xi32>
      %add3A_813 = arith.constant 8192 : i32
      %add3A_814 = arith.addi %add3A_813, %add3A_807 : i32
      %get3A_815 = arith.index_cast %add3A_814 : i32 to index
      %get3A_816 = tpu.vector_load %arg6[%get3A_815] {strides = array<i32>} : memref<40960xf32, #tpu.memory_space<vmem>>, vector<16xf32>,
      %add3A_817 = arith.constant 16384 : i32
      %add3A_818 = arith.addi %add3A_817, %add3A_807 : i32
      %get3A_819 = arith.index_cast %add3A_818 : i32 to index
      %get3A_820 = tpu.vector_load %arg6[%get3A_819] {strides = array<i32>} : memref<40960xf32, #tpu.memory_space<vmem>>, vector<16xf32>,
      %add3A_821 = arith.constant 24576 : i32
      %add3A_822 = arith.addi %add3A_821, %add3A_807 : i32
      %get3A_823 = arith.index_cast %add3A_822 : i32 to index
      %get3A_824 = tpu.vector_load %arg6[%get3A_823] {strides = array<i32>} : memref<40960xf32, #tpu.memory_space<vmem>>, vector<16xf32>,
      %add3A_825 = arith.constant 32768 : i32
      %add3A_826 = arith.addi %add3A_825, %add3A_807 : i32
      %get3A_827 = arith.index_cast %add3A_826 : i32 to index
      %get3A_828 = tpu.vector_load %arg6[%get3A_827] {strides = array<i32>} : memref<40960xf32, #tpu.memory_space<vmem>>, vector<16xf32>,
      %mul3A_829 = arith.constant 16 : i32
      %mul3A_830 = arith.muli %add3A_803, %mul3A_829 : i32
      %parallel_loop3A = arith.constant 0 : i32
      %parallel_loop3A_831 = arith.constant 32 : i32
      %parallel_loop3A_832 = arith.constant 1 : i32
      scf.for %parallel_loop3A_833 = %parallel_loop3A to %parallel_loop3A_831 step %parallel_loop3A_832  : i32 {
        %parallel_loop3A_834 = arith.constant 2048 : i32
        %parallel_loop3A_835 = arith.muli %parallel_loop3A_833, %parallel_loop3A_834 : i32
        %parallel_loop3A_836 = vector.broadcast %parallel_loop3A_835 : i32 to vector<16xi32>
        %parallel_loop3A_837 = arith.addi %and3A_810, %parallel_loop3A_836 : vector<16xi32>
        %parallel_loop3A_838 = tpu.vector_load_idx %arg5[%parallel_loop3A_837] : memref<65536xf32, #tpu.memory_space<vmem>>[vector<16xi32>], vector<16xf32>,
        %parallel_loop3A_839 = vector.broadcast %parallel_loop3A_835 : i32 to vector<16xi32>
        %parallel_loop3A_840 = arith.addi %shift_right_logical3A_812, %parallel_loop3A_839 : vector<16xi32>
        %parallel_loop3A_841 = tpu.vector_load_idx %arg5[%parallel_loop3A_840] : memref<65536xf32, #tpu.memory_space<vmem>>[vector<16xi32>], vector<16xf32>,
        %parallel_loop3A_842 = arith.mulf %parallel_loop3A_838, %get3A_820 : vector<16xf32>
        %parallel_loop3A_843 = arith.addf %get3A_816, %parallel_loop3A_842 : vector<16xf32>
        %parallel_loop3A_844 = arith.mulf %parallel_loop3A_838, %get3A_828 : vector<16xf32>
        %parallel_loop3A_845 = arith.addf %get3A_824, %parallel_loop3A_844 : vector<16xf32>
        %parallel_loop3A_846 = arith.mulf %parallel_loop3A_841, %parallel_loop3A_845 : vector<16xf32>
        %parallel_loop3A_847 = arith.addf %parallel_loop3A_843, %parallel_loop3A_846 : vector<16xf32>
        %parallel_loop3A_848 = arith.index_cast %parallel_loop3A_833 : i32 to index
        %parallel_loop3A_849 = arith.index_cast %mul3A_830 : i32 to index
        %parallel_loop3A_850 = tpu.vector_load %arg8[%parallel_loop3A_848, %parallel_loop3A_849] {strides = array<i32>} : memref<32x256xf32, #tpu.memory_space<vmem>>, vector<16xf32>,
        tpu.vector_store %arg8[%parallel_loop3A_848, %parallel_loop3A_849], %parallel_loop3A_847 {strides = array<i32>} : memref<32x256xf32, #tpu.memory_space<vmem>>, vector<16xf32>,
      } {sc.loop_unroll_factor = 4 : i64, sc.parallel_access}
    }
    %scan3A_781 = arith.constant 16 : i32
    %dma_start3A_782 = arith.constant 256 : i32
    %dma_start3A_783 = tpu.memref_slice %arg4[%mul3A_2, %dma_start3A_782] : memref<1024x8192xf32, #tpu.memory_space<hbm>> -> memref<32x256xf32, #tpu.memory_space<hbm>>
    %dma_start3A_784 = arith.constant 256 : i32
    %dma_start3A_785 = tpu.memref_slice %arg4[%mul3A_2, %dma_start3A_784] : memref<1024x8192xf32, #tpu.memory_space<hbm>> -> memref<32x256xf32, #tpu.memory_space<hbm>>
    tpu.enqueue_dma source(%arg8 : memref<32x256xf32, #tpu.memory_space<vmem>>) target(%dma_start3A_785 : memref<32x256xf32, #tpu.memory_space<hbm>>) target_semaphore(%arg12 : memref<!tpu.dma_semaphore, #tpu.memory_space<semaphore_mem>>)
    %scan3A_786 = arith.constant 0 : i32
    %scan3A_787 = arith.constant 15 : i32
    %scan3A_788 = arith.addi %scan3A_786, %scan3A_787 : i32
    %scan3A_789 = arith.constant 1 : i32
    scf.for %scan3A_799 = %scan3A_786 to %scan3A_788 step %scan3A_789  : i32 {
      %mul3A_800 = arith.constant 1 : i32
      %mul3A_801 = arith.muli %scan3A_799, %mul3A_800 : i32
      %add3A_802 = arith.constant 1 : i32
      %add3A_803 = arith.addi %add3A_802, %mul3A_801 : i32
      %mul3A_804 = arith.constant 2 : i32
      %mul3A_805 = arith.muli %mul3A_804, %add3A_803 : i32
      %mul3A_806 = arith.constant 256 : i32
      %mul3A_807 = arith.muli %mul3A_805, %mul3A_806 : i32
      %dma_wait3A_808 = tpu.memref_slice %arg4[%mul3A_2, %mul3A_807] : memref<1024x8192xf32, #tpu.memory_space<hbm>> -> memref<32x256xf32, #tpu.memory_space<hbm>>
      %dma_wait3A_809 = tpu.memref_slice %arg4[%mul3A_2, %mul3A_807] : memref<1024x8192xf32, #tpu.memory_space<hbm>> -> memref<32x256xf32, #tpu.memory_space<hbm>>
      tpu.wait_dma2 semaphore(%arg11 : memref<!tpu.dma_semaphore, #tpu.memory_space<semaphore_mem>>) src(%arg7 : memref<32x256xf32, #tpu.memory_space<vmem>>) dst(%dma_wait3A_809 : memref<32x256xf32, #tpu.memory_space<hbm>>)
      %scan3A_810 = arith.constant 0 : i32
      %scan3A_811 = arith.constant 16 : i32
      %scan3A_812 = arith.addi %scan3A_810, %scan3A_811 : i32
      %scan3A_813 = arith.constant 1 : i32
      scf.for %scan3A_832 = %scan3A_810 to %scan3A_812 step %scan3A_813  : i32 {
        %mul3A_833 = arith.constant 1 : i32
        %mul3A_834 = arith.muli %scan3A_832, %mul3A_833 : i32
        %add3A_835 = arith.constant 0 : i32
        %add3A_836 = arith.addi %add3A_835, %mul3A_834 : i32
        %mul3A_837 = arith.constant 16 : i32
        %mul3A_838 = arith.muli %add3A_836, %mul3A_837 : i32
        %add3A_839 = arith.addi %mul3A_807, %mul3A_838 : i32
        %get3A = arith.index_cast %add3A_839 : i32 to index
        %get3A_840 = tpu.vector_load %arg6[%get3A] {strides = array<i32>} : memref<40960xf32, #tpu.memory_space<vmem>>, vector<16xf32>,
        %bitcast3A = vector.bitcast %get3A_840 : vector<16xf32> to vector<16xi32>
        %and3A = arith.constant 65535 : i32
        %and3A_841 = vector.broadcast %and3A : i32 to vector<16xi32>
        %and3A_842 = arith.andi %bitcast3A, %and3A_841 : vector<16xi32>
        %shift_right_logical3A = arith.constant 16 : i32
        %shift_right_logical3A_843 = vector.broadcast %shift_right_logical3A : i32 to vector<16xi32>
        %shift_right_logical3A_844 = arith.shrui %bitcast3A, %shift_right_logical3A_843 : vector<16xi32>
        %add3A_845 = arith.constant 8192 : i32
        %add3A_846 = arith.addi %add3A_845, %add3A_839 : i32
        %get3A_847 = arith.index_cast %add3A_846 : i32 to index
        %get3A_848 = tpu.vector_load %arg6[%get3A_847] {strides = array<i32>} : memref<40960xf32, #tpu.memory_space<vmem>>, vector<16xf32>,
        %add3A_849 = arith.constant 16384 : i32
        %add3A_850 = arith.addi %add3A_849, %add3A_839 : i32
        %get3A_851 = arith.index_cast %add3A_850 : i32 to index
        %get3A_852 = tpu.vector_load %arg6[%get3A_851] {strides = array<i32>} : memref<40960xf32, #tpu.memory_space<vmem>>, vector<16xf32>,
        %add3A_853 = arith.constant 24576 : i32
        %add3A_854 = arith.addi %add3A_853, %add3A_839 : i32
        %get3A_855 = arith.index_cast %add3A_854 : i32 to index
        %get3A_856 = tpu.vector_load %arg6[%get3A_855] {strides = array<i32>} : memref<40960xf32, #tpu.memory_space<vmem>>, vector<16xf32>,
        %add3A_857 = arith.constant 32768 : i32
        %add3A_858 = arith.addi %add3A_857, %add3A_839 : i32
        %get3A_859 = arith.index_cast %add3A_858 : i32 to index
        %get3A_860 = tpu.vector_load %arg6[%get3A_859] {strides = array<i32>} : memref<40960xf32, #tpu.memory_space<vmem>>, vector<16xf32>,
        %mul3A_861 = arith.constant 16 : i32
        %mul3A_862 = arith.muli %add3A_836, %mul3A_861 : i32
        %parallel_loop3A = arith.constant 0 : i32
        %parallel_loop3A_863 = arith.constant 32 : i32
        %parallel_loop3A_864 = arith.constant 1 : i32
        scf.for %parallel_loop3A_865 = %parallel_loop3A to %parallel_loop3A_863 step %parallel_loop3A_864  : i32 {
          %parallel_loop3A_866 = arith.constant 2048 : i32
          %parallel_loop3A_867 = arith.muli %parallel_loop3A_865, %parallel_loop3A_866 : i32
          %parallel_loop3A_868 = vector.broadcast %parallel_loop3A_867 : i32 to vector<16xi32>
          %parallel_loop3A_869 = arith.addi %and3A_842, %parallel_loop3A_868 : vector<16xi32>
          %parallel_loop3A_870 = tpu.vector_load_idx %arg5[%parallel_loop3A_869] : memref<65536xf32, #tpu.memory_space<vmem>>[vector<16xi32>], vector<16xf32>,
          %parallel_loop3A_871 = vector.broadcast %parallel_loop3A_867 : i32 to vector<16xi32>
          %parallel_loop3A_872 = arith.addi %shift_right_logical3A_844, %parallel_loop3A_871 : vector<16xi32>
          %parallel_loop3A_873 = tpu.vector_load_idx %arg5[%parallel_loop3A_872] : memref<65536xf32, #tpu.memory_space<vmem>>[vector<16xi32>], vector<16xf32>,
          %parallel_loop3A_874 = arith.mulf %parallel_loop3A_870, %get3A_852 : vector<16xf32>
          %parallel_loop3A_875 = arith.addf %get3A_848, %parallel_loop3A_874 : vector<16xf32>
          %parallel_loop3A_876 = arith.mulf %parallel_loop3A_870, %get3A_860 : vector<16xf32>
          %parallel_loop3A_877 = arith.addf %get3A_856, %parallel_loop3A_876 : vector<16xf32>
          %parallel_loop3A_878 = arith.mulf %parallel_loop3A_873, %parallel_loop3A_877 : vector<16xf32>
          %parallel_loop3A_879 = arith.addf %parallel_loop3A_875, %parallel_loop3A_878 : vector<16xf32>
          %parallel_loop3A_880 = arith.index_cast %parallel_loop3A_865 : i32 to index
          %parallel_loop3A_881 = arith.index_cast %mul3A_862 : i32 to index
          %parallel_loop3A_882 = tpu.vector_load %arg7[%parallel_loop3A_880, %parallel_loop3A_881] {strides = array<i32>} : memref<32x256xf32, #tpu.memory_space<vmem>>, vector<16xf32>,
          tpu.vector_store %arg7[%parallel_loop3A_880, %parallel_loop3A_881], %parallel_loop3A_879 {strides = array<i32>} : memref<32x256xf32, #tpu.memory_space<vmem>>, vector<16xf32>,
        } {sc.loop_unroll_factor = 4 : i64, sc.parallel_access}
      }
      %scan3A_814 = arith.constant 16 : i32
      %dma_start3A_815 = tpu.memref_slice %arg4[%mul3A_2, %mul3A_807] : memref<1024x8192xf32, #tpu.memory_space<hbm>> -> memref<32x256xf32, #tpu.memory_space<hbm>>
      %dma_start3A_816 = tpu.memref_slice %arg4[%mul3A_2, %mul3A_807] : memref<1024x8192xf32, #tpu.memory_space<hbm>> -> memref<32x256xf32, #tpu.memory_space<hbm>>
      tpu.enqueue_dma source(%arg7 : memref<32x256xf32, #tpu.memory_space<vmem>>) target(%dma_start3A_816 : memref<32x256xf32, #tpu.memory_space<hbm>>) target_semaphore(%arg11 : memref<!tpu.dma_semaphore, #tpu.memory_space<semaphore_mem>>)
      %mul3A_817 = arith.constant 2 : i32
      %mul3A_818 = arith.muli %mul3A_817, %add3A_803 : i32
      %add3A_819 = arith.constant 1 : i32
      %add3A_820 = arith.addi %mul3A_818, %add3A_819 : i32
      %mul3A_821 = arith.constant 256 : i32
      %mul3A_822 = arith.muli %add3A_820, %mul3A_821 : i32
      %dma_wait3A_823 = tpu.memref_slice %arg4[%mul3A_2, %mul3A_822] : memref<1024x8192xf32, #tpu.memory_space<hbm>> -> memref<32x256xf32, #tpu.memory_space<hbm>>
      %dma_wait3A_824 = tpu.memref_slice %arg4[%mul3A_2, %mul3A_822] : memref<1024x8192xf32, #tpu.memory_space<hbm>> -> memref<32x256xf32, #tpu.memory_space<hbm>>
      tpu.wait_dma2 semaphore(%arg12 : memref<!tpu.dma_semaphore, #tpu.memory_space<semaphore_mem>>) src(%arg8 : memref<32x256xf32, #tpu.memory_space<vmem>>) dst(%dma_wait3A_824 : memref<32x256xf32, #tpu.memory_space<hbm>>)
      %scan3A_825 = arith.constant 0 : i32
      %scan3A_826 = arith.constant 16 : i32
      %scan3A_827 = arith.addi %scan3A_825, %scan3A_826 : i32
      %scan3A_828 = arith.constant 1 : i32
      scf.for %scan3A_832 = %scan3A_825 to %scan3A_827 step %scan3A_828  : i32 {
        %mul3A_833 = arith.constant 1 : i32
        %mul3A_834 = arith.muli %scan3A_832, %mul3A_833 : i32
        %add3A_835 = arith.constant 0 : i32
        %add3A_836 = arith.addi %add3A_835, %mul3A_834 : i32
        %mul3A_837 = arith.constant 16 : i32
        %mul3A_838 = arith.muli %add3A_836, %mul3A_837 : i32
        %add3A_839 = arith.addi %mul3A_822, %mul3A_838 : i32
        %get3A = arith.index_cast %add3A_839 : i32 to index
        %get3A_840 = tpu.vector_load %arg6[%get3A] {strides = array<i32>} : memref<40960xf32, #tpu.memory_space<vmem>>, vector<16xf32>,
        %bitcast3A = vector.bitcast %get3A_840 : vector<16xf32> to vector<16xi32>
        %and3A = arith.constant 65535 : i32
        %and3A_841 = vector.broadcast %and3A : i32 to vector<16xi32>
        %and3A_842 = arith.andi %bitcast3A, %and3A_841 : vector<16xi32>
        %shift_right_logical3A = arith.constant 16 : i32
        %shift_right_logical3A_843 = vector.broadcast %shift_right_logical3A : i32 to vector<16xi32>
        %shift_right_logical3A_844 = arith.shrui %bitcast3A, %shift_right_logical3A_843 : vector<16xi32>
        %add3A_845 = arith.constant 8192 : i32
        %add3A_846 = arith.addi %add3A_845, %add3A_839 : i32
        %get3A_847 = arith.index_cast %add3A_846 : i32 to index
        %get3A_848 = tpu.vector_load %arg6[%get3A_847] {strides = array<i32>} : memref<40960xf32, #tpu.memory_space<vmem>>, vector<16xf32>,
        %add3A_849 = arith.constant 16384 : i32
        %add3A_850 = arith.addi %add3A_849, %add3A_839 : i32
        %get3A_851 = arith.index_cast %add3A_850 : i32 to index
        %get3A_852 = tpu.vector_load %arg6[%get3A_851] {strides = array<i32>} : memref<40960xf32, #tpu.memory_space<vmem>>, vector<16xf32>,
        %add3A_853 = arith.constant 24576 : i32
        %add3A_854 = arith.addi %add3A_853, %add3A_839 : i32
        %get3A_855 = arith.index_cast %add3A_854 : i32 to index
        %get3A_856 = tpu.vector_load %arg6[%get3A_855] {strides = array<i32>} : memref<40960xf32, #tpu.memory_space<vmem>>, vector<16xf32>,
        %add3A_857 = arith.constant 32768 : i32
        %add3A_858 = arith.addi %add3A_857, %add3A_839 : i32
        %get3A_859 = arith.index_cast %add3A_858 : i32 to index
        %get3A_860 = tpu.vector_load %arg6[%get3A_859] {strides = array<i32>} : memref<40960xf32, #tpu.memory_space<vmem>>, vector<16xf32>,
        %mul3A_861 = arith.constant 16 : i32
        %mul3A_862 = arith.muli %add3A_836, %mul3A_861 : i32
        %parallel_loop3A = arith.constant 0 : i32
        %parallel_loop3A_863 = arith.constant 32 : i32
        %parallel_loop3A_864 = arith.constant 1 : i32
        scf.for %parallel_loop3A_865 = %parallel_loop3A to %parallel_loop3A_863 step %parallel_loop3A_864  : i32 {
          %parallel_loop3A_866 = arith.constant 2048 : i32
          %parallel_loop3A_867 = arith.muli %parallel_loop3A_865, %parallel_loop3A_866 : i32
          %parallel_loop3A_868 = vector.broadcast %parallel_loop3A_867 : i32 to vector<16xi32>
          %parallel_loop3A_869 = arith.addi %and3A_842, %parallel_loop3A_868 : vector<16xi32>
          %parallel_loop3A_870 = tpu.vector_load_idx %arg5[%parallel_loop3A_869] : memref<65536xf32, #tpu.memory_space<vmem>>[vector<16xi32>], vector<16xf32>,
          %parallel_loop3A_871 = vector.broadcast %parallel_loop3A_867 : i32 to vector<16xi32>
          %parallel_loop3A_872 = arith.addi %shift_right_logical3A_844, %parallel_loop3A_871 : vector<16xi32>
          %parallel_loop3A_873 = tpu.vector_load_idx %arg5[%parallel_loop3A_872] : memref<65536xf32, #tpu.memory_space<vmem>>[vector<16xi32>], vector<16xf32>,
          %parallel_loop3A_874 = arith.mulf %parallel_loop3A_870, %get3A_852 : vector<16xf32>
          %parallel_loop3A_875 = arith.addf %get3A_848, %parallel_loop3A_874 : vector<16xf32>
          %parallel_loop3A_876 = arith.mulf %parallel_loop3A_870, %get3A_860 : vector<16xf32>
          %parallel_loop3A_877 = arith.addf %get3A_856, %parallel_loop3A_876 : vector<16xf32>
          %parallel_loop3A_878 = arith.mulf %parallel_loop3A_873, %parallel_loop3A_877 : vector<16xf32>
          %parallel_loop3A_879 = arith.addf %parallel_loop3A_875, %parallel_loop3A_878 : vector<16xf32>
          %parallel_loop3A_880 = arith.index_cast %parallel_loop3A_865 : i32 to index
          %parallel_loop3A_881 = arith.index_cast %mul3A_862 : i32 to index
          %parallel_loop3A_882 = tpu.vector_load %arg8[%parallel_loop3A_880, %parallel_loop3A_881] {strides = array<i32>} : memref<32x256xf32, #tpu.memory_space<vmem>>, vector<16xf32>,
          tpu.vector_store %arg8[%parallel_loop3A_880, %parallel_loop3A_881], %parallel_loop3A_879 {strides = array<i32>} : memref<32x256xf32, #tpu.memory_space<vmem>>, vector<16xf32>,
        } {sc.loop_unroll_factor = 4 : i64, sc.parallel_access}
      }
      %scan3A_829 = arith.constant 16 : i32
      %dma_start3A_830 = tpu.memref_slice %arg4[%mul3A_2, %mul3A_822] : memref<1024x8192xf32, #tpu.memory_space<hbm>> -> memref<32x256xf32, #tpu.memory_space<hbm>>
      %dma_start3A_831 = tpu.memref_slice %arg4[%mul3A_2, %mul3A_822] : memref<1024x8192xf32, #tpu.memory_space<hbm>> -> memref<32x256xf32, #tpu.memory_space<hbm>>
      tpu.enqueue_dma source(%arg8 : memref<32x256xf32, #tpu.memory_space<vmem>>) target(%dma_start3A_831 : memref<32x256xf32, #tpu.memory_space<hbm>>) target_semaphore(%arg12 : memref<!tpu.dma_semaphore, #tpu.memory_space<semaphore_mem>>)
    }
    %scan3A_790 = arith.constant 15 : i32
    %dma_wait3A_791 = arith.constant 0 : i32
    %dma_wait3A_792 = tpu.memref_slice %arg4[%mul3A_2, %dma_wait3A_791] : memref<1024x8192xf32, #tpu.memory_space<hbm>> -> memref<32x256xf32, #tpu.memory_space<hbm>>
    %dma_wait3A_793 = arith.constant 0 : i32
    %dma_wait3A_794 = tpu.memref_slice %arg4[%mul3A_2, %dma_wait3A_793] : memref<1024x8192xf32, #tpu.memory_space<hbm>> -> memref<32x256xf32, #tpu.memory_space<hbm>>
    tpu.wait_dma2 semaphore(%arg11 : memref<!tpu.dma_semaphore, #tpu.memory_space<semaphore_mem>>) src(%arg7 : memref<32x256xf32, #tpu.memory_space<vmem>>) dst(%dma_wait3A_794 : memref<32x256xf32, #tpu.memory_space<hbm>>)
    %dma_wait3A_795 = arith.constant 0 : i32
    %dma_wait3A_796 = tpu.memref_slice %arg4[%mul3A_2, %dma_wait3A_795] : memref<1024x8192xf32, #tpu.memory_space<hbm>> -> memref<32x256xf32, #tpu.memory_space<hbm>>
    %dma_wait3A_797 = arith.constant 0 : i32
    %dma_wait3A_798 = tpu.memref_slice %arg4[%mul3A_2, %dma_wait3A_797] : memref<1024x8192xf32, #tpu.memory_space<hbm>> -> memref<32x256xf32, #tpu.memory_space<hbm>>
    tpu.wait_dma2 semaphore(%arg12 : memref<!tpu.dma_semaphore, #tpu.memory_space<semaphore_mem>>) src(%arg8 : memref<32x256xf32, #tpu.memory_space<vmem>>) dst(%dma_wait3A_798 : memref<32x256xf32, #tpu.memory_space<hbm>>)
    return
  }
}

module attributes {stable_mosaic.version = 14 : i64} {
  func.func @_coef_body(%arg0: memref<16x8192xf32, #tpu.memory_space<vmem>>, %arg1: memref<2x8192xi32, #tpu.memory_space<vmem>>, %arg2: memref<40960xf32, #tpu.memory_space<vmem>>) attributes {dimension_semantics = [], scalar_prefetch = 0 : i64, scratch_operands = 0 : i64, tpu.core_type = #tpu.core_type<tc>} {
    %get3A = arith.constant 0 : index
    %get3A_0 = arith.constant 0 : index
    %get3A_1 = vector.load %arg0[%get3A, %get3A_0] : memref<16x8192xf32, #tpu.memory_space<vmem>>, vector<16x8192xf32>
    %reduce_max3A = arith.constant dense<0xFF800000> : vector<8192xf32>
    %reduce_max3A_2 = vector.multi_reduction <maximumf>, %get3A_1, %reduce_max3A [0] : vector<16x8192xf32> to vector<8192xf32>
    %broadcast_in_dim3A = vector.shape_cast %reduce_max3A_2 : vector<8192xf32> to vector<1x8192xf32>
    %sub3A = vector.broadcast %broadcast_in_dim3A : vector<1x8192xf32> to vector<16x8192xf32>
    %sub3A_3 = arith.subf %get3A_1, %sub3A : vector<16x8192xf32>
    %exp3A = math.exp %sub3A_3 : vector<16x8192xf32>
    %reduce_sum3A = arith.constant dense<0.000000e+00> : vector<8192xf32>
    %reduce_sum3A_4 = vector.multi_reduction <add>, %exp3A, %reduce_sum3A [0] : vector<16x8192xf32> to vector<8192xf32>
    %broadcast_in_dim3A_5 = vector.shape_cast %reduce_sum3A_4 : vector<8192xf32> to vector<1x8192xf32>
    %div3A = vector.broadcast %broadcast_in_dim3A_5 : vector<1x8192xf32> to vector<16x8192xf32>
    %div3A_6 = arith.divf %exp3A, %div3A : vector<16x8192xf32>
    %slice3A = vector.extract_strided_slice %div3A_6 {offsets = [8, 0], sizes = [1, 8192], strides = [1, 1]} : vector<16x8192xf32> to vector<1x8192xf32>
    %squeeze3A = vector.shape_cast %slice3A : vector<1x8192xf32> to vector<8192xf32>
    %slice3A_7 = vector.extract_strided_slice %div3A_6 {offsets = [9, 0], sizes = [1, 8192], strides = [1, 1]} : vector<16x8192xf32> to vector<1x8192xf32>
    %squeeze3A_8 = vector.shape_cast %slice3A_7 : vector<1x8192xf32> to vector<8192xf32>
    %add3A = arith.addf %squeeze3A, %squeeze3A_8 : vector<8192xf32>
    %slice3A_9 = vector.extract_strided_slice %div3A_6 {offsets = [10, 0], sizes = [1, 8192], strides = [1, 1]} : vector<16x8192xf32> to vector<1x8192xf32>
    %squeeze3A_10 = vector.shape_cast %slice3A_9 : vector<1x8192xf32> to vector<8192xf32>
    %add3A_11 = arith.addf %add3A, %squeeze3A_10 : vector<8192xf32>
    %slice3A_12 = vector.extract_strided_slice %div3A_6 {offsets = [11, 0], sizes = [1, 8192], strides = [1, 1]} : vector<16x8192xf32> to vector<1x8192xf32>
    %squeeze3A_13 = vector.shape_cast %slice3A_12 : vector<1x8192xf32> to vector<8192xf32>
    %add3A_14 = arith.addf %add3A_11, %squeeze3A_13 : vector<8192xf32>
    %slice3A_15 = vector.extract_strided_slice %div3A_6 {offsets = [12, 0], sizes = [1, 8192], strides = [1, 1]} : vector<16x8192xf32> to vector<1x8192xf32>
    %squeeze3A_16 = vector.shape_cast %slice3A_15 : vector<1x8192xf32> to vector<8192xf32>
    %add3A_17 = arith.addf %add3A_14, %squeeze3A_16 : vector<8192xf32>
    %slice3A_18 = vector.extract_strided_slice %div3A_6 {offsets = [13, 0], sizes = [1, 8192], strides = [1, 1]} : vector<16x8192xf32> to vector<1x8192xf32>
    %squeeze3A_19 = vector.shape_cast %slice3A_18 : vector<1x8192xf32> to vector<8192xf32>
    %add3A_20 = arith.addf %add3A_17, %squeeze3A_19 : vector<8192xf32>
    %slice3A_21 = vector.extract_strided_slice %div3A_6 {offsets = [14, 0], sizes = [1, 8192], strides = [1, 1]} : vector<16x8192xf32> to vector<1x8192xf32>
    %squeeze3A_22 = vector.shape_cast %slice3A_21 : vector<1x8192xf32> to vector<8192xf32>
    %add3A_23 = arith.addf %add3A_20, %squeeze3A_22 : vector<8192xf32>
    %slice3A_24 = vector.extract_strided_slice %div3A_6 {offsets = [15, 0], sizes = [1, 8192], strides = [1, 1]} : vector<16x8192xf32> to vector<1x8192xf32>
    %squeeze3A_25 = vector.shape_cast %slice3A_24 : vector<1x8192xf32> to vector<8192xf32>
    %add3A_26 = arith.addf %add3A_23, %squeeze3A_25 : vector<8192xf32>
    %slice3A_27 = vector.extract_strided_slice %div3A_6 {offsets = [2, 0], sizes = [1, 8192], strides = [1, 1]} : vector<16x8192xf32> to vector<1x8192xf32>
    %squeeze3A_28 = vector.shape_cast %slice3A_27 : vector<1x8192xf32> to vector<8192xf32>
    %slice3A_29 = vector.extract_strided_slice %div3A_6 {offsets = [3, 0], sizes = [1, 8192], strides = [1, 1]} : vector<16x8192xf32> to vector<1x8192xf32>
    %squeeze3A_30 = vector.shape_cast %slice3A_29 : vector<1x8192xf32> to vector<8192xf32>
    %add3A_31 = arith.addf %squeeze3A_28, %squeeze3A_30 : vector<8192xf32>
    %slice3A_32 = vector.extract_strided_slice %div3A_6 {offsets = [6, 0], sizes = [1, 8192], strides = [1, 1]} : vector<16x8192xf32> to vector<1x8192xf32>
    %squeeze3A_33 = vector.shape_cast %slice3A_32 : vector<1x8192xf32> to vector<8192xf32>
    %add3A_34 = arith.addf %add3A_31, %squeeze3A_33 : vector<8192xf32>
    %slice3A_35 = vector.extract_strided_slice %div3A_6 {offsets = [7, 0], sizes = [1, 8192], strides = [1, 1]} : vector<16x8192xf32> to vector<1x8192xf32>
    %squeeze3A_36 = vector.shape_cast %slice3A_35 : vector<1x8192xf32> to vector<8192xf32>
    %add3A_37 = arith.addf %add3A_34, %squeeze3A_36 : vector<8192xf32>
    %slice3A_38 = vector.extract_strided_slice %div3A_6 {offsets = [8, 0], sizes = [1, 8192], strides = [1, 1]} : vector<16x8192xf32> to vector<1x8192xf32>
    %squeeze3A_39 = vector.shape_cast %slice3A_38 : vector<1x8192xf32> to vector<8192xf32>
    %sub3A_40 = arith.subf %add3A_37, %squeeze3A_39 : vector<8192xf32>
    %slice3A_41 = vector.extract_strided_slice %div3A_6 {offsets = [9, 0], sizes = [1, 8192], strides = [1, 1]} : vector<16x8192xf32> to vector<1x8192xf32>
    %squeeze3A_42 = vector.shape_cast %slice3A_41 : vector<1x8192xf32> to vector<8192xf32>
    %sub3A_43 = arith.subf %sub3A_40, %squeeze3A_42 : vector<8192xf32>
    %slice3A_44 = vector.extract_strided_slice %div3A_6 {offsets = [12, 0], sizes = [1, 8192], strides = [1, 1]} : vector<16x8192xf32> to vector<1x8192xf32>
    %squeeze3A_45 = vector.shape_cast %slice3A_44 : vector<1x8192xf32> to vector<8192xf32>
    %sub3A_46 = arith.subf %sub3A_43, %squeeze3A_45 : vector<8192xf32>
    %slice3A_47 = vector.extract_strided_slice %div3A_6 {offsets = [13, 0], sizes = [1, 8192], strides = [1, 1]} : vector<16x8192xf32> to vector<1x8192xf32>
    %squeeze3A_48 = vector.shape_cast %slice3A_47 : vector<1x8192xf32> to vector<8192xf32>
    %sub3A_49 = arith.subf %sub3A_46, %squeeze3A_48 : vector<8192xf32>
    %slice3A_50 = vector.extract_strided_slice %div3A_6 {offsets = [4, 0], sizes = [1, 8192], strides = [1, 1]} : vector<16x8192xf32> to vector<1x8192xf32>
    %squeeze3A_51 = vector.shape_cast %slice3A_50 : vector<1x8192xf32> to vector<8192xf32>
    %slice3A_52 = vector.extract_strided_slice %div3A_6 {offsets = [5, 0], sizes = [1, 8192], strides = [1, 1]} : vector<16x8192xf32> to vector<1x8192xf32>
    %squeeze3A_53 = vector.shape_cast %slice3A_52 : vector<1x8192xf32> to vector<8192xf32>
    %add3A_54 = arith.addf %squeeze3A_51, %squeeze3A_53 : vector<8192xf32>
    %slice3A_55 = vector.extract_strided_slice %div3A_6 {offsets = [6, 0], sizes = [1, 8192], strides = [1, 1]} : vector<16x8192xf32> to vector<1x8192xf32>
    %squeeze3A_56 = vector.shape_cast %slice3A_55 : vector<1x8192xf32> to vector<8192xf32>
    %add3A_57 = arith.addf %add3A_54, %squeeze3A_56 : vector<8192xf32>
    %slice3A_58 = vector.extract_strided_slice %div3A_6 {offsets = [7, 0], sizes = [1, 8192], strides = [1, 1]} : vector<16x8192xf32> to vector<1x8192xf32>
    %squeeze3A_59 = vector.shape_cast %slice3A_58 : vector<1x8192xf32> to vector<8192xf32>
    %add3A_60 = arith.addf %add3A_57, %squeeze3A_59 : vector<8192xf32>
    %slice3A_61 = vector.extract_strided_slice %div3A_6 {offsets = [8, 0], sizes = [1, 8192], strides = [1, 1]} : vector<16x8192xf32> to vector<1x8192xf32>
    %squeeze3A_62 = vector.shape_cast %slice3A_61 : vector<1x8192xf32> to vector<8192xf32>
    %sub3A_63 = arith.subf %add3A_60, %squeeze3A_62 : vector<8192xf32>
    %slice3A_64 = vector.extract_strided_slice %div3A_6 {offsets = [9, 0], sizes = [1, 8192], strides = [1, 1]} : vector<16x8192xf32> to vector<1x8192xf32>
    %squeeze3A_65 = vector.shape_cast %slice3A_64 : vector<1x8192xf32> to vector<8192xf32>
    %sub3A_66 = arith.subf %sub3A_63, %squeeze3A_65 : vector<8192xf32>
    %slice3A_67 = vector.extract_strided_slice %div3A_6 {offsets = [10, 0], sizes = [1, 8192], strides = [1, 1]} : vector<16x8192xf32> to vector<1x8192xf32>
    %squeeze3A_68 = vector.shape_cast %slice3A_67 : vector<1x8192xf32> to vector<8192xf32>
    %sub3A_69 = arith.subf %sub3A_66, %squeeze3A_68 : vector<8192xf32>
    %slice3A_70 = vector.extract_strided_slice %div3A_6 {offsets = [11, 0], sizes = [1, 8192], strides = [1, 1]} : vector<16x8192xf32> to vector<1x8192xf32>
    %squeeze3A_71 = vector.shape_cast %slice3A_70 : vector<1x8192xf32> to vector<8192xf32>
    %sub3A_72 = arith.subf %sub3A_69, %squeeze3A_71 : vector<8192xf32>
    %slice3A_73 = vector.extract_strided_slice %div3A_6 {offsets = [1, 0], sizes = [1, 8192], strides = [1, 1]} : vector<16x8192xf32> to vector<1x8192xf32>
    %squeeze3A_74 = vector.shape_cast %slice3A_73 : vector<1x8192xf32> to vector<8192xf32>
    %slice3A_75 = vector.extract_strided_slice %div3A_6 {offsets = [2, 0], sizes = [1, 8192], strides = [1, 1]} : vector<16x8192xf32> to vector<1x8192xf32>
    %squeeze3A_76 = vector.shape_cast %slice3A_75 : vector<1x8192xf32> to vector<8192xf32>
    %sub3A_77 = arith.subf %squeeze3A_74, %squeeze3A_76 : vector<8192xf32>
    %slice3A_78 = vector.extract_strided_slice %div3A_6 {offsets = [4, 0], sizes = [1, 8192], strides = [1, 1]} : vector<16x8192xf32> to vector<1x8192xf32>
    %squeeze3A_79 = vector.shape_cast %slice3A_78 : vector<1x8192xf32> to vector<8192xf32>
    %sub3A_80 = arith.subf %sub3A_77, %squeeze3A_79 : vector<8192xf32>
    %slice3A_81 = vector.extract_strided_slice %div3A_6 {offsets = [6, 0], sizes = [1, 8192], strides = [1, 1]} : vector<16x8192xf32> to vector<1x8192xf32>
    %squeeze3A_82 = vector.shape_cast %slice3A_81 : vector<1x8192xf32> to vector<8192xf32>
    %mul3A = arith.constant 2.000000e+00 : f32
    %mul3A_83 = vector.broadcast %mul3A : f32 to vector<8192xf32>
    %mul3A_84 = arith.mulf %mul3A_83, %squeeze3A_82 : vector<8192xf32>
    %sub3A_85 = arith.subf %sub3A_80, %mul3A_84 : vector<8192xf32>
    %slice3A_86 = vector.extract_strided_slice %div3A_6 {offsets = [7, 0], sizes = [1, 8192], strides = [1, 1]} : vector<16x8192xf32> to vector<1x8192xf32>
    %squeeze3A_87 = vector.shape_cast %slice3A_86 : vector<1x8192xf32> to vector<8192xf32>
    %sub3A_88 = arith.subf %sub3A_85, %squeeze3A_87 : vector<8192xf32>
    %slice3A_89 = vector.extract_strided_slice %div3A_6 {offsets = [8, 0], sizes = [1, 8192], strides = [1, 1]} : vector<16x8192xf32> to vector<1x8192xf32>
    %squeeze3A_90 = vector.shape_cast %slice3A_89 : vector<1x8192xf32> to vector<8192xf32>
    %add3A_91 = arith.addf %sub3A_88, %squeeze3A_90 : vector<8192xf32>
    %slice3A_92 = vector.extract_strided_slice %div3A_6 {offsets = [9, 0], sizes = [1, 8192], strides = [1, 1]} : vector<16x8192xf32> to vector<1x8192xf32>
    %squeeze3A_93 = vector.shape_cast %slice3A_92 : vector<1x8192xf32> to vector<8192xf32>
    %mul3A_94 = arith.constant 2.000000e+00 : f32
    %mul3A_95 = vector.broadcast %mul3A_94 : f32 to vector<8192xf32>
    %mul3A_96 = arith.mulf %mul3A_95, %squeeze3A_93 : vector<8192xf32>
    %add3A_97 = arith.addf %add3A_91, %mul3A_96 : vector<8192xf32>
    %slice3A_98 = vector.extract_strided_slice %div3A_6 {offsets = [11, 0], sizes = [1, 8192], strides = [1, 1]} : vector<16x8192xf32> to vector<1x8192xf32>
    %squeeze3A_99 = vector.shape_cast %slice3A_98 : vector<1x8192xf32> to vector<8192xf32>
    %add3A_100 = arith.addf %add3A_97, %squeeze3A_99 : vector<8192xf32>
    %slice3A_101 = vector.extract_strided_slice %div3A_6 {offsets = [13, 0], sizes = [1, 8192], strides = [1, 1]} : vector<16x8192xf32> to vector<1x8192xf32>
    %squeeze3A_102 = vector.shape_cast %slice3A_101 : vector<1x8192xf32> to vector<8192xf32>
    %add3A_103 = arith.addf %add3A_100, %squeeze3A_102 : vector<8192xf32>
    %slice3A_104 = vector.extract_strided_slice %div3A_6 {offsets = [14, 0], sizes = [1, 8192], strides = [1, 1]} : vector<16x8192xf32> to vector<1x8192xf32>
    %squeeze3A_105 = vector.shape_cast %slice3A_104 : vector<1x8192xf32> to vector<8192xf32>
    %sub3A_106 = arith.subf %add3A_103, %squeeze3A_105 : vector<8192xf32>
    %get3A_107 = arith.constant 0 : index
    %get3A_108 = arith.constant 0 : index
    %get3A_109 = vector.load %arg1[%get3A_107, %get3A_108] : memref<2x8192xi32, #tpu.memory_space<vmem>>, vector<1x8192xi32>
    %get3A_110 = vector.shape_cast %get3A_109 : vector<1x8192xi32> to vector<8192xi32>
    %get3A_111 = arith.constant 1 : index
    %get3A_112 = arith.constant 0 : index
    %get3A_113 = vector.load %arg1[%get3A_111, %get3A_112] : memref<2x8192xi32, #tpu.memory_space<vmem>>, vector<1x8192xi32>
    %get3A_114 = vector.shape_cast %get3A_113 : vector<1x8192xi32> to vector<8192xi32>
    %shift_left3A = arith.constant 16 : i32
    %shift_left3A_115 = vector.broadcast %shift_left3A : i32 to vector<8192xi32>
    %shift_left3A_116 = arith.shli %get3A_114, %shift_left3A_115 : vector<8192xi32>
    %or3A = arith.ori %get3A_110, %shift_left3A_116 : vector<8192xi32>
    %bitcast_convert_type3A = tpu.bitcast %or3A : vector<8192xi32> -> vector<8192xf32>
    %swap3A = arith.constant 0 : index
    %swap3A_117 = vector.load %arg2[%swap3A] : memref<40960xf32, #tpu.memory_space<vmem>>, vector<8192xf32>
    tpu.vector_store %arg2[%swap3A], %bitcast_convert_type3A {strides = array<i32>} : memref<40960xf32, #tpu.memory_space<vmem>>, vector<8192xf32>,
    %swap3A_118 = arith.constant 8192 : index
    %swap3A_119 = vector.load %arg2[%swap3A_118] : memref<40960xf32, #tpu.memory_space<vmem>>, vector<8192xf32>
    tpu.vector_store %arg2[%swap3A_118], %add3A_26 {strides = array<i32>} : memref<40960xf32, #tpu.memory_space<vmem>>, vector<8192xf32>,
    %swap3A_120 = arith.constant 16384 : index
    %swap3A_121 = vector.load %arg2[%swap3A_120] : memref<40960xf32, #tpu.memory_space<vmem>>, vector<8192xf32>
    tpu.vector_store %arg2[%swap3A_120], %sub3A_49 {strides = array<i32>} : memref<40960xf32, #tpu.memory_space<vmem>>, vector<8192xf32>,
    %swap3A_122 = arith.constant 24576 : index
    %swap3A_123 = vector.load %arg2[%swap3A_122] : memref<40960xf32, #tpu.memory_space<vmem>>, vector<8192xf32>
    tpu.vector_store %arg2[%swap3A_122], %sub3A_72 {strides = array<i32>} : memref<40960xf32, #tpu.memory_space<vmem>>, vector<8192xf32>,
    %swap3A_124 = arith.constant 32768 : index
    %swap3A_125 = vector.load %arg2[%swap3A_124] : memref<40960xf32, #tpu.memory_space<vmem>>, vector<8192xf32>
    tpu.vector_store %arg2[%swap3A_124], %sub3A_106 {strides = array<i32>} : memref<40960xf32, #tpu.memory_space<vmem>>, vector<8192xf32>,
    return
  }
}

</mosaic_0001>

<sc_bundles>
// kernel: kernel.4.cloned.1.call-start
scs
__scs_entry_jumppad:
0x0: {  	(pc) =	sbr.rel $0x88, $3  }
0x1: {  	(tag) =	ssettag $0x0;
	lr =	simm.s32 $0x1  }
0x2: {  	[smem:$0x3F9E] =	sst lr;
	_ =	strace $0xD0000000  }
0x3: {  	_ = 	snop  }
0x4: {  	_ = 	snop  }
0x5: {  	_ = 	snop  }
0x6: {  	_ = 	snop  }
0x7: {  	_ = 	snop  }
__scs_overlays_trampoline_lowered:
0x8: {  	[smem:$0x3FAD] =	sst s0  }
0x9: {  	[smem:$0x3FAE] =	sst s1  }
0xa: {  	[smem:$0x3FAF] =	sst s2  }
0xb: {  	[smem:$0x3FB0] =	sst s3  }
0xc: {  	[smem:$0x3FB1] =	sst s4  }
0xd: {  	[smem:$0x3FB2] =	sst s5  }
0xe: {  	[smem:$0x3FB3] =	sst s6  }
0xf: {  	[smem:$0x3FB4] =	sst s7  }
0x10: {  	[smem:$0x3FB5] =	sst s8  }
0x11: {  	[smem:$0x3FB6] =	sst s9;
	s0 =	simm.s32 @!p0 $0x0  }
0x12: {  	s1 =	sld [smem:$0x3F9C];
	s0 =	simm.s32 @p0 $0x1  }
0x13: {  	[smem:$0x3FB7] =	sst s0;
	s0 =	simm.s32 @!p1 $0x0  }
0x14: {  	s2 =	sld [smem:$0x3F9B];
	s0 =	simm.s32 @p1 $0x1  }
0x15: {  	[smem:$0x3FB8] =	sst s0;
	s0 =	simm.s32 @!p2 $0x0  }
0x16: {  	s3 =	sld [smem:$0x3FDB];
	s0 =	simm.s32 @p2 $0x1  }
0x17: {  	s4 =	simm.s32 $0x1BF5;
	[smem:$0x3FBA] =	sst s0  }
0x18: {  	s0 =	sld [smem:$0x3F9D];
	_ =	swait.ge [sflag:s4], $0x0  }
0x19: {  	s7 =	sld [smem:$0x3F9E]  }
0x1a: {  	s8 =	sadd.s32 $0xFFFFE003, lr  }
0x1b: {  	s9 =	sadd.s32 $0xFFFFFEF7, lr;
	s5 =	simm.s32 $0xFFFFFFFF;
	p2 =	slt.u32 s8, $0xFFFFF086  }
0x1c: {  	p1 =	slt.u32 s9, $0xF7A;
	s5 =	simm.s32 @!p2 $0x0  }
0x1d: {  	s5 =	simm.s32 @p1 $0x1;
	p0 =	seq.s32 s7, s2  }
0x1e: {  	s7 =	smul.u32 @!p0 $0xF7A, s2;
	p2 =	seq.s32 @!p0 s5, $0x0  }
0x1f: {  	s9 =	smul.u32 $0xF7A, s1;
	s8 =	simm.s32 @!p0 $0x1BF5;
	p2 =	por !p2, p0  }
0x20: {  	[sflag:s8] =	ssyncset.s32 @!p0 $0xFFFFF086;
	s6 =	sadd.s32 @!p0 s3, s7;
	s7 =	simm.s32 @!p0 $0x108  }
0x21: {  	s3 =	sadd.s32 s3, s9;
	s6 =	sadd.s32 @!p0 $0x88, s6;
	s7 =	simm.s32 @p2 $0x1082  }
0x22: {  	[simem:s7], [sflag:s8] =	dma.local @!p0 [hbm:s6], $0xF7A  }
0x23: {  	s9 =	sor.u32 $0xD0000000, s2;
	s6 =	simm.s32 $0x108;
	_ =	swait.ge @!p0 [sflag:s8], $0x0  }
0x24: {  	s3 =	sadd.s32 $0x88, s3;
	s6 =	simm.s32 @!p1 $0x1082;
	[sflag:s4] =	ssyncset.s32 $0xFFFFF086  }
0x25: {  	[simem:s6], [sflag:s4] =	dma.local [hbm:s3], $0xF7A  }
0x26: {  	[smem:$0x3F9E] =	sst s1;
	(tag) =	ssettag s2;
	_ =	strace s9  }
0x27: {  	s1 =	sld [smem:$0x3FAE]  }
0x28: {  	s2 =	sld [smem:$0x3FAF]  }
0x29: {  	s4 =	sld [smem:$0x3FB1]  }
0x2a: {  	p0 =	seq.s32 s5, $0x0;
	s5 =	sld [smem:$0x3FB2]  }
0x2b: {  	s6 =	sld [smem:$0x3FB3]  }
0x2c: {  	s7 =	sld [smem:$0x3FB4]  }
0x2d: {  	s3 =	simm.s32 $0x108;
	s8 =	sld [smem:$0x3FB5]  }
0x2e: {  	s3 =	simm.s32 @!p0 $0x1082;
	s9 =	sld [smem:$0x3FB6]  }
0x2f: {  	lr =	sadd.s32 s0, s3;
	s0 =	sld [smem:$0x3FAD]  }
0x30: {  	s3 =	sld [smem:$0x3FB0]  }
0x31: {  	[smem:$0x3FB9] =	sst s10  }
0x32: {  	s10 =	sld [smem:$0x3FB7];
	_ =	sdelay $0x3  }
0x33: {  	p0 =	seq.s32 s10, $0x1;
	s10 =	sld [smem:$0x3FB9];
	_ =	sdelay $0x3  }
0x34: {  	[smem:$0x3FB9] =	sst s10  }
0x35: {  	s10 =	sld [smem:$0x3FB8];
	_ =	sdelay $0x3  }
0x36: {  	p1 =	seq.s32 s10, $0x1;
	s10 =	sld [smem:$0x3FB9];
	_ =	sdelay $0x3  }
0x37: {  	[smem:$0x3FB9] =	sst s10  }
0x38: {  	s10 =	sld [smem:$0x3FBA]  }
0x39: {  	_ = 	snop;
	(pc) =	sbr.ind lr, $3  }
0x3a: {  	_ = 	snop  }
0x3b: {  	_ = 	snop  }
0x3c: {  	p2 =	seq.s32 s10, $0x1;
	s10 =	sld [smem:$0x3FB9]  }
0x3d: {  	_ =	shalt  }
0x3e: {  	_ =	shalt  }
0x3f: {  	_ =	shalt  }
0x40: {  	_ =	shalt  }
0x41: {  	_ =	shalt  }
0x42: {  	_ =	shalt  }
0x43: {  	_ =	shalt  }
0x44: {  	_ =	shalt  }
0x45: {  	_ =	shalt  }
0x46: {  	_ =	shalt  }
0x47: {  	_ =	shalt  }
0x48: {  	_ =	shalt  }
0x49: {  	_ =	shalt  }
0x4a: {  	_ =	shalt  }
0x4b: {  	_ =	shalt  }
0x4c: {  	_ =	shalt  }
0x4d: {  	_ =	shalt  }
0x4e: {  	_ =	shalt  }
0x4f: {  	_ =	shalt  }
0x50: {  	_ =	shalt  }
0x51: {  	_ =	shalt  }
0x52: {  	_ =	shalt  }
0x53: {  	_ =	shalt  }
0x54: {  	_ =	shalt  }
0x55: {  	_ =	shalt  }
0x56: {  	_ =	shalt  }
0x57: {  	_ =	shalt  }
0x58: {  	_ =	shalt  }
0x59: {  	_ =	shalt  }
0x5a: {  	_ =	shalt  }
0x5b: {  	_ =	shalt  }
0x5c: {  	_ =	shalt  }
0x5d: {  	_ =	shalt  }
0x5e: {  	_ =	shalt  }
0x5f: {  	_ =	shalt  }
0x60: {  	_ =	shalt  }
0x61: {  	_ =	shalt  }
0x62: {  	_ =	shalt  }
0x63: {  	_ =	shalt  }
0x64: {  	_ =	shalt  }
0x65: {  	_ =	shalt  }
0x66: {  	_ =	shalt  }
0x67: {  	_ =	shalt  }
0x68: {  	_ =	shalt  }
0x69: {  	_ =	shalt  }
0x6a: {  	_ =	shalt  }
0x6b: {  	_ =	shalt  }
0x6c: {  	_ =	shalt  }
0x6d: {  	_ =	shalt  }
0x6e: {  	_ =	shalt  }
0x6f: {  	_ =	shalt  }
0x70: {  	_ =	shalt  }
0x71: {  	_ =	shalt  }
0x72: {  	_ =	shalt  }
0x73: {  	_ =	shalt  }
0x74: {  	_ =	shalt  }
0x75: {  	_ =	shalt  }
0x76: {  	_ =	shalt  }
0x77: {  	_ =	shalt  }
0x78: {  	_ =	shalt  }
0x79: {  	_ =	shalt  }
0x7a: {  	_ =	shalt  }
0x7b: {  	_ =	shalt  }
0x7c: {  	_ =	shalt  }
0x7d: {  	_ =	shalt  }
0x7e: {  	_ =	shalt  }
0x7f: {  	_ =	shalt  }
0x80: {  	_ =	shalt  }
0x81: {  	_ =	shalt  }
0x82: {  	_ =	shalt  }
0x83: {  	_ =	shalt  }
0x84: {  	_ =	shalt  }
0x85: {  	_ =	shalt  }
0x86: {  	_ =	shalt  }
0x87: {  	_ =	shalt  }
.Lfunc_end0:
.L_simem_size_0:
called_computation_lowered:
.L_overlay_start_0:
0x88: {  	s2 =	sld [smem:$0x3FD9]  }
0x89: {  	s3 =	sld [smem:$0x3FFE];
	_ =	sdelay $0x1  }
0x8a: {  	s1 =	srdreg.scid  }
0x8b: {  	s0 =	sand.u32 $0x1, s1  }
0x8c: {  	s17 =	sshll.u32 s0, $0xA;
	s2 =	sadd.s32 s3, s2  }
0x8d: {  	s2 =	sadd.s32 s2, s17  }
0x8e: {  	[smem:$0x3FC5] =	sst s2  }
0x8f: {  	_ = 	snop  }
0x90: {  	s2 =	sld [smem:$0x3FC9]  }
0x91: {  	s18 =	sld [smem:$0x3FD0];
	(tm) =	ssettm $0x1  }
0x92: {  	s4 =	sld [smem:$0x3FFB];
	_ =	sdelay $0x3  }
0x93: {  	_ =	strace s4  }
0x94: {  	s4 =	sld [smem:$0x3FFC];
	_ =	sdelay $0x3  }
0x95: {  	_ =	strace s4  }
0x96: {  	s4 =	sld [smem:$0x3FFD];
	_ =	sdelay $0x3  }
0x97: {  	_ =	strace s4  }
0x98: {  	_ =	strace $0x8FFFFFFF  }
0x99: {  	s19 =	sld [smem:$0x3FDB];
	_ =	sdelay $0x1  }
0x9a: {  	s5 =	simm.s32 $_scs_section_size  }
0x9b: {  	s6 =	simm.s32 $_size__tile_overlayer_lowered;
	s7 =	simm.s32 $_tile_overlayer_lowered  }
0x9c: {  	s22 =	simm.s32 $0x1BFF;
	s21 =	sshll.u32 s7, $0x1;
	s4 =	sadd.s32 s5, s19  }
0x9d: {  	s8 =	simm.s32 $0x0;
	s20 =	sshll.u32 s6, $0x1;
	s6 =	sadd.s32 s21, s4  }
0x9e: {  	[timem:s8], [sflag:s22] =	dma.local [hbm:s6], s20  }
0x9f: {  	_ =	swait.ge [sflag:s22], s20  }
0xa0: {  	s5 =	ssub.s32 $0x0, s20;
	[sflag:s22] =	ssyncset.done $0x0  }
0xa1: {  	[sflag:s22] =	ssyncadd.s32 s5;
	_ =	sdelay $0x1  }
0xa2: {  	s23 =	simm.s32 $0x1B8B  }
0xa3: {  	_ =	swait.ge [sflag:s23], $0x1  }
0xa4: {  	[sflag:s23] =	ssyncset.done $0x0  }
0xa5: {  	s25 =	simm.s32 $0x1B8E;
	s24 =	sld [smem:$0x3FFE];
	[sflag:s23] =	ssyncadd.s32 $0xFFFFFFFF  }
0xa6: {  	s26 =	simm.s32 $execute0_lowered;
	[smem:$0x3FD2] =	sst s25  }
0xa7: {  	s6 =	sshll.u32 s26, $0x1;
	_ =	strace $0x80000046;
	[dreg:$0x1] =	wrdreg $0xFFFFFFFF  }
0xa8: {  	s28 =	simm.s32 $_size_execute0_lowered;
	s4 =	sadd.s32 s4, s6;
	[dreg:$0x0] =	wrdreg $0x0  }
0xa9: {  	s6 =	sshll.u32 s28, $0x1;
	[dreg:$0x2] =	wrdreg s4  }
0xaa: {  	[dreg:$0x3] =	wrdreg s6  }
0xab: {  	[dreg:$0x4] =	wrdreg $0xC0  }
0xac: {  	_ =	task [dreg:s8], $0x5FFFF  }
0xad: {  	[dreg:$0x1] =	wrdreg $0xFFFFFFFF  }
0xae: {  	[dreg:$0x0] =	wrdreg $0x60  }
0xaf: {  	[dreg:$0x2] =	wrdreg s2  }
0xb0: {  	[dreg:$0x3] =	wrdreg s24  }
0xb1: {  	[dreg:$0x4] =	wrdreg s18  }
0xb2: {  	[dreg:$0x5] =	wrdreg $0x9  }
0xb3: {  	_ =	task.clear_ibuf [dreg:s8], $0x6FFFF;
	_ =	strace $0x90000046  }
0xb4: {  	s29 =	simm.s32 $0x9;
	_ =	strace $0x80000048  }
0xb5: {  	_ =	swait.ge [sflag:s29], $0x1  }
0xb6: {  	[sflag:s29] =	ssyncadd.s32 $0xFFFFFFFF  }
0xb7: {  	_ =	strace $0x90000048  }
0xb8: {  	_ =	sfence  }
0xb9: {  	s30 =	sld [smem:$0x0];
	_ =	sdelay $0x2  }
0xba: {  	s31 =	sshll.u32 s1, $0xD;
	s1 =	sshrl.u32 s1, $0x2  }
0xbb: {  	s3 =	sand.u32 $0x4000, s31;
	s1 =	sadd.s32 s1, s30  }
0xbc: {  	s0 =	sor.u32 s3, s0;
	s1 =	sshll.u32 s1, $0x11  }
0xbd: {  	s0 =	sor.u32 s1, s0  }
0xbe: {  	s0 =	sadd.s32 $0x8F2B, s0  }
0xbf: {  	[sflag:s0] =	ssyncadd.remote.s32 $0x1  }
0xc0: {  	_ =	sfence.sel $0xFFFF  }
0xc1: {  	[dreg:$0x0] =	wrdreg $0xFFFFFFFF;
	(pc) =	sbr.abs _section_cstart, $3  }
0xc2: {  	[dreg:$0x1] =	wrdreg $0xFFFFFFFF  }
0xc3: {  	_ =	task.clear_ibuf [dreg:s8], $0x2FFFF;
	_ =	strace $0x9FFFFFFF  }
0xc4: {  	(tm) =	ssettm $0x7FFFFFFF  }
0xc5: {  	_ =	shalt  }
tec
execute0_lowered:
.L_overlay_start_1:
0x0: {  	(tag) =	ssettag $0x1  }
0x1: {  	s0 =	rddreg [dreg:$0x0]  }
0x2: {  	s1 =	srdreg.scid;
	s4 =	rddreg [dreg:$0x1]  }
0x3: {  	s2 =	stileid.u32;
	s5 =	rddreg [dreg:$0x2]  }
0x4: {  	s1 =	sand.u32 $0x1, s1;
	s3 =	sshll.u32 s2, $0x6;
	s2 =	simm.s32 $0x0  }
0x5: {  	s20 =	sadd.s32 $0xA00, s4;
	s6 =	sshll.u32 s1, $0x5;
	s1 =	ssub.s32 $0x2, s1  }
0x6: {  	[smem:$0x7FF] =	sst s2;
	s6 =	sor.u32 s6, s3;
	s7 =	sshrl.u32 s1, $0x1  }
0x7: {  	_ =	strace $0x80000047;
	s3 =	sshll.u32 s6, $0x8;
	s21 =	ssub.s32 s1, s7  }
0x8: {  	[dreg:$0x4] =	wrdreg s20;
	s3 =	sadd.s32 s0, s3;
	s0 =	smax.u32 s21, $0x1  }
0x9: {  	s22 =	sadd.s32 $0x10, s3;
	[dreg:$0x18] =	wrdreg s0  }
0xa: {  	s23 =	sadd.s32 $0x20, s3;
	[dreg:$0x5] =	wrdreg s22  }
0xb: {  	s24 =	sadd.s32 $0x30, s3;
	[dreg:$0x6] =	wrdreg s23  }
0xc: {  	s25 =	sadd.s32 $0x40, s3;
	[dreg:$0x7] =	wrdreg s24  }
0xd: {  	s26 =	sadd.s32 $0x50, s3;
	[dreg:$0x8] =	wrdreg s25  }
0xe: {  	s28 =	sadd.s32 $0x60, s3;
	[dreg:$0x9] =	wrdreg s26  }
0xf: {  	s29 =	sadd.s32 $0x70, s3;
	[dreg:$0xa] =	wrdreg s28  }
0x10: {  	s30 =	sadd.s32 $0x800, s3;
	[dreg:$0xb] =	wrdreg s29  }
0x11: {  	s31 =	sadd.s32 $0x810, s3;
	[dreg:$0xc] =	wrdreg s30  }
0x12: {  	s4 =	sadd.s32 $0x820, s3;
	[dreg:$0xd] =	wrdreg s31  }
0x13: {  	s7 =	sadd.s32 $0x830, s3;
	[dreg:$0xe] =	wrdreg s4  }
0x14: {  	s8 =	sadd.s32 $0x840, s3;
	[dreg:$0xf] =	wrdreg s7  }
0x15: {  	s9 =	sadd.s32 $0x850, s3;
	[dreg:$0x10] =	wrdreg s8  }
0x16: {  	s10 =	sadd.s32 $0x860, s3;
	[dreg:$0x11] =	wrdreg s9  }
0x17: {  	s11 =	sadd.s32 $0x870, s3;
	[dreg:$0x12] =	wrdreg s10  }
0x18: {  	s12 =	sadd.s32 $0x1000, s3;
	[dreg:$0x13] =	wrdreg s11  }
0x19: {  	s13 =	sadd.s32 $0x1010, s3;
	[dreg:$0x14] =	wrdreg s12  }
0x1a: {  	s14 =	sadd.s32 $0x1020, s3;
	[dreg:$0x15] =	wrdreg s13  }
0x1b: {  	s16 =	sadd.s32 $0x1030, s3;
	[dreg:$0x16] =	wrdreg s14  }
0x1c: {  	s17 =	sadd.s32 $0x1040, s3;
	[dreg:$0x17] =	wrdreg s16  }
0x1d: {  	s18 =	sadd.s32 $0x1050, s3;
	[dreg:$0x19] =	wrdreg s17  }
0x1e: {  	s19 =	sadd.s32 $0x1060, s3;
	[dreg:$0x1a] =	wrdreg s18  }
0x1f: {  	s20 =	sadd.s32 $0x1070, s3;
	[dreg:$0x1b] =	wrdreg s19  }
0x20: {  	s15 =	sshll.u32 s6, $0xA;
	s21 =	sadd.s32 $0x1800, s3;
	[dreg:$0x1c] =	wrdreg s20  }
0x21: {  	s23 =	sadd.s32 s5, s15;
	[dreg:$0x1d] =	wrdreg s21  }
0x22: {  	s22 =	sadd.s32 $0x1810, s3;
	s24 =	sadd.s32 $0x1820, s3;
	s25 =	sadd.s32 $0x1830, s3  }
0x23: {  	s26 =	sadd.s32 $0x1840, s3;
	s28 =	sadd.s32 $0x1850, s3;
	[dreg:$0x1e] =	wrdreg s22  }
0x24: {  	s29 =	sadd.s32 $0x1860, s3;
	s30 =	sadd.s32 $0x1870, s3;
	[dreg:$0x1f] =	wrdreg s24  }
0x25: {  	s10 =	simm.s32 $0x80;
	s11 =	simm.s32 $0x400;
	[smem:$0x7F8] =	sst s25  }
0x26: {  	s12 =	simm.s32 $0x800;
	s13 =	simm.s32 $0x10000;
	[smem:$0x7F9] =	sst s26  }
0x27: {  	s14 =	simm.s32 $0x1;
	s15 =	simm.s32 $0x2;
	[smem:$0x7FA] =	sst s28  }
0x28: {  	s16 =	simm.s32 $0x1A000;
	s17 =	simm.s32 $0x1C000;
	[smem:$0x7FB] =	sst s29  }
0x29: {  	s18 =	simm.s32 $0x3;
	[smem:$0x7FC] =	sst s30;
	s31 =	sadd.s32 $0x100, s23  }
0x2a: {  	s19 =	simm.s32 $0x4;
	s20 =	simm.s32 $0x0;
	[smem:$0x7FD] =	sst s31  }
.LBB2_1:
0x2b: {  	[tilespmem:s2], [sflag:$0x1] =	stream.strided.gather [hbm4b:s3+s10], $0x800, s11, s10, $0x38;
	[tilespmem:$0x1E000] =	vst v63  }
0x2c: {  	s0 =	rddreg [dreg:$0x5]  }
0x2d: {  	s6 =	rddreg [dreg:$0x6]  }
0x2e: {  	[tilespmem:s12], [sflag:$0x1] =	stream.strided.gather [hbm4b:s0+s10], $0x800, s11, s10, $0x38;
	[tilespmem:$0x1E000] =	vst v63  }
0x2f: {  	s1 =	simm.s32 $0x1000;
	s7 =	rddreg [dreg:$0x7]  }
0x30: {  	[tilespmem:s1], [sflag:$0x1] =	stream.strided.gather [hbm4b:s6+s10], $0x800, s11, s10, $0x38;
	[tilespmem:$0x1E000] =	vst v63  }
0x31: {  	s8 =	simm.s32 $0x1800;
	s9 =	rddreg [dreg:$0x8]  }
0x32: {  	[tilespmem:s8], [sflag:$0x1] =	stream.strided.gather [hbm4b:s7+s10], $0x800, s11, s10, $0x38;
	[tilespmem:$0x1E000] =	vst v63  }
0x33: {  	s21 =	simm.s32 $0x2000;
	s22 =	rddreg [dreg:$0x9]  }
0x34: {  	[tilespmem:s21], [sflag:$0x1] =	stream.strided.gather [hbm4b:s9+s10], $0x800, s11, s10, $0x38;
	[tilespmem:$0x1E000] =	vst v63  }
0x35: {  	s24 =	simm.s32 $0x2800;
	s25 =	rddreg [dreg:$0xa]  }
0x36: {  	[tilespmem:s24], [sflag:$0x1] =	stream.strided.gather [hbm4b:s22+s10], $0x800, s11, s10, $0x38;
	[tilespmem:$0x1E000] =	vst v63  }
0x37: {  	s26 =	simm.s32 $0x3000;
	s28 =	rddreg [dreg:$0xb]  }
0x38: {  	[tilespmem:s26], [sflag:$0x1] =	stream.strided.gather [hbm4b:s25+s10], $0x800, s11, s10, $0x38;
	[tilespmem:$0x1E000] =	vst v63  }
0x39: {  	s29 =	simm.s32 $0x3800;
	s30 =	rddreg [dreg:$0xc]  }
0x3a: {  	[tilespmem:s29], [sflag:$0x1] =	stream.strided.gather [hbm4b:s28+s10], $0x800, s11, s10, $0x38;
	[tilespmem:$0x1E000] =	vst v63  }
0x3b: {  	s31 =	simm.s32 $0x4000;
	s5 =	rddreg [dreg:$0xe]  }
0x3c: {  	[tilespmem:s31], [sflag:$0x1] =	stream.strided.gather [hbm4b:s30+s10], $0x800, s11, s10, $0x38;
	[tilespmem:$0x1E000] =	vst v63  }
0x3d: {  	s4 =	simm.s32 $0x4800;
	s1 =	rddreg [dreg:$0xd]  }
0x3e: {  	[tilespmem:s4], [sflag:$0x1] =	stream.strided.gather [hbm4b:s1+s10], $0x800, s11, s10, $0x38;
	[tilespmem:$0x1E000] =	vst v63  }
0x3f: {  	s6 =	simm.s32 $0x5000;
	s7 =	rddreg [dreg:$0xf]  }
0x40: {  	[tilespmem:s6], [sflag:$0x1] =	stream.strided.gather [hbm4b:s5+s10], $0x800, s11, s10, $0x38;
	[tilespmem:$0x1E000] =	vst v63  }
0x41: {  	s8 =	simm.s32 $0x5800;
	s9 =	rddreg [dreg:$0x10]  }
0x42: {  	[tilespmem:s8], [sflag:$0x1] =	stream.strided.gather [hbm4b:s7+s10], $0x800, s11, s10, $0x38;
	[tilespmem:$0x1E000] =	vst v63  }
0x43: {  	s21 =	simm.s32 $0x6000;
	s22 =	rddreg [dreg:$0x11]  }
0x44: {  	[tilespmem:s21], [sflag:$0x1] =	stream.strided.gather [hbm4b:s9+s10], $0x800, s11, s10, $0x38;
	[tilespmem:$0x1E000] =	vst v63  }
0x45: {  	s24 =	simm.s32 $0x6800;
	s25 =	rddreg [dreg:$0x12]  }
0x46: {  	[tilespmem:s24], [sflag:$0x1] =	stream.strided.gather [hbm4b:s22+s10], $0x800, s11, s10, $0x38;
	[tilespmem:$0x1E000] =	vst v63  }
0x47: {  	s26 =	simm.s32 $0x7000;
	s28 =	rddreg [dreg:$0x13]  }
0x48: {  	[tilespmem:s26], [sflag:$0x1] =	stream.strided.gather [hbm4b:s25+s10], $0x800, s11, s10, $0x38;
	[tilespmem:$0x1E000] =	vst v63  }
0x49: {  	s29 =	simm.s32 $0x7800;
	s30 =	rddreg [dreg:$0x14]  }
0x4a: {  	[tilespmem:s29], [sflag:$0x1] =	stream.strided.gather [hbm4b:s28+s10], $0x800, s11, s10, $0x38;
	[tilespmem:$0x1E000] =	vst v63  }
0x4b: {  	s31 =	simm.s32 $0x8000;
	s1 =	rddreg [dreg:$0x15]  }
0x4c: {  	[tilespmem:s31], [sflag:$0x1] =	stream.strided.gather [hbm4b:s30+s10], $0x800, s11, s10, $0x38;
	[tilespmem:$0x1E000] =	vst v63  }
0x4d: {  	s4 =	simm.s32 $0x8800;
	s5 =	rddreg [dreg:$0x16]  }
0x4e: {  	[tilespmem:s4], [sflag:$0x1] =	stream.strided.gather [hbm4b:s1+s10], $0x800, s11, s10, $0x38;
	[tilespmem:$0x1E000] =	vst v63  }
0x4f: {  	s6 =	simm.s32 $0x9000;
	s7 =	rddreg [dreg:$0x17]  }
0x50: {  	[tilespmem:s6], [sflag:$0x1] =	stream.strided.gather [hbm4b:s5+s10], $0x800, s11, s10, $0x38;
	[tilespmem:$0x1E000] =	vst v63  }
0x51: {  	s8 =	simm.s32 $0x9800;
	s9 =	rddreg [dreg:$0x19]  }
0x52: {  	[tilespmem:s8], [sflag:$0x1] =	stream.strided.gather [hbm4b:s7+s10], $0x800, s11, s10, $0x38;
	[tilespmem:$0x1E000] =	vst v63  }
0x53: {  	s21 =	simm.s32 $0xA000;
	s22 =	rddreg [dreg:$0x1a]  }
0x54: {  	[tilespmem:s21], [sflag:$0x1] =	stream.strided.gather [hbm4b:s9+s10], $0x800, s11, s10, $0x38;
	[tilespmem:$0x1E000] =	vst v63  }
0x55: {  	s24 =	simm.s32 $0xA800;
	s25 =	rddreg [dreg:$0x1b]  }
0x56: {  	[tilespmem:s24], [sflag:$0x1] =	stream.strided.gather [hbm4b:s22+s10], $0x800, s11, s10, $0x38;
	[tilespmem:$0x1E000] =	vst v63  }
0x57: {  	s26 =	simm.s32 $0xB000;
	s28 =	rddreg [dreg:$0x1c]  }
0x58: {  	[tilespmem:s26], [sflag:$0x1] =	stream.strided.gather [hbm4b:s25+s10], $0x800, s11, s10, $0x38;
	[tilespmem:$0x1E000] =	vst v63  }
0x59: {  	s29 =	simm.s32 $0xB800;
	s30 =	rddreg [dreg:$0x1d]  }
0x5a: {  	[tilespmem:s29], [sflag:$0x1] =	stream.strided.gather [hbm4b:s28+s10], $0x800, s11, s10, $0x38;
	[tilespmem:$0x1E000] =	vst v63  }
0x5b: {  	s31 =	simm.s32 $0xC000;
	s4 =	rddreg [dreg:$0x1e]  }
0x5c: {  	[tilespmem:s31], [sflag:$0x1] =	stream.strided.gather [hbm4b:s30+s10], $0x800, s11, s10, $0x38;
	[tilespmem:$0x1E000] =	vst v63  }
0x5d: {  	s5 =	simm.s32 $0xC800;
	s6 =	rddreg [dreg:$0x1f]  }
0x5e: {  	[tilespmem:s5], [sflag:$0x1] =	stream.strided.gather [hbm4b:s4+s10], $0x800, s11, s10, $0x38;
	[tilespmem:$0x1E000] =	vst v63  }
0x5f: {  	s7 =	simm.s32 $0xD000;
	s8 =	sld [smem:$0x7F8]  }
0x60: {  	[tilespmem:s7], [sflag:$0x1] =	stream.strided.gather [hbm4b:s6+s10], $0x800, s11, s10, $0x38;
	[tilespmem:$0x1E000] =	vst v63  }
0x61: {  	s9 =	simm.s32 $0xD800;
	s21 =	sld [smem:$0x7F9]  }
0x62: {  	[tilespmem:s9], [sflag:$0x1] =	stream.strided.gather [hbm4b:s8+s10], $0x800, s11, s10, $0x38;
	[tilespmem:$0x1E000] =	vst v63  }
0x63: {  	s22 =	simm.s32 $0xE000;
	s24 =	sld [smem:$0x7FA]  }
0x64: {  	[tilespmem:s22], [sflag:$0x1] =	stream.strided.gather [hbm4b:s21+s10], $0x800, s11, s10, $0x38;
	[tilespmem:$0x1E000] =	vst v63  }
0x65: {  	s25 =	simm.s32 $0xE800;
	s26 =	sld [smem:$0x7FB]  }
0x66: {  	[tilespmem:s25], [sflag:$0x1] =	stream.strided.gather [hbm4b:s24+s10], $0x800, s11, s10, $0x38;
	[tilespmem:$0x1E000] =	vst v63  }
0x67: {  	s28 =	simm.s32 $0xF000;
	s29 =	sld [smem:$0x7FC]  }
0x68: {  	[tilespmem:s28], [sflag:$0x1] =	stream.strided.gather [hbm4b:s26+s10], $0x800, s11, s10, $0x38;
	[tilespmem:$0x1E000] =	vst v63  }
0x69: {  	s30 =	simm.s32 $0xF800  }
0x6a: {  	[tilespmem:s30], [sflag:$0x1] =	stream.strided.gather [hbm4b:s29+s10], $0x800, s11, s10, $0x38;
	[tilespmem:$0x1E000] =	vst v63  }
0x6b: {  	s31 =	rddreg [dreg:$0x4]  }
0x6c: {  	[tilespmem:s13], [sflag:$0x2] =	stream.linear.gather [hbm4b:s31+s2], $0xA000, $0x38;
	[tilespmem:$0x1E000] =	vst v63  }
0x6d: {  	_ =	swait.ge [sflag:s14], $0x800  }
0x6e: {  	[sflag:s14] =	ssyncset.done $0x0  }
0x6f: {  	[sflag:s14] =	ssyncadd.s32 $0xFFFFF800  }
0x70: {  	_ =	swait.ge [sflag:s14], $0x800  }
0x71: {  	[sflag:s14] =	ssyncset.done $0x0  }
0x72: {  	[sflag:s14] =	ssyncadd.s32 $0xFFFFF800  }
0x73: {  	_ =	swait.ge [sflag:s14], $0x800  }
0x74: {  	[sflag:s14] =	ssyncset.done $0x0  }
0x75: {  	[sflag:s14] =	ssyncadd.s32 $0xFFFFF800  }
0x76: {  	_ =	swait.ge [sflag:s14], $0x800  }
0x77: {  	[sflag:s14] =	ssyncset.done $0x0  }
0x78: {  	[sflag:s14] =	ssyncadd.s32 $0xFFFFF800  }
0x79: {  	_ =	swait.ge [sflag:s14], $0x800  }
0x7a: {  	[sflag:s14] =	ssyncset.done $0x0  }
0x7b: {  	[sflag:s14] =	ssyncadd.s32 $0xFFFFF800  }
0x7c: {  	_ =	swait.ge [sflag:s14], $0x800  }
0x7d: {  	[sflag:s14] =	ssyncset.done $0x0  }
0x7e: {  	[sflag:s14] =	ssyncadd.s32 $0xFFFFF800  }
0x7f: {  	_ =	swait.ge [sflag:s14], $0x800  }
0x80: {  	[sflag:s14] =	ssyncset.done $0x0  }
0x81: {  	[sflag:s14] =	ssyncadd.s32 $0xFFFFF800  }
0x82: {  	_ =	swait.ge [sflag:s14], $0x800  }
0x83: {  	[sflag:s14] =	ssyncset.done $0x0  }
0x84: {  	[sflag:s14] =	ssyncadd.s32 $0xFFFFF800  }
0x85: {  	_ =	swait.ge [sflag:s14], $0x800  }
0x86: {  	[sflag:s14] =	ssyncset.done $0x0  }
0x87: {  	[sflag:s14] =	ssyncadd.s32 $0xFFFFF800  }
0x88: {  	_ =	swait.ge [sflag:s14], $0x800  }
0x89: {  	[sflag:s14] =	ssyncset.done $0x0  }
0x8a: {  	[sflag:s14] =	ssyncadd.s32 $0xFFFFF800  }
0x8b: {  	_ =	swait.ge [sflag:s14], $0x800  }
0x8c: {  	[sflag:s14] =	ssyncset.done $0x0  }
0x8d: {  	[sflag:s14] =	ssyncadd.s32 $0xFFFFF800  }
0x8e: {  	_ =	swait.ge [sflag:s14], $0x800  }
0x8f: {  	[sflag:s14] =	ssyncset.done $0x0  }
0x90: {  	[sflag:s14] =	ssyncadd.s32 $0xFFFFF800  }
0x91: {  	_ =	swait.ge [sflag:s14], $0x800  }
0x92: {  	[sflag:s14] =	ssyncset.done $0x0  }
0x93: {  	[sflag:s14] =	ssyncadd.s32 $0xFFFFF800  }
0x94: {  	_ =	swait.ge [sflag:s14], $0x800  }
0x95: {  	[sflag:s14] =	ssyncset.done $0x0  }
0x96: {  	[sflag:s14] =	ssyncadd.s32 $0xFFFFF800  }
0x97: {  	_ =	swait.ge [sflag:s14], $0x800  }
0x98: {  	[sflag:s14] =	ssyncset.done $0x0  }
0x99: {  	[sflag:s14] =	ssyncadd.s32 $0xFFFFF800  }
0x9a: {  	_ =	swait.ge [sflag:s14], $0x800  }
0x9b: {  	[sflag:s14] =	ssyncset.done $0x0  }
0x9c: {  	[sflag:s14] =	ssyncadd.s32 $0xFFFFF800  }
0x9d: {  	_ =	swait.ge [sflag:s14], $0x800  }
0x9e: {  	[sflag:s14] =	ssyncset.done $0x0  }
0x9f: {  	[sflag:s14] =	ssyncadd.s32 $0xFFFFF800  }
0xa0: {  	_ =	swait.ge [sflag:s14], $0x800  }
0xa1: {  	[sflag:s14] =	ssyncset.done $0x0  }
0xa2: {  	[sflag:s14] =	ssyncadd.s32 $0xFFFFF800  }
0xa3: {  	_ =	swait.ge [sflag:s14], $0x800  }
0xa4: {  	[sflag:s14] =	ssyncset.done $0x0  }
0xa5: {  	[sflag:s14] =	ssyncadd.s32 $0xFFFFF800  }
0xa6: {  	_ =	swait.ge [sflag:s14], $0x800  }
0xa7: {  	[sflag:s14] =	ssyncset.done $0x0  }
0xa8: {  	[sflag:s14] =	ssyncadd.s32 $0xFFFFF800  }
0xa9: {  	_ =	swait.ge [sflag:s14], $0x800  }
0xaa: {  	[sflag:s14] =	ssyncset.done $0x0  }
0xab: {  	[sflag:s14] =	ssyncadd.s32 $0xFFFFF800  }
0xac: {  	_ =	swait.ge [sflag:s14], $0x800  }
0xad: {  	[sflag:s14] =	ssyncset.done $0x0  }
0xae: {  	[sflag:s14] =	ssyncadd.s32 $0xFFFFF800  }
0xaf: {  	_ =	swait.ge [sflag:s14], $0x800  }
0xb0: {  	[sflag:s14] =	ssyncset.done $0x0  }
0xb1: {  	[sflag:s14] =	ssyncadd.s32 $0xFFFFF800  }
0xb2: {  	_ =	swait.ge [sflag:s14], $0x800  }
0xb3: {  	[sflag:s14] =	ssyncset.done $0x0  }
0xb4: {  	[sflag:s14] =	ssyncadd.s32 $0xFFFFF800  }
0xb5: {  	_ =	swait.ge [sflag:s14], $0x800  }
0xb6: {  	[sflag:s14] =	ssyncset.done $0x0  }
0xb7: {  	[sflag:s14] =	ssyncadd.s32 $0xFFFFF800  }
0xb8: {  	_ =	swait.ge [sflag:s14], $0x800  }
0xb9: {  	[sflag:s14] =	ssyncset.done $0x0  }
0xba: {  	[sflag:s14] =	ssyncadd.s32 $0xFFFFF800  }
0xbb: {  	_ =	swait.ge [sflag:s14], $0x800  }
0xbc: {  	[sflag:s14] =	ssyncset.done $0x0  }
0xbd: {  	[sflag:s14] =	ssyncadd.s32 $0xFFFFF800  }
0xbe: {  	_ =	swait.ge [sflag:s14], $0x800  }
0xbf: {  	[sflag:s14] =	ssyncset.done $0x0  }
0xc0: {  	[sflag:s14] =	ssyncadd.s32 $0xFFFFF800  }
0xc1: {  	_ =	swait.ge [sflag:s14], $0x800  }
0xc2: {  	[sflag:s14] =	ssyncset.done $0x0  }
0xc3: {  	[sflag:s14] =	ssyncadd.s32 $0xFFFFF800  }
0xc4: {  	_ =	swait.ge [sflag:s14], $0x800  }
0xc5: {  	[sflag:s14] =	ssyncset.done $0x0  }
0xc6: {  	[sflag:s14] =	ssyncadd.s32 $0xFFFFF800  }
0xc7: {  	_ =	swait.ge [sflag:s14], $0x800  }
0xc8: {  	[sflag:s14] =	ssyncset.done $0x0  }
0xc9: {  	[sflag:s14] =	ssyncadd.s32 $0xFFFFF800  }
0xca: {  	_ =	swait.ge [sflag:s14], $0x800  }
0xcb: {  	[sflag:s14] =	ssyncset.done $0x0  }
0xcc: {  	[sflag:s14] =	ssyncadd.s32 $0xFFFFF800  }
0xcd: {  	_ =	swait.ge [sflag:s15], $0xA000  }
0xce: {  	[sflag:s15] =	ssyncset.done $0x0  }
0xcf: {  	s21 =	simm.s32 $0x0;
	[sflag:s15] =	ssyncadd.s32 $0xFFFF6000  }
.LBB2_2:
0xd0: {  	s0 =	sshll.u32 s21, $0x4  }
0xd1: {  	v0 =	vld [tilespmem:s0+$0x10000];
	_ =	sdelay $0x4  }
0xd2: {  	s1 =	simm.s32 $0x1000;
	v5 =	vand.u32 $0xFFFF, v0;
	v7 =	vshrl.u32 v0, $0x10  }
0xd3: {  	s4 =	simm.s32 $0x0;
	s6 =	simm.s32 $0x800;
	v6 =	vand.u32 $0x7F, v0;
	v1 =	vadd.s32 s1, v5;
	v8 =	vadd.s32 s1, v7  }
0xd4: {  	s5 =	sand.u32 $0xF0, s0;
	v3 =	vadd.s32 s6, v5;
	v14 =	vadd.s32 s4, v7;
	v1 =	vand.u32 $0x1FF80, v1  }
0xd5: {  	s22 =	simm.s32 $0x1800;
	v0 =	vadd.s32 s4, v5;
	v9 =	vand.u32 $0x1FF80, v3;
	v3 =	vld [tilespmem:s5+$0x14000];
	v2 =	vor.u32 v6, v1  }
0xd6: {  	v4 =	vadd.s32 s22, v5;
	v0 =	vand.u32 $0x1FF80, v0;
	v1 =	vld [tilespmem:s5+$0x18000]  }
0xd7: {  	v10 =	vor.u32 v6, v0;
	v0 =	vand.u32 $0x1FF80, v4;
	v4 =	vld [tilespmem:s5+$0x16000]  }
0xd8: {  	v9 =	vor.u32 v6, v9;
	v8 =	vld.idx.msk [tilespmem:v8+s2+$0x0], $0xffff  }
0xd9: {  	s30 =	simm.s32 $0x3000;
	v12 =	vor.u32 v6, v0;
	v14 =	vld.idx.msk [tilespmem:v14+s2+$0x0], $0xffff  }
0xda: {  	s26 =	simm.s32 $0x3800;
	v13 =	vadd.s32 s22, v7;
	v20 =	vadd.s32 s30, v5;
	v11 =	vld.idx.msk [tilespmem:v2+s2+$0x0], $0xffff  }
0xdb: {  	v16 =	vadd.s32 s26, v5;
	v17 =	vadd.s32 s26, v7;
	v20 =	vand.u32 $0x1FF80, v20;
	v2 =	vld [tilespmem:s5+$0x12000]  }
0xdc: {  	s29 =	simm.s32 $0x2800;
	s31 =	simm.s32 $0x2000;
	v15 =	vadd.s32 s6, v7;
	v16 =	vand.u32 $0x1FF80, v16;
	v20 =	vor.u32 v6, v20;
	v10 =	vld.idx.msk [tilespmem:v10+s2+$0x0], $0xffff  }
0xdd: {  	s9 =	simm.s32 $0x5000;
	v19 =	vadd.s32 s29, v5;
	v21 =	vadd.s32 s31, v5;
	v16 =	vor.u32 v6, v16;
	v9 =	vld.idx.msk [tilespmem:v9+s2+$0x0], $0xffff  }
0xde: {  	v23 =	vadd.s32 s29, v7;
	v25 =	vadd.s32 s30, v7;
	v60 =	vadd.s32 s9, v5;
	s5 =	simm.s32 $0x0;
	v12 =	vld.idx.msk [tilespmem:v12+s2+$0x0], $0xffff  }
0xdf: {  	s0 =	sand.u32 $0x70, s0;
	v19 =	vand.u32 $0x1FF80, v19;
	v21 =	vand.u32 $0x1FF80, v21;
	v13 =	vld.idx.msk [tilespmem:v13+s2+$0x0], $0xffff;
	s6 =	sand.u32 $0x1800, s5;
	s5 =	simm.s32 $0x4800;
	v18 =	vmul.f32 v11, v1  }
0xe0: {  	v19 =	vor.u32 v6, v19;
	v0 =	vmov s0;
	v59 =	vld.idx.msk [tilespmem:v17+s2+$0x0], $0xffff;
	v17 =	vadd.s32 s5, v5  }
0xe1: {  	v20 =	vld.idx.msk [tilespmem:v20+s2+$0x0], $0xffff;
	v11 =	vmul.f32 v11, v3;
	v22 =	vmul.f32 v10, v1;
	v18 =	vadd.f32 v18, v4  }
0xe2: {  	v61 =	vld.idx.msk [tilespmem:v16+s2+$0x0], $0xffff;
	v16 =	vand.u32 $0x1FF80, v17;
	v24 =	vmul.f32 v9, v1;
	v10 =	vmul.f32 v10, v3  }
0xe3: {  	v15 =	vld.idx.msk [tilespmem:v15+s2+$0x0], $0xffff;
	v26 =	vmul.f32 v12, v1;
	v8 =	vmul.f32 v18, v8;
	v18 =	vor.u32 v6, v21  }
0xe4: {  	v9 =	vmul.f32 v9, v3;
	v11 =	vadd.f32 v11, v2;
	v22 =	vadd.f32 v22, v4  }
0xe5: {  	s4 =	sshll.u32 s21, $0x7;
	v12 =	vmul.f32 v12, v3;
	v24 =	vadd.f32 v24, v4;
	v26 =	vadd.f32 v26, v4  }
0xe6: {  	s0 =	sand.u32 $0x400, s4;
	v10 =	vadd.f32 v10, v2;
	v21 =	vadd.s32 s31, v7;
	v14 =	vmul.f32 v22, v14  }
0xe7: {  	s8 =	simm.s32 $0x100;
	s22 =	sor.u32 $0x1A000, s0;
	v19 =	vld.idx.msk [tilespmem:v19+s2+$0x0], $0xffff;
	v9 =	vadd.f32 v9, v2;
	v22 =	vmul.f32 v26, v13;
	v13 =	vmul.f32 v20, v1  }
0xe8: {  	s26 =	sand.u32 $0x300, s8;
	s0 =	sadd.s32 s6, s22;
	v20 =	vmul.f32 v20, v3;
	v8 =	vadd.f32 v8, v11;
	v11 =	vmul.f32 v24, v15;
	v15 =	vld.idx.msk [tilespmem:v18+s2+$0x0], $0xffff  }
0xe9: {  	s7 =	simm.s32 $0x5800;
	s24 =	simm.s32 $0x0;
	s1 =	sadd.s32 s26, s0;
	v26 =	vmul.f32 v61, v3;
	v10 =	vadd.f32 v14, v10;
	v18 =	vadd.f32 v12, v2;
	v12 =	vld.idx.msk [tilespmem:v25+s2+$0x0], $0xffff  }
0xea: {  	s24 =	sand.u32 $0x200, s24;
	s29 =	simm.s32 $0x4000;
	v9 =	vadd.f32 v11, v9;
	v11 =	vadd.s32 s7, v5;
	[tilespmem:v0+s1+$0x0 ss:$0x1] =	vst.idx.msk $0xffff, v8;
	v25 =	vand.u32 $0x1FF80, v60  }
0xeb: {  	s24 =	sadd.s32 s24, s0;
	v8 =	vadd.f32 v13, v4;
	v13 =	vadd.s32 s29, v5;
	v17 =	vld.idx.msk [tilespmem:v21+s2+$0x0], $0xffff;
	v21 =	vor.u32 v6, v25  }
0xec: {  	s30 =	simm.s32 $0x80;
	v14 =	vadd.s32 s7, v7;
	[tilespmem:v0+s24+$0x0 ss:$0x1] =	vst.idx.msk $0xffff, v10;
	v11 =	vand.u32 $0x1FF80, v11;
	v13 =	vand.u32 $0x1FF80, v13  }
0xed: {  	v23 =	vld.idx.msk [tilespmem:v23+s2+$0x0], $0xffff;
	s1 =	sand.u32 $0x280, s30;
	v62 =	vor.u32 v6, v13;
	v27 =	vor.u32 v6, v11;
	v11 =	vmul.f32 v19, v1  }
0xee: {  	v10 =	vor.u32 v6, v16;
	s1 =	sadd.s32 s1, s0;
	v12 =	vmul.f32 v8, v12;
	v8 =	vmul.f32 v15, v1  }
0xef: {  	s25 =	simm.s32 $0x180;
	s28 =	simm.s32 $0x8;
	v20 =	vadd.f32 v20, v2;
	v13 =	vadd.s32 s29, v7;
	[tilespmem:v0+s1+$0x0 ss:$0x1] =	vst.idx.msk $0xffff, v9;
	v9 =	vadd.s32 s9, v7  }
0xf0: {  	s8 =	simm.s32 $0x300;
	s31 =	sand.u32 $0x380, s25;
	s24 =	simm.s32 $0x400;
	v19 =	vmul.f32 v19, v3;
	v16 =	vld.idx.msk [tilespmem:v21+s2+$0x0], $0xffff;
	v21 =	vadd.f32 v11, v4;
	v28 =	vadd.f32 v8, v4  }
0xf1: {  	s26 =	simm.s32 $0x380;
	s25 =	sadd.s32 s31, s0;
	s7 =	sand.u32 $0x1800, s24;
	v8 =	vld.idx.msk [tilespmem:v14+s2+$0x0], $0xffff;
	v14 =	vadd.f32 v12, v20;
	v12 =	vmul.f32 v15, v3;
	v20 =	vmul.f32 v61, v1  }
0xf2: {  	s9 =	simm.s32 $0x200;
	s0 =	sadd.s32 s7, s22;
	s1 =	sand.u32 $0x300, s8;
	v29 =	vadd.f32 v19, v2;
	v11 =	vld.idx.msk [tilespmem:v62+s2+$0x0], $0xffff;
	v15 =	vadd.s32 s5, v7;
	v21 =	vmul.f32 v21, v23  }
0xf3: {  	s29 =	simm.s32 $0x280;
	s4 =	sand.u32 $0x200, s9;
	s1 =	sadd.s32 s1, s0;
	v28 =	vmul.f32 v28, v17;
	v63 =	vadd.f32 v12, v2;
	v20 =	vadd.f32 v20, v4;
	v12 =	vld.idx.msk [tilespmem:v10+s2+$0x0], $0xffff  }
0xf4: {  	s31 =	sand.u32 $0x380, s26;
	s30 =	sand.u32 $0x280, s29;
	v19 =	vadd.f32 v22, v18;
	s5 =	sadd.s32 s4, s0;
	[tilespmem:v0+s1+$0x0 ss:$0x1] =	vst.idx.msk $0xffff, v14;
	v17 =	vld.idx.msk [tilespmem:v9+s2+$0x0], $0xffff;
	v9 =	vadd.f32 v26, v2  }
0xf5: {  	s4 =	sadd.s32 s30, s0;
	s0 =	sadd.s32 s31, s0;
	v14 =	vld.idx.msk [tilespmem:v27+s2+$0x0], $0xffff;
	s1 =	simm.s32 $0x7800;
	v18 =	vadd.f32 v21, v29;
	v10 =	vmul.f32 v20, v59;
	v20 =	vadd.f32 v28, v63  }
.LBB2_3:
0xf6: {  	s6 =	sadd.s32 $0xFFFFF000, s1;
	s29 =	sadd.s32 $0xFFFFF800, s1;
	v21 =	vadd.s32 s1, v5;
	v22 =	vadd.s32 s1, v7;
	s28 =	sadd.s32 $0x4, s28;
	v23 =	vld.idx.msk [tilespmem:v13+s2+$0x0], $0xffff;
	v13 =	vmul.f32 v16, v1;
	[tilespmem:v0+s25+$0x0 ss:$0x1] =	vst.idx.msk $0xffff, v19  }
0xf7: {  	s30 =	sadd.s32 $0xFFFFE800, s1;
	s25 =	smov.u32 s0;
	v19 =	vadd.s32 s6, v5;
	v24 =	vadd.s32 s29, v5;
	v21 =	vand.u32 $0x1FF80, v21;
	p0 =	slt.u32 s28, $0x1C;
	v25 =	vld.idx.msk [tilespmem:v15+s2+$0x0], $0xffff;
	[tilespmem:v0+s5+$0x0 ss:$0x1] =	vst.idx.msk $0xffff, v20  }
0xf8: {  	v16 =	vmul.f32 v16, v3;
	v15 =	vand.u32 $0x1FF80, v24;
	v13 =	vadd.f32 v13, v4;
	[tilespmem:v0+s4+$0x0 ss:$0x1] =	vst.idx.msk $0xffff, v18  }
0xf9: {  	v18 =	vadd.s32 s30, v5;
	v19 =	vand.u32 $0x1FF80, v19;
	v20 =	vor.u32 v6, v15  }
0xfa: {  	s26 =	sadd.s32 $0x200, s26;
	s24 =	sadd.s32 $0x400, s24;
	v16 =	vadd.f32 v16, v2;
	v15 =	vand.u32 $0x1FF80, v18;
	v17 =	vmul.f32 v13, v17  }
0xfb: {  	s0 =	sand.u32 $0x1800, s24;
	s5 =	sadd.s32 $0xFFFFFF80, s26;
	v21 =	vor.u32 v6, v21;
	s4 =	sadd.s32 $0xFFFFFE80, s26;
	v19 =	vor.u32 v6, v19;
	v18 =	vor.u32 v6, v15;
	v22 =	vld.idx.msk [tilespmem:v22+s2+$0x0], $0xffff  }
0xfc: {  	s0 =	sadd.s32 s0, s22;
	s5 =	sand.u32 $0x300, s5;
	v13 =	vadd.s32 s30, v7;
	v15 =	vadd.s32 s6, v7;
	s6 =	sadd.s32 $0xFFFFFF00, s26;
	v17 =	vadd.f32 v17, v16  }
0xfd: {  	v26 =	vmul.f32 v11, v1;
	v24 =	vadd.s32 s29, v7;
	v27 =	vmul.f32 v12, v1;
	s4 =	sand.u32 $0x200, s4;
	s29 =	sadd.s32 s5, s0;
	s6 =	sand.u32 $0x280, s6  }
0xfe: {  	s5 =	sadd.s32 s4, s0;
	s4 =	sadd.s32 s6, s0;
	s6 =	sand.u32 $0x380, s26;
	v16 =	vld.idx.msk [tilespmem:v20+s2+$0x0], $0xffff;
	v20 =	vmul.f32 v11, v3;
	[tilespmem:v0+s29+$0x0 ss:$0x1] =	vst.idx.msk $0xffff, v17;
	v17 =	vmul.f32 v14, v1  }
.Ltmp0:
0xff: {  	v28 =	vmul.f32 v12, v3;
	v26 =	vadd.f32 v26, v4;
	v27 =	vadd.f32 v27, v4;
	s0 =	sadd.s32 s6, s0;
	(pc) =	sbr.rel @p0 .LBB2_3-.Ltmp0, $4  }
0x100: {  	v14 =	vmul.f32 v14, v3;
	v11 =	vld.idx.msk [tilespmem:v18+s2+$0x0], $0xffff;
	v18 =	vadd.f32 v20, v2;
	v20 =	vadd.f32 v17, v4  }
0x101: {  	v23 =	vmul.f32 v26, v23;
	v26 =	vadd.f32 v28, v2;
	v25 =	vmul.f32 v27, v25;
	v12 =	vld.idx.msk [tilespmem:v19+s2+$0x0], $0xffff  }
0x102: {  	v19 =	vadd.f32 v10, v9;
	v9 =	vadd.f32 v14, v2;
	v17 =	vld.idx.msk [tilespmem:v24+s2+$0x0], $0xffff;
	v10 =	vmul.f32 v20, v8  }
0x103: {  	s1 =	sadd.s32 $0x2000, s1;
	v20 =	vadd.f32 v23, v18;
	v18 =	vadd.f32 v25, v26;
	v8 =	vmov v22;
	v14 =	vld.idx.msk [tilespmem:v21+s2+$0x0], $0xffff  }
0x104: {  	_ =	sdelay $0x3  }
0x105: {  	v5 =	vmul.f32 v16, v1;
	v6 =	vmul.f32 v16, v3;
	[tilespmem:v0+s25+$0x0 ss:$0x1] =	vst.idx.msk $0xffff, v19  }
0x106: {  	v7 =	vld.idx.msk [tilespmem:v13+s2+$0x0], $0xffff;
	v60 =	vadd.f32 v10, v9;
	[tilespmem:v0+s5+$0x0 ss:$0x1] =	vst.idx.msk $0xffff, v20;
	v49 =	vmul.f32 v11, v1  }
0x107: {  	v48 =	vld.idx.msk [tilespmem:v15+s2+$0x0], $0xffff;
	[tilespmem:v0+s4+$0x0 ss:$0x1] =	vst.idx.msk $0xffff, v18;
	v51 =	vmul.f32 v11, v3;
	v5 =	vadd.f32 v5, v4  }
0x108: {  	v6 =	vadd.f32 v6, v2;
	v50 =	vmul.f32 v12, v1;
	v54 =	vmul.f32 v12, v3  }
0x109: {  	s6 =	sadd.s32 $0x400, s24;
	[tilespmem:v0+s0+$0x0 ss:$0x1] =	vst.idx.msk $0xffff, v60;
	v53 =	vadd.f32 v49, v4;
	v52 =	vmul.f32 v14, v1  }
0x10a: {  	s1 =	sadd.s32 $0x200, s26;
	s21 =	sadd.s32 $0x1, s21;
	s6 =	sand.u32 $0x1800, s6;
	v11 =	vadd.f32 v51, v2;
	v5 =	vmul.f32 v5, v17;
	v55 =	vadd.f32 v50, v4  }
0x10b: {  	s9 =	sadd.s32 $0xFFFFFF80, s1;
	s29 =	sadd.s32 $0xFFFFFE80, s1;
	s30 =	sadd.s32 $0xFFFFFF00, s1;
	v56 =	vmul.f32 v14, v3;
	v57 =	vmul.f32 v53, v7;
	v1 =	vadd.f32 v52, v4  }
0x10c: {  	p0 =	sne.s32 s21, $0x10;
	s25 =	sadd.s32 s6, s22;
	s26 =	sand.u32 $0x300, s9;
	v58 =	vadd.f32 v54, v2;
	v5 =	vadd.f32 v5, v6;
	v59 =	vmul.f32 v55, v48  }
.Ltmp1:
0x10d: {  	s4 =	sand.u32 $0x200, s29;
	s28 =	sadd.s32 s26, s25;
	v61 =	vadd.f32 v56, v2;
	v62 =	vadd.f32 v57, v11;
	v1 =	vmul.f32 v1, v8;
	(pc) =	sbr.rel @p0 .LBB2_2-.Ltmp1, $4  }
0x10e: {  	s6 =	sand.u32 $0x280, s30;
	s4 =	sadd.s32 s4, s25;
	[tilespmem:v0+s28+$0x0 ss:$0x1] =	vst.idx.msk $0xffff, v5;
	v63 =	vadd.f32 v59, v58  }
0x10f: {  	s1 =	sand.u32 $0x380, s1;
	s31 =	sadd.s32 s6, s25;
	[tilespmem:v0+s4+$0x0 ss:$0x1] =	vst.idx.msk $0xffff, v62;
	v1 =	vadd.f32 v1, v61  }
0x110: {  	s1 =	sadd.s32 s1, s25;
	[tilespmem:v0+s31+$0x0 ss:$0x1] =	vst.idx.msk $0xffff, v63  }
0x111: {  	[tilespmem:v0+s1+$0x0 ss:$0x1] =	vst.idx.msk $0xffff, v1  }
0x112: {  	[hbm4b:s23+s12] =	stream.strided.scatter [tilespmem:s16], [sflag:$0x3], $0x2000, s13, s12, $0x38;
	[tilespmem:$0x1E000] =	vst v63  }
0x113: {  	s21 =	simm.s32 $0x0;
	s22 =	simm.s32 $0x0  }
.LBB2_6:
0x114: {  	s0 =	sshll.u32 s22, $0x4  }
0x115: {  	s1 =	sand.u32 $0xF0, s0  }
0x116: {  	v0 =	vld [tilespmem:s1+$0x10100];
	_ =	sdelay $0x4  }
0x117: {  	s4 =	simm.s32 $0x1000;
	v5 =	vand.u32 $0xFFFF, v0;
	v7 =	vshrl.u32 v0, $0x10  }
0x118: {  	s5 =	simm.s32 $0x0;
	s6 =	simm.s32 $0x800;
	v6 =	vand.u32 $0x7F, v0;
	v1 =	vadd.s32 s4, v5;
	v8 =	vadd.s32 s4, v7  }
0x119: {  	v3 =	vadd.s32 s6, v5;
	v14 =	vadd.s32 s5, v7;
	v1 =	vand.u32 $0x1FF80, v1  }
0x11a: {  	s24 =	simm.s32 $0x1800;
	v0 =	vadd.s32 s5, v5;
	v9 =	vand.u32 $0x1FF80, v3;
	v3 =	vld [tilespmem:s1+$0x14100];
	v2 =	vor.u32 v6, v1  }
0x11b: {  	v4 =	vadd.s32 s24, v5;
	v13 =	vadd.s32 s24, v7;
	v0 =	vand.u32 $0x1FF80, v0;
	v1 =	vld [tilespmem:s1+$0x18100]  }
0x11c: {  	v10 =	vor.u32 v6, v0;
	v0 =	vand.u32 $0x1FF80, v4;
	v4 =	vld [tilespmem:s1+$0x16100]  }
0x11d: {  	v9 =	vor.u32 v6, v9;
	v8 =	vld.idx.msk [tilespmem:v8+s2+$0x0], $0xffff  }
0x11e: {  	s25 =	simm.s32 $0x3000;
	v12 =	vor.u32 v6, v0;
	v14 =	vld.idx.msk [tilespmem:v14+s2+$0x0], $0xffff  }
0x11f: {  	s9 =	simm.s32 $0x3800;
	v20 =	vadd.s32 s25, v5;
	v11 =	vld.idx.msk [tilespmem:v2+s2+$0x0], $0xffff  }
0x120: {  	v16 =	vadd.s32 s9, v5;
	v17 =	vadd.s32 s9, v7;
	v20 =	vand.u32 $0x1FF80, v20;
	v13 =	vld.idx.msk [tilespmem:v13+s2+$0x0], $0xffff  }
0x121: {  	s26 =	simm.s32 $0x2000;
	v15 =	vadd.s32 s6, v7;
	v16 =	vand.u32 $0x1FF80, v16;
	v20 =	vor.u32 v6, v20;
	v10 =	vld.idx.msk [tilespmem:v10+s2+$0x0], $0xffff  }
0x122: {  	s7 =	simm.s32 $0x5000;
	s24 =	simm.s32 $0x2800;
	v21 =	vadd.s32 s26, v5;
	v25 =	vadd.s32 s25, v7;
	v16 =	vor.u32 v6, v16;
	v9 =	vld.idx.msk [tilespmem:v9+s2+$0x0], $0xffff  }
0x123: {  	v60 =	vadd.s32 s7, v5;
	v19 =	vadd.s32 s24, v5;
	v21 =	vand.u32 $0x1FF80, v21;
	v12 =	vld.idx.msk [tilespmem:v12+s2+$0x0], $0xffff  }
0x124: {  	s0 =	sand.u32 $0x70, s0;
	s5 =	simm.s32 $0x4800;
	v23 =	vadd.s32 s24, v7;
	v19 =	vand.u32 $0x1FF80, v19;
	v2 =	vld [tilespmem:s1+$0x12100];
	v18 =	vmul.f32 v11, v1  }
0x125: {  	v0 =	vmov s0;
	v19 =	vor.u32 v6, v19;
	v59 =	vld.idx.msk [tilespmem:v17+s2+$0x0], $0xffff;
	v17 =	vadd.s32 s5, v5  }
0x126: {  	v20 =	vld.idx.msk [tilespmem:v20+s2+$0x0], $0xffff;
	v11 =	vmul.f32 v11, v3;
	v22 =	vmul.f32 v10, v1;
	v18 =	vadd.f32 v18, v4  }
0x127: {  	v61 =	vld.idx.msk [tilespmem:v16+s2+$0x0], $0xffff;
	v16 =	vand.u32 $0x1FF80, v17;
	v24 =	vmul.f32 v9, v1;
	v10 =	vmul.f32 v10, v3  }
0x128: {  	v15 =	vld.idx.msk [tilespmem:v15+s2+$0x0], $0xffff;
	v26 =	vmul.f32 v12, v1;
	v8 =	vmul.f32 v18, v8;
	v18 =	vor.u32 v6, v21  }
0x129: {  	v9 =	vmul.f32 v9, v3;
	v11 =	vadd.f32 v11, v2;
	v22 =	vadd.f32 v22, v4  }
0x12a: {  	s30 =	sshll.u32 s22, $0x7;
	v12 =	vmul.f32 v12, v3;
	v24 =	vadd.f32 v24, v4;
	v26 =	vadd.f32 v26, v4  }
0x12b: {  	s0 =	sand.u32 $0x400, s30;
	v10 =	vadd.f32 v10, v2;
	v21 =	vadd.s32 s26, v7;
	v14 =	vmul.f32 v22, v14  }
0x12c: {  	s31 =	sand.u32 $0x1800, s21;
	s6 =	simm.s32 $0x100;
	s24 =	sor.u32 $0x1C000, s0;
	v19 =	vld.idx.msk [tilespmem:v19+s2+$0x0], $0xffff;
	v9 =	vadd.f32 v9, v2;
	v22 =	vmul.f32 v26, v13;
	v13 =	vmul.f32 v20, v1  }
0x12d: {  	s8 =	sand.u32 $0x300, s6;
	s0 =	sadd.s32 s31, s24;
	v20 =	vmul.f32 v20, v3;
	v8 =	vadd.f32 v8, v11;
	v11 =	vmul.f32 v24, v15;
	v15 =	vld.idx.msk [tilespmem:v18+s2+$0x0], $0xffff  }
0x12e: {  	s4 =	simm.s32 $0x5800;
	s25 =	simm.s32 $0x0;
	s1 =	sadd.s32 s8, s0;
	v26 =	vmul.f32 v61, v3;
	v10 =	vadd.f32 v14, v10;
	v18 =	vadd.f32 v12, v2;
	v12 =	vld.idx.msk [tilespmem:v25+s2+$0x0], $0xffff  }
0x12f: {  	s9 =	simm.s32 $0x4000;
	s25 =	sand.u32 $0x200, s25;
	v9 =	vadd.f32 v11, v9;
	v11 =	vadd.s32 s4, v5;
	[tilespmem:v0+s1+$0x0 ss:$0x1] =	vst.idx.msk $0xffff, v8;
	v25 =	vand.u32 $0x1FF80, v60  }
0x130: {  	s25 =	sadd.s32 s25, s0;
	v8 =	vadd.f32 v13, v4;
	v13 =	vadd.s32 s9, v5;
	v17 =	vld.idx.msk [tilespmem:v21+s2+$0x0], $0xffff;
	v21 =	vor.u32 v6, v25  }
0x131: {  	s30 =	simm.s32 $0x80;
	v14 =	vadd.s32 s4, v7;
	[tilespmem:v0+s25+$0x0 ss:$0x1] =	vst.idx.msk $0xffff, v10;
	v11 =	vand.u32 $0x1FF80, v11;
	v13 =	vand.u32 $0x1FF80, v13  }
0x132: {  	v23 =	vld.idx.msk [tilespmem:v23+s2+$0x0], $0xffff;
	s1 =	sand.u32 $0x280, s30;
	v62 =	vor.u32 v6, v13;
	v27 =	vor.u32 v6, v11;
	v11 =	vmul.f32 v19, v1  }
0x133: {  	v10 =	vor.u32 v6, v16;
	s1 =	sadd.s32 s1, s0;
	v12 =	vmul.f32 v8, v12;
	v8 =	vmul.f32 v15, v1  }
0x134: {  	s29 =	simm.s32 $0x8;
	s28 =	simm.s32 $0x380;
	v20 =	vadd.f32 v20, v2;
	v13 =	vadd.s32 s9, v7;
	[tilespmem:v0+s1+$0x0 ss:$0x1] =	vst.idx.msk $0xffff, v9;
	v9 =	vadd.s32 s7, v7  }
0x135: {  	s8 =	simm.s32 $0x200;
	s26 =	simm.s32 $0x180;
	s25 =	simm.s32 $0x400;
	v19 =	vmul.f32 v19, v3;
	v16 =	vld.idx.msk [tilespmem:v21+s2+$0x0], $0xffff;
	v21 =	vadd.f32 v11, v4;
	v28 =	vadd.f32 v8, v4  }
0x136: {  	s31 =	sand.u32 $0x380, s26;
	s6 =	sand.u32 $0x1800, s25;
	s7 =	simm.s32 $0x300;
	v8 =	vld.idx.msk [tilespmem:v14+s2+$0x0], $0xffff;
	v14 =	vadd.f32 v12, v20;
	v12 =	vmul.f32 v15, v3;
	v20 =	vmul.f32 v61, v1  }
0x137: {  	s26 =	sadd.s32 s31, s0;
	s0 =	sadd.s32 s6, s24;
	s1 =	sand.u32 $0x300, s7;
	v29 =	vadd.f32 v19, v2;
	v11 =	vld.idx.msk [tilespmem:v62+s2+$0x0], $0xffff;
	v15 =	vadd.s32 s5, v7;
	v21 =	vmul.f32 v21, v23  }
0x138: {  	s4 =	sand.u32 $0x200, s8;
	s9 =	simm.s32 $0x280;
	s1 =	sadd.s32 s1, s0;
	v28 =	vmul.f32 v28, v17;
	v63 =	vadd.f32 v12, v2;
	v20 =	vadd.f32 v20, v4;
	v12 =	vld.idx.msk [tilespmem:v10+s2+$0x0], $0xffff  }
0x139: {  	s31 =	sand.u32 $0x380, s28;
	s30 =	sand.u32 $0x280, s9;
	v19 =	vadd.f32 v22, v18;
	s5 =	sadd.s32 s4, s0;
	[tilespmem:v0+s1+$0x0 ss:$0x1] =	vst.idx.msk $0xffff, v14;
	v17 =	vld.idx.msk [tilespmem:v9+s2+$0x0], $0xffff;
	v9 =	vadd.f32 v26, v2  }
0x13a: {  	s4 =	sadd.s32 s30, s0;
	s0 =	sadd.s32 s31, s0;
	v14 =	vld.idx.msk [tilespmem:v27+s2+$0x0], $0xffff;
	s1 =	simm.s32 $0x7800;
	v18 =	vadd.f32 v21, v29;
	v10 =	vmul.f32 v20, v59;
	v20 =	vadd.f32 v28, v63  }
.LBB2_7:
0x13b: {  	s6 =	sadd.s32 $0xFFFFF000, s1;
	s30 =	sadd.s32 $0xFFFFF800, s1;
	v21 =	vadd.s32 s1, v5;
	v22 =	vadd.s32 s1, v7;
	s29 =	sadd.s32 $0x4, s29;
	v23 =	vld.idx.msk [tilespmem:v13+s2+$0x0], $0xffff;
	v13 =	vmul.f32 v16, v1;
	[tilespmem:v0+s26+$0x0 ss:$0x1] =	vst.idx.msk $0xffff, v19  }
0x13c: {  	s31 =	sadd.s32 $0xFFFFE800, s1;
	s26 =	smov.u32 s0;
	v19 =	vadd.s32 s6, v5;
	v24 =	vadd.s32 s30, v5;
	v21 =	vand.u32 $0x1FF80, v21;
	p0 =	slt.u32 s29, $0x1C;
	v25 =	vld.idx.msk [tilespmem:v15+s2+$0x0], $0xffff;
	[tilespmem:v0+s5+$0x0 ss:$0x1] =	vst.idx.msk $0xffff, v20  }
0x13d: {  	v16 =	vmul.f32 v16, v3;
	v15 =	vand.u32 $0x1FF80, v24;
	v13 =	vadd.f32 v13, v4;
	[tilespmem:v0+s4+$0x0 ss:$0x1] =	vst.idx.msk $0xffff, v18  }
0x13e: {  	v18 =	vadd.s32 s31, v5;
	v19 =	vand.u32 $0x1FF80, v19;
	v20 =	vor.u32 v6, v15  }
0x13f: {  	s28 =	sadd.s32 $0x200, s28;
	s25 =	sadd.s32 $0x400, s25;
	v16 =	vadd.f32 v16, v2;
	v15 =	vand.u32 $0x1FF80, v18;
	v17 =	vmul.f32 v13, v17  }
0x140: {  	s0 =	sand.u32 $0x1800, s25;
	s5 =	sadd.s32 $0xFFFFFF80, s28;
	v21 =	vor.u32 v6, v21;
	s4 =	sadd.s32 $0xFFFFFE80, s28;
	v19 =	vor.u32 v6, v19;
	v18 =	vor.u32 v6, v15;
	v22 =	vld.idx.msk [tilespmem:v22+s2+$0x0], $0xffff  }
0x141: {  	s0 =	sadd.s32 s0, s24;
	s5 =	sand.u32 $0x300, s5;
	v13 =	vadd.s32 s31, v7;
	v15 =	vadd.s32 s6, v7;
	s6 =	sadd.s32 $0xFFFFFF00, s28;
	v17 =	vadd.f32 v17, v16  }
0x142: {  	v26 =	vmul.f32 v11, v1;
	v24 =	vadd.s32 s30, v7;
	v27 =	vmul.f32 v12, v1;
	s4 =	sand.u32 $0x200, s4;
	s30 =	sadd.s32 s5, s0;
	s6 =	sand.u32 $0x280, s6  }
0x143: {  	s5 =	sadd.s32 s4, s0;
	s4 =	sadd.s32 s6, s0;
	s6 =	sand.u32 $0x380, s28;
	v16 =	vld.idx.msk [tilespmem:v20+s2+$0x0], $0xffff;
	v20 =	vmul.f32 v11, v3;
	[tilespmem:v0+s30+$0x0 ss:$0x1] =	vst.idx.msk $0xffff, v17;
	v17 =	vmul.f32 v14, v1  }
.Ltmp2:
0x144: {  	v28 =	vmul.f32 v12, v3;
	v26 =	vadd.f32 v26, v4;
	v27 =	vadd.f32 v27, v4;
	s0 =	sadd.s32 s6, s0;
	(pc) =	sbr.rel @p0 .LBB2_7-.Ltmp2, $4  }
0x145: {  	v14 =	vmul.f32 v14, v3;
	v11 =	vld.idx.msk [tilespmem:v18+s2+$0x0], $0xffff;
	v18 =	vadd.f32 v20, v2;
	v20 =	vadd.f32 v17, v4  }
0x146: {  	v23 =	vmul.f32 v26, v23;
	v26 =	vadd.f32 v28, v2;
	v25 =	vmul.f32 v27, v25;
	v12 =	vld.idx.msk [tilespmem:v19+s2+$0x0], $0xffff  }
0x147: {  	v19 =	vadd.f32 v10, v9;
	v9 =	vadd.f32 v14, v2;
	v17 =	vld.idx.msk [tilespmem:v24+s2+$0x0], $0xffff;
	v10 =	vmul.f32 v20, v8  }
0x148: {  	s1 =	sadd.s32 $0x2000, s1;
	v20 =	vadd.f32 v23, v18;
	v18 =	vadd.f32 v25, v26;
	v8 =	vmov v22;
	v14 =	vld.idx.msk [tilespmem:v21+s2+$0x0], $0xffff  }
0x149: {  	_ =	sdelay $0x3  }
0x14a: {  	v5 =	vmul.f32 v16, v1;
	v6 =	vmul.f32 v16, v3;
	[tilespmem:v0+s26+$0x0 ss:$0x1] =	vst.idx.msk $0xffff, v19  }
0x14b: {  	v7 =	vld.idx.msk [tilespmem:v13+s2+$0x0], $0xffff;
	v60 =	vadd.f32 v10, v9;
	[tilespmem:v0+s5+$0x0 ss:$0x1] =	vst.idx.msk $0xffff, v20;
	v49 =	vmul.f32 v11, v1  }
0x14c: {  	v48 =	vld.idx.msk [tilespmem:v15+s2+$0x0], $0xffff;
	[tilespmem:v0+s4+$0x0 ss:$0x1] =	vst.idx.msk $0xffff, v18;
	v51 =	vmul.f32 v11, v3;
	v5 =	vadd.f32 v5, v4  }
0x14d: {  	v6 =	vadd.f32 v6, v2;
	v50 =	vmul.f32 v12, v1;
	v54 =	vmul.f32 v12, v3  }
0x14e: {  	s6 =	sadd.s32 $0x400, s25;
	[tilespmem:v0+s0+$0x0 ss:$0x1] =	vst.idx.msk $0xffff, v60;
	v53 =	vadd.f32 v49, v4;
	v52 =	vmul.f32 v14, v1  }
0x14f: {  	s1 =	sadd.s32 $0x200, s28;
	s22 =	sadd.s32 $0x1, s22;
	s6 =	sand.u32 $0x1800, s6;
	v11 =	vadd.f32 v51, v2;
	v5 =	vmul.f32 v5, v17;
	v55 =	vadd.f32 v50, v4  }
0x150: {  	s9 =	sadd.s32 $0xFFFFFF80, s1;
	s29 =	sadd.s32 $0xFFFFFE80, s1;
	s30 =	sadd.s32 $0xFFFFFF00, s1;
	v56 =	vmul.f32 v14, v3;
	v57 =	vmul.f32 v53, v7;
	v1 =	vadd.f32 v52, v4  }
0x151: {  	p0 =	sne.s32 s22, $0x10;
	s24 =	sadd.s32 s6, s24;
	s26 =	sand.u32 $0x300, s9;
	v58 =	vadd.f32 v54, v2;
	v5 =	vadd.f32 v5, v6;
	v59 =	vmul.f32 v55, v48  }
.Ltmp3:
0x152: {  	s4 =	sand.u32 $0x200, s29;
	s28 =	sadd.s32 s26, s24;
	v61 =	vadd.f32 v56, v2;
	v62 =	vadd.f32 v57, v11;
	v1 =	vmul.f32 v1, v8;
	(pc) =	sbr.rel @p0 .LBB2_6-.Ltmp3, $4  }
0x153: {  	s6 =	sand.u32 $0x280, s30;
	s4 =	sadd.s32 s4, s24;
	[tilespmem:v0+s28+$0x0 ss:$0x1] =	vst.idx.msk $0xffff, v5;
	v63 =	vadd.f32 v59, v58  }
0x154: {  	s1 =	sand.u32 $0x380, s1;
	s31 =	sadd.s32 s6, s24;
	[tilespmem:v0+s4+$0x0 ss:$0x1] =	vst.idx.msk $0xffff, v62;
	v1 =	vadd.f32 v1, v61  }
0x155: {  	s1 =	sadd.s32 s1, s24;
	[tilespmem:v0+s31+$0x0 ss:$0x1] =	vst.idx.msk $0xffff, v63  }
0x156: {  	[tilespmem:v0+s1+$0x0 ss:$0x1] =	vst.idx.msk $0xffff, v1  }
0x157: {  	s0 =	sld [smem:$0x7FD];
	_ =	sdelay $0x1  }
0x158: {  	s21 =	simm.s32 $0x0  }
0x159: {  	[hbm4b:s0+s12] =	stream.strided.scatter [tilespmem:s17], [sflag:$0x4], $0x2000, s13, s12, $0x38;
	[tilespmem:$0x1E000] =	vst v63  }
.LBB2_10:
0x15a: {  	s21 =	sadd.s32 $0x1, s21;
	_ =	swait.ge [sflag:s18], $0x2000  }
0x15b: {  	s22 =	sshll.u32 s21, $0x9;
	[sflag:s18] =	ssyncset.done $0x0  }
0x15c: {  	s25 =	simm.s32 $0x0;
	[sflag:s18] =	ssyncadd.s32 $0xFFFFE000;
	s24 =	sadd.s32 $0x10000, s22  }
.LBB2_11:
0x15d: {  	s0 =	sshll.u32 s25, $0x4  }
0x15e: {  	s1 =	sand.u32 $0x80, s0  }
0x15f: {  	s0 =	sand.u32 $0x70, s0;
	s1 =	sadd.s32 s1, s24  }
0x160: {  	s1 =	sadd.s32 s0, s1  }
0x161: {  	v0 =	vld [tilespmem:s1+$0x0];
	_ =	sdelay $0x4  }
0x162: {  	s4 =	simm.s32 $0x1000;
	v5 =	vand.u32 $0xFFFF, v0;
	v7 =	vshrl.u32 v0, $0x10  }
0x163: {  	s5 =	simm.s32 $0x0;
	v6 =	vand.u32 $0x7F, v0;
	v1 =	vadd.s32 s4, v5;
	v8 =	vadd.s32 s4, v7  }
0x164: {  	s6 =	simm.s32 $0x800;
	s26 =	simm.s32 $0x1800;
	v0 =	vadd.s32 s5, v5;
	v14 =	vadd.s32 s5, v7;
	v1 =	vand.u32 $0x1FF80, v1  }
0x165: {  	v2 =	vld [tilespmem:s1+$0x8000];
	v3 =	vadd.s32 s6, v5;
	v4 =	vadd.s32 s26, v5;
	v1 =	vor.u32 v6, v1  }
0x166: {  	v13 =	vadd.s32 s26, v7;
	v0 =	vand.u32 $0x1FF80, v0;
	v9 =	vand.u32 $0x1FF80, v3;
	v3 =	vld [tilespmem:s1+$0x4000]  }
0x167: {  	v10 =	vor.u32 v6, v0;
	v0 =	vand.u32 $0x1FF80, v4;
	v4 =	vld [tilespmem:s1+$0x6000]  }
0x168: {  	v9 =	vor.u32 v6, v9;
	v8 =	vld.idx.msk [tilespmem:v8+s2+$0x0], $0xffff  }
0x169: {  	s9 =	simm.s32 $0x3000;
	v12 =	vor.u32 v6, v0;
	v14 =	vld.idx.msk [tilespmem:v14+s2+$0x0], $0xffff  }
0x16a: {  	s7 =	simm.s32 $0x3800;
	v20 =	vadd.s32 s9, v5;
	v11 =	vld.idx.msk [tilespmem:v1+s2+$0x0], $0xffff  }
0x16b: {  	v16 =	vadd.s32 s7, v5;
	v17 =	vadd.s32 s7, v7;
	v20 =	vand.u32 $0x1FF80, v20;
	v13 =	vld.idx.msk [tilespmem:v13+s2+$0x0], $0xffff  }
0x16c: {  	s8 =	simm.s32 $0x2800;
	v15 =	vadd.s32 s6, v7;
	v16 =	vand.u32 $0x1FF80, v16;
	v20 =	vor.u32 v6, v20;
	v10 =	vld.idx.msk [tilespmem:v10+s2+$0x0], $0xffff  }
0x16d: {  	v19 =	vadd.s32 s8, v5;
	s26 =	simm.s32 $0x2000;
	v23 =	vadd.s32 s8, v7;
	s6 =	simm.s32 $0x0;
	v16 =	vor.u32 v6, v16;
	v9 =	vld.idx.msk [tilespmem:v9+s2+$0x0], $0xffff  }
0x16e: {  	v25 =	vadd.s32 s9, v7;
	s5 =	sshll.u32 s25, $0x7;
	v21 =	vadd.s32 s26, v5;
	v19 =	vand.u32 $0x1FF80, v19;
	s7 =	sand.u32 $0x1800, s6;
	v12 =	vld.idx.msk [tilespmem:v12+s2+$0x0], $0xffff  }
0x16f: {  	s6 =	simm.s32 $0x5000;
	v21 =	vand.u32 $0x1FF80, v21;
	v0 =	vmov s0;
	s0 =	sand.u32 $0x400, s5;
	s5 =	simm.s32 $0x4800;
	v1 =	vld [tilespmem:s1+$0x2000];
	v18 =	vmul.f32 v11, v2  }
0x170: {  	v19 =	vor.u32 v6, v19;
	v60 =	vadd.s32 s6, v5;
	v59 =	vld.idx.msk [tilespmem:v17+s2+$0x0], $0xffff;
	v17 =	vadd.s32 s5, v5  }
0x171: {  	v20 =	vld.idx.msk [tilespmem:v20+s2+$0x0], $0xffff;
	v11 =	vmul.f32 v11, v3;
	v22 =	vmul.f32 v10, v2;
	v18 =	vadd.f32 v18, v4  }
0x172: {  	v61 =	vld.idx.msk [tilespmem:v16+s2+$0x0], $0xffff;
	v16 =	vand.u32 $0x1FF80, v17;
	v24 =	vmul.f32 v9, v2;
	v10 =	vmul.f32 v10, v3  }
0x173: {  	v15 =	vld.idx.msk [tilespmem:v15+s2+$0x0], $0xffff;
	v26 =	vmul.f32 v12, v2;
	v8 =	vmul.f32 v18, v8;
	v18 =	vor.u32 v6, v21  }
0x174: {  	v9 =	vmul.f32 v9, v3;
	v11 =	vadd.f32 v11, v1;
	v22 =	vadd.f32 v22, v4  }
0x175: {  	v12 =	vmul.f32 v12, v3;
	v24 =	vadd.f32 v24, v4;
	v26 =	vadd.f32 v26, v4  }
0x176: {  	v10 =	vadd.f32 v10, v1;
	v21 =	vadd.s32 s26, v7;
	v14 =	vmul.f32 v22, v14  }
0x177: {  	s9 =	simm.s32 $0x100;
	v19 =	vld.idx.msk [tilespmem:v19+s2+$0x0], $0xffff;
	v9 =	vadd.f32 v9, v1;
	s26 =	sor.u32 $0x1A000, s0;
	v22 =	vmul.f32 v26, v13;
	v13 =	vmul.f32 v20, v2  }
0x178: {  	s4 =	sand.u32 $0x300, s9;
	s0 =	sadd.s32 s7, s26;
	v20 =	vmul.f32 v20, v3;
	v8 =	vadd.f32 v8, v11;
	v11 =	vmul.f32 v24, v15;
	v15 =	vld.idx.msk [tilespmem:v18+s2+$0x0], $0xffff  }
0x179: {  	s28 =	simm.s32 $0x0;
	s8 =	simm.s32 $0x5800;
	v26 =	vmul.f32 v61, v3;
	v10 =	vadd.f32 v14, v10;
	s1 =	sadd.s32 s4, s0;
	v18 =	vadd.f32 v12, v1;
	v12 =	vld.idx.msk [tilespmem:v25+s2+$0x0], $0xffff  }
0x17a: {  	s28 =	sand.u32 $0x200, s28;
	s7 =	simm.s32 $0x4000;
	v9 =	vadd.f32 v11, v9;
	v11 =	vadd.s32 s8, v5;
	[tilespmem:v0+s1+$0x0 ss:$0x1] =	vst.idx.msk $0xffff, v8;
	v25 =	vand.u32 $0x1FF80, v60  }
0x17b: {  	s28 =	sadd.s32 s28, s0;
	v8 =	vadd.f32 v13, v4;
	v13 =	vadd.s32 s7, v5;
	v17 =	vld.idx.msk [tilespmem:v21+s2+$0x0], $0xffff;
	v21 =	vor.u32 v6, v25  }
0x17c: {  	v14 =	vadd.s32 s8, v7;
	s8 =	simm.s32 $0x80;
	[tilespmem:v0+s28+$0x0 ss:$0x1] =	vst.idx.msk $0xffff, v10;
	v11 =	vand.u32 $0x1FF80, v11;
	v13 =	vand.u32 $0x1FF80, v13  }
0x17d: {  	v23 =	vld.idx.msk [tilespmem:v23+s2+$0x0], $0xffff;
	s1 =	sand.u32 $0x280, s8;
	v62 =	vor.u32 v6, v13;
	v27 =	vor.u32 v6, v11;
	v11 =	vmul.f32 v19, v2  }
0x17e: {  	v10 =	vor.u32 v6, v16;
	s1 =	sadd.s32 s1, s0;
	v12 =	vmul.f32 v8, v12;
	v8 =	vmul.f32 v15, v2  }
0x17f: {  	s29 =	simm.s32 $0x180;
	s31 =	simm.s32 $0x8;
	v20 =	vadd.f32 v20, v1;
	v13 =	vadd.s32 s7, v7;
	[tilespmem:v0+s1+$0x0 ss:$0x1] =	vst.idx.msk $0xffff, v9;
	v9 =	vadd.s32 s6, v7  }
0x180: {  	s30 =	simm.s32 $0x380;
	s9 =	sand.u32 $0x380, s29;
	s28 =	simm.s32 $0x400;
	v19 =	vmul.f32 v19, v3;
	v16 =	vld.idx.msk [tilespmem:v21+s2+$0x0], $0xffff;
	v21 =	vadd.f32 v11, v4;
	v28 =	vadd.f32 v8, v4  }
0x181: {  	s29 =	sadd.s32 s9, s0;
	s4 =	simm.s32 $0x300;
	s1 =	sand.u32 $0x1800, s28;
	v8 =	vld.idx.msk [tilespmem:v14+s2+$0x0], $0xffff;
	v14 =	vadd.f32 v12, v20;
	v12 =	vmul.f32 v15, v3;
	v20 =	vmul.f32 v61, v2  }
0x182: {  	s6 =	simm.s32 $0x200;
	s0 =	sadd.s32 s1, s26;
	s1 =	sand.u32 $0x300, s4;
	v29 =	vadd.f32 v19, v1;
	v11 =	vld.idx.msk [tilespmem:v62+s2+$0x0], $0xffff;
	v15 =	vadd.s32 s5, v7;
	v21 =	vmul.f32 v21, v23  }
0x183: {  	s7 =	simm.s32 $0x280;
	s4 =	sand.u32 $0x200, s6;
	s1 =	sadd.s32 s1, s0;
	v28 =	vmul.f32 v28, v17;
	v63 =	vadd.f32 v12, v1;
	v20 =	vadd.f32 v20, v4;
	v12 =	vld.idx.msk [tilespmem:v10+s2+$0x0], $0xffff  }
0x184: {  	s9 =	sand.u32 $0x380, s30;
	s8 =	sand.u32 $0x280, s7;
	v19 =	vadd.f32 v22, v18;
	s5 =	sadd.s32 s4, s0;
	[tilespmem:v0+s1+$0x0 ss:$0x1] =	vst.idx.msk $0xffff, v14;
	v17 =	vld.idx.msk [tilespmem:v9+s2+$0x0], $0xffff;
	v9 =	vadd.f32 v26, v1  }
0x185: {  	s4 =	sadd.s32 s8, s0;
	s0 =	sadd.s32 s9, s0;
	v14 =	vld.idx.msk [tilespmem:v27+s2+$0x0], $0xffff;
	s1 =	simm.s32 $0x7800;
	v18 =	vadd.f32 v21, v29;
	v10 =	vmul.f32 v20, v59;
	v20 =	vadd.f32 v28, v63  }
.LBB2_12:
0x186: {  	s6 =	sadd.s32 $0xFFFFF000, s1;
	s7 =	sadd.s32 $0xFFFFF800, s1;
	v21 =	vadd.s32 s1, v5;
	v22 =	vadd.s32 s1, v7;
	s31 =	sadd.s32 $0x4, s31;
	v23 =	vld.idx.msk [tilespmem:v13+s2+$0x0], $0xffff;
	v13 =	vmul.f32 v16, v2;
	[tilespmem:v0+s29+$0x0 ss:$0x1] =	vst.idx.msk $0xffff, v19  }
0x187: {  	s8 =	sadd.s32 $0xFFFFE800, s1;
	s29 =	smov.u32 s0;
	v19 =	vadd.s32 s6, v5;
	v24 =	vadd.s32 s7, v5;
	v21 =	vand.u32 $0x1FF80, v21;
	p0 =	slt.u32 s31, $0x1C;
	v25 =	vld.idx.msk [tilespmem:v15+s2+$0x0], $0xffff;
	[tilespmem:v0+s5+$0x0 ss:$0x1] =	vst.idx.msk $0xffff, v20  }
0x188: {  	v16 =	vmul.f32 v16, v3;
	v15 =	vand.u32 $0x1FF80, v24;
	v13 =	vadd.f32 v13, v4;
	[tilespmem:v0+s4+$0x0 ss:$0x1] =	vst.idx.msk $0xffff, v18  }
0x189: {  	v18 =	vadd.s32 s8, v5;
	v19 =	vand.u32 $0x1FF80, v19;
	v20 =	vor.u32 v6, v15  }
0x18a: {  	s30 =	sadd.s32 $0x200, s30;
	s28 =	sadd.s32 $0x400, s28;
	v16 =	vadd.f32 v16, v1;
	v15 =	vand.u32 $0x1FF80, v18;
	v17 =	vmul.f32 v13, v17  }
0x18b: {  	s0 =	sand.u32 $0x1800, s28;
	s5 =	sadd.s32 $0xFFFFFF80, s30;
	v21 =	vor.u32 v6, v21;
	s4 =	sadd.s32 $0xFFFFFE80, s30;
	v19 =	vor.u32 v6, v19;
	v18 =	vor.u32 v6, v15;
	v22 =	vld.idx.msk [tilespmem:v22+s2+$0x0], $0xffff  }
0x18c: {  	s0 =	sadd.s32 s0, s26;
	s5 =	sand.u32 $0x300, s5;
	v13 =	vadd.s32 s8, v7;
	v15 =	vadd.s32 s6, v7;
	s6 =	sadd.s32 $0xFFFFFF00, s30;
	v17 =	vadd.f32 v17, v16  }
0x18d: {  	v26 =	vmul.f32 v11, v2;
	v24 =	vadd.s32 s7, v7;
	v27 =	vmul.f32 v12, v2;
	s4 =	sand.u32 $0x200, s4;
	s7 =	sadd.s32 s5, s0;
	s6 =	sand.u32 $0x280, s6  }
0x18e: {  	s5 =	sadd.s32 s4, s0;
	s4 =	sadd.s32 s6, s0;
	s6 =	sand.u32 $0x380, s30;
	v16 =	vld.idx.msk [tilespmem:v20+s2+$0x0], $0xffff;
	v20 =	vmul.f32 v11, v3;
	[tilespmem:v0+s7+$0x0 ss:$0x1] =	vst.idx.msk $0xffff, v17;
	v17 =	vmul.f32 v14, v2  }
.Ltmp4:
0x18f: {  	v28 =	vmul.f32 v12, v3;
	v26 =	vadd.f32 v26, v4;
	v27 =	vadd.f32 v27, v4;
	s0 =	sadd.s32 s6, s0;
	(pc) =	sbr.rel @p0 .LBB2_12-.Ltmp4, $4  }
0x190: {  	v14 =	vmul.f32 v14, v3;
	v11 =	vld.idx.msk [tilespmem:v18+s2+$0x0], $0xffff;
	v18 =	vadd.f32 v20, v1;
	v20 =	vadd.f32 v17, v4  }
0x191: {  	v23 =	vmul.f32 v26, v23;
	v26 =	vadd.f32 v28, v1;
	v25 =	vmul.f32 v27, v25;
	v12 =	vld.idx.msk [tilespmem:v19+s2+$0x0], $0xffff  }
0x192: {  	v19 =	vadd.f32 v10, v9;
	v9 =	vadd.f32 v14, v1;
	v17 =	vld.idx.msk [tilespmem:v24+s2+$0x0], $0xffff;
	v10 =	vmul.f32 v20, v8  }
0x193: {  	s1 =	sadd.s32 $0x2000, s1;
	v20 =	vadd.f32 v23, v18;
	v18 =	vadd.f32 v25, v26;
	v8 =	vmov v22;
	v14 =	vld.idx.msk [tilespmem:v21+s2+$0x0], $0xffff  }
0x194: {  	_ =	sdelay $0x3  }
0x195: {  	v5 =	vmul.f32 v16, v2;
	v6 =	vmul.f32 v16, v3;
	[tilespmem:v0+s29+$0x0 ss:$0x1] =	vst.idx.msk $0xffff, v19  }
0x196: {  	v7 =	vld.idx.msk [tilespmem:v13+s2+$0x0], $0xffff;
	v60 =	vadd.f32 v10, v9;
	[tilespmem:v0+s5+$0x0 ss:$0x1] =	vst.idx.msk $0xffff, v20;
	v49 =	vmul.f32 v11, v2  }
0x197: {  	v48 =	vld.idx.msk [tilespmem:v15+s2+$0x0], $0xffff;
	[tilespmem:v0+s4+$0x0 ss:$0x1] =	vst.idx.msk $0xffff, v18;
	v51 =	vmul.f32 v11, v3;
	v5 =	vadd.f32 v5, v4  }
0x198: {  	v6 =	vadd.f32 v6, v1;
	v50 =	vmul.f32 v12, v2;
	v54 =	vmul.f32 v12, v3  }
0x199: {  	s6 =	sadd.s32 $0x400, s28;
	[tilespmem:v0+s0+$0x0 ss:$0x1] =	vst.idx.msk $0xffff, v60;
	v53 =	vadd.f32 v49, v4;
	v52 =	vmul.f32 v14, v2  }
0x19a: {  	s1 =	sadd.s32 $0x200, s30;
	s25 =	sadd.s32 $0x1, s25;
	s6 =	sand.u32 $0x1800, s6;
	v11 =	vadd.f32 v51, v1;
	v5 =	vmul.f32 v5, v17;
	v55 =	vadd.f32 v50, v4  }
0x19b: {  	s7 =	sadd.s32 $0xFFFFFF80, s1;
	s29 =	sadd.s32 $0xFFFFFE80, s1;
	s30 =	sadd.s32 $0xFFFFFF00, s1;
	v56 =	vmul.f32 v14, v3;
	v57 =	vmul.f32 v53, v7;
	v2 =	vadd.f32 v52, v4  }
0x19c: {  	p0 =	sne.s32 s25, $0x10;
	s9 =	sadd.s32 s6, s26;
	s26 =	sand.u32 $0x300, s7;
	v58 =	vadd.f32 v54, v1;
	v5 =	vadd.f32 v5, v6;
	v59 =	vmul.f32 v55, v48  }
.Ltmp5:
0x19d: {  	s4 =	sand.u32 $0x200, s29;
	s28 =	sadd.s32 s26, s9;
	v61 =	vadd.f32 v56, v1;
	v62 =	vadd.f32 v57, v11;
	v2 =	vmul.f32 v2, v8;
	(pc) =	sbr.rel @p0 .LBB2_11-.Ltmp5, $4  }
0x19e: {  	s6 =	sand.u32 $0x280, s30;
	s4 =	sadd.s32 s4, s9;
	[tilespmem:v0+s28+$0x0 ss:$0x1] =	vst.idx.msk $0xffff, v5;
	v63 =	vadd.f32 v59, v58  }
0x19f: {  	s1 =	sand.u32 $0x380, s1;
	s31 =	sadd.s32 s6, s9;
	[tilespmem:v0+s4+$0x0 ss:$0x1] =	vst.idx.msk $0xffff, v62;
	v1 =	vadd.f32 v2, v61  }
0x1a0: {  	s1 =	sadd.s32 s1, s9;
	[tilespmem:v0+s31+$0x0 ss:$0x1] =	vst.idx.msk $0xffff, v63  }
0x1a1: {  	[tilespmem:v0+s1+$0x0 ss:$0x1] =	vst.idx.msk $0xffff, v1  }
0x1a2: {  	s0 =	sadd.s32 s22, s23  }
0x1a3: {  	[hbm4b:s0+s12] =	stream.strided.scatter [tilespmem:s16], [sflag:$0x3], $0x2000, s13, s12, $0x38;
	[tilespmem:$0x1E000] =	vst v63  }
0x1a4: {  	_ =	swait.ge [sflag:s19], $0x2000  }
0x1a5: {  	s24 =	sor.u32 $0x100, s22;
	s22 =	sadd.s32 $0x10100, s22;
	[sflag:s19] =	ssyncset.done $0x0  }
0x1a6: {  	s25 =	simm.s32 $0x0;
	s26 =	simm.s32 $0x0;
	[sflag:s19] =	ssyncadd.s32 $0xFFFFE000  }
.LBB2_15:
0x1a7: {  	s0 =	sshll.u32 s26, $0x4  }
0x1a8: {  	s1 =	sand.u32 $0x80, s0  }
0x1a9: {  	s0 =	sand.u32 $0x70, s0;
	s1 =	sadd.s32 s1, s22  }
0x1aa: {  	s1 =	sadd.s32 s0, s1  }
0x1ab: {  	v0 =	vld [tilespmem:s1+$0x0];
	_ =	sdelay $0x4  }
0x1ac: {  	s4 =	simm.s32 $0x1000;
	v5 =	vand.u32 $0xFFFF, v0;
	v7 =	vshrl.u32 v0, $0x10  }
0x1ad: {  	s5 =	simm.s32 $0x0;
	v6 =	vand.u32 $0x7F, v0;
	v1 =	vadd.s32 s4, v5;
	v8 =	vadd.s32 s4, v7  }
0x1ae: {  	s6 =	simm.s32 $0x800;
	s7 =	simm.s32 $0x1800;
	v0 =	vadd.s32 s5, v5;
	v14 =	vadd.s32 s5, v7;
	v1 =	vand.u32 $0x1FF80, v1  }
0x1af: {  	v2 =	vld [tilespmem:s1+$0x8000];
	v3 =	vadd.s32 s6, v5;
	v4 =	vadd.s32 s7, v5;
	v1 =	vor.u32 v6, v1  }
0x1b0: {  	v13 =	vadd.s32 s7, v7;
	v0 =	vand.u32 $0x1FF80, v0;
	v9 =	vand.u32 $0x1FF80, v3;
	v3 =	vld [tilespmem:s1+$0x4000]  }
0x1b1: {  	v10 =	vor.u32 v6, v0;
	v0 =	vand.u32 $0x1FF80, v4;
	v4 =	vld [tilespmem:s1+$0x6000]  }
0x1b2: {  	v9 =	vor.u32 v6, v9;
	v8 =	vld.idx.msk [tilespmem:v8+s2+$0x0], $0xffff  }
0x1b3: {  	v15 =	vadd.s32 s6, v7;
	s6 =	simm.s32 $0x3000;
	v12 =	vor.u32 v6, v0;
	v14 =	vld.idx.msk [tilespmem:v14+s2+$0x0], $0xffff  }
0x1b4: {  	s4 =	simm.s32 $0x3800;
	v20 =	vadd.s32 s6, v5;
	v11 =	vld.idx.msk [tilespmem:v1+s2+$0x0], $0xffff  }
0x1b5: {  	v16 =	vadd.s32 s4, v5;
	v17 =	vadd.s32 s4, v7;
	v20 =	vand.u32 $0x1FF80, v20;
	v13 =	vld.idx.msk [tilespmem:v13+s2+$0x0], $0xffff  }
0x1b6: {  	s5 =	simm.s32 $0x2800;
	s7 =	simm.s32 $0x2000;
	v16 =	vand.u32 $0x1FF80, v16;
	v20 =	vor.u32 v6, v20;
	v10 =	vld.idx.msk [tilespmem:v10+s2+$0x0], $0xffff  }
0x1b7: {  	v19 =	vadd.s32 s5, v5;
	v21 =	vadd.s32 s7, v5;
	v16 =	vor.u32 v6, v16;
	v9 =	vld.idx.msk [tilespmem:v9+s2+$0x0], $0xffff  }
0x1b8: {  	v23 =	vadd.s32 s5, v7;
	v25 =	vadd.s32 s6, v7;
	s6 =	simm.s32 $0x5000;
	v19 =	vand.u32 $0x1FF80, v19;
	v12 =	vld.idx.msk [tilespmem:v12+s2+$0x0], $0xffff  }
0x1b9: {  	s5 =	simm.s32 $0x4800;
	v21 =	vand.u32 $0x1FF80, v21;
	v60 =	vadd.s32 s6, v5;
	v1 =	vld [tilespmem:s1+$0x2000];
	v18 =	vmul.f32 v11, v2  }
0x1ba: {  	v0 =	vmov s0;
	v19 =	vor.u32 v6, v19;
	v59 =	vld.idx.msk [tilespmem:v17+s2+$0x0], $0xffff;
	v17 =	vadd.s32 s5, v5  }
0x1bb: {  	v20 =	vld.idx.msk [tilespmem:v20+s2+$0x0], $0xffff;
	v11 =	vmul.f32 v11, v3;
	v22 =	vmul.f32 v10, v2;
	v18 =	vadd.f32 v18, v4  }
0x1bc: {  	v61 =	vld.idx.msk [tilespmem:v16+s2+$0x0], $0xffff;
	v16 =	vand.u32 $0x1FF80, v17;
	v24 =	vmul.f32 v9, v2;
	v10 =	vmul.f32 v10, v3  }
0x1bd: {  	v15 =	vld.idx.msk [tilespmem:v15+s2+$0x0], $0xffff;
	v26 =	vmul.f32 v12, v2;
	v8 =	vmul.f32 v18, v8;
	v18 =	vor.u32 v6, v21  }
0x1be: {  	v9 =	vmul.f32 v9, v3;
	v11 =	vadd.f32 v11, v1;
	v22 =	vadd.f32 v22, v4  }
0x1bf: {  	s8 =	sshll.u32 s26, $0x7;
	v12 =	vmul.f32 v12, v3;
	v24 =	vadd.f32 v24, v4;
	v26 =	vadd.f32 v26, v4  }
0x1c0: {  	s0 =	sand.u32 $0x400, s8;
	v10 =	vadd.f32 v10, v1;
	v21 =	vadd.s32 s7, v7;
	v14 =	vmul.f32 v22, v14  }
0x1c1: {  	s9 =	sand.u32 $0x1800, s25;
	s28 =	sor.u32 $0x1C000, s0;
	v19 =	vld.idx.msk [tilespmem:v19+s2+$0x0], $0xffff;
	v9 =	vadd.f32 v9, v1;
	s7 =	simm.s32 $0x100;
	v22 =	vmul.f32 v26, v13;
	v13 =	vmul.f32 v20, v2  }
0x1c2: {  	s4 =	simm.s32 $0x5800;
	s0 =	sadd.s32 s9, s28;
	s8 =	sand.u32 $0x300, s7;
	v20 =	vmul.f32 v20, v3;
	v8 =	vadd.f32 v8, v11;
	v11 =	vmul.f32 v24, v15;
	v15 =	vld.idx.msk [tilespmem:v18+s2+$0x0], $0xffff  }
0x1c3: {  	s9 =	simm.s32 $0x0;
	v10 =	vadd.f32 v14, v10;
	v14 =	vadd.s32 s4, v7;
	s1 =	sadd.s32 s8, s0;
	v18 =	vadd.f32 v12, v1;
	v12 =	vld.idx.msk [tilespmem:v25+s2+$0x0], $0xffff  }
0x1c4: {  	s7 =	sand.u32 $0x200, s9;
	v9 =	vadd.f32 v11, v9;
	v11 =	vadd.s32 s4, v5;
	s4 =	simm.s32 $0x4000;
	[tilespmem:v0+s1+$0x0 ss:$0x1] =	vst.idx.msk $0xffff, v8;
	v25 =	vand.u32 $0x1FF80, v60  }
0x1c5: {  	s7 =	sadd.s32 s7, s0;
	v8 =	vadd.f32 v13, v4;
	v13 =	vadd.s32 s4, v5;
	v17 =	vld.idx.msk [tilespmem:v21+s2+$0x0], $0xffff;
	v21 =	vor.u32 v6, v25  }
0x1c6: {  	v26 =	vmul.f32 v61, v3;
	s8 =	simm.s32 $0x80;
	[tilespmem:v0+s7+$0x0 ss:$0x1] =	vst.idx.msk $0xffff, v10;
	v11 =	vand.u32 $0x1FF80, v11;
	v13 =	vand.u32 $0x1FF80, v13  }
0x1c7: {  	v23 =	vld.idx.msk [tilespmem:v23+s2+$0x0], $0xffff;
	s1 =	sand.u32 $0x280, s8;
	v27 =	vor.u32 v6, v11;
	v11 =	vmul.f32 v19, v2;
	v62 =	vor.u32 v6, v13  }
0x1c8: {  	v10 =	vor.u32 v6, v16;
	s1 =	sadd.s32 s1, s0;
	v12 =	vmul.f32 v8, v12;
	v8 =	vmul.f32 v15, v2  }
0x1c9: {  	s29 =	simm.s32 $0x400;
	v20 =	vadd.f32 v20, v1;
	s8 =	simm.s32 $0x180;
	[tilespmem:v0+s1+$0x0 ss:$0x1] =	vst.idx.msk $0xffff, v9;
	v9 =	vadd.s32 s6, v7;
	v19 =	vmul.f32 v19, v3  }
0x1ca: {  	s31 =	simm.s32 $0x380;
	s7 =	simm.s32 $0x200;
	s9 =	sand.u32 $0x380, s8;
	v13 =	vadd.s32 s4, v7;
	v16 =	vld.idx.msk [tilespmem:v21+s2+$0x0], $0xffff;
	v21 =	vadd.f32 v11, v4;
	v28 =	vadd.f32 v8, v4  }
0x1cb: {  	s8 =	simm.s32 $0x280;
	s6 =	simm.s32 $0x300;
	s4 =	sand.u32 $0x1800, s29;
	v8 =	vld.idx.msk [tilespmem:v14+s2+$0x0], $0xffff;
	v14 =	vadd.f32 v12, v20;
	v12 =	vmul.f32 v15, v3;
	v20 =	vmul.f32 v61, v2  }
0x1cc: {  	s30 =	sadd.s32 s9, s0;
	s0 =	sadd.s32 s4, s28;
	s4 =	sand.u32 $0x300, s6;
	v29 =	vadd.f32 v19, v1;
	v15 =	vadd.s32 s5, v7;
	v11 =	vld.idx.msk [tilespmem:v62+s2+$0x0], $0xffff;
	v21 =	vmul.f32 v21, v23  }
0x1cd: {  	s1 =	simm.s32 $0x8;
	s6 =	sand.u32 $0x200, s7;
	s4 =	sadd.s32 s4, s0;
	v28 =	vmul.f32 v28, v17;
	v63 =	vadd.f32 v12, v1;
	v20 =	vadd.f32 v20, v4;
	v12 =	vld.idx.msk [tilespmem:v10+s2+$0x0], $0xffff  }
0x1ce: {  	s9 =	sand.u32 $0x380, s31;
	v19 =	vadd.f32 v22, v18;
	s6 =	sadd.s32 s6, s0;
	s5 =	sand.u32 $0x280, s8;
	[tilespmem:v0+s4+$0x0 ss:$0x1] =	vst.idx.msk $0xffff, v14;
	v17 =	vld.idx.msk [tilespmem:v9+s2+$0x0], $0xffff;
	v9 =	vadd.f32 v26, v1  }
0x1cf: {  	s5 =	sadd.s32 s5, s0;
	s4 =	sadd.s32 s9, s0;
	v14 =	vld.idx.msk [tilespmem:v27+s2+$0x0], $0xffff;
	s0 =	simm.s32 $0x7800;
	v18 =	vadd.f32 v21, v29;
	v10 =	vmul.f32 v20, v59;
	v20 =	vadd.f32 v28, v63  }
.LBB2_16:
0x1d0: {  	s7 =	sadd.s32 $0xFFFFF000, s0;
	s8 =	sadd.s32 $0xFFFFF800, s0;
	v21 =	vadd.s32 s0, v5;
	v22 =	vadd.s32 s0, v7;
	s1 =	sadd.s32 $0x4, s1;
	v23 =	vld.idx.msk [tilespmem:v13+s2+$0x0], $0xffff;
	v13 =	vmul.f32 v16, v2;
	[tilespmem:v0+s30+$0x0 ss:$0x1] =	vst.idx.msk $0xffff, v19  }
0x1d1: {  	s9 =	sadd.s32 $0xFFFFE800, s0;
	s30 =	smov.u32 s4;
	v19 =	vadd.s32 s7, v5;
	v24 =	vadd.s32 s8, v5;
	v21 =	vand.u32 $0x1FF80, v21;
	p0 =	slt.u32 s1, $0x1C;
	v25 =	vld.idx.msk [tilespmem:v15+s2+$0x0], $0xffff;
	[tilespmem:v0+s6+$0x0 ss:$0x1] =	vst.idx.msk $0xffff, v20  }
0x1d2: {  	v16 =	vmul.f32 v16, v3;
	v15 =	vand.u32 $0x1FF80, v24;
	v13 =	vadd.f32 v13, v4;
	[tilespmem:v0+s5+$0x0 ss:$0x1] =	vst.idx.msk $0xffff, v18  }
0x1d3: {  	v18 =	vadd.s32 s9, v5;
	v19 =	vand.u32 $0x1FF80, v19;
	v20 =	vor.u32 v6, v15  }
0x1d4: {  	s31 =	sadd.s32 $0x200, s31;
	s29 =	sadd.s32 $0x400, s29;
	v16 =	vadd.f32 v16, v1;
	v15 =	vand.u32 $0x1FF80, v18;
	v17 =	vmul.f32 v13, v17  }
0x1d5: {  	s4 =	sand.u32 $0x1800, s29;
	s6 =	sadd.s32 $0xFFFFFF80, s31;
	v21 =	vor.u32 v6, v21;
	s5 =	sadd.s32 $0xFFFFFE80, s31;
	v19 =	vor.u32 v6, v19;
	v18 =	vor.u32 v6, v15;
	v22 =	vld.idx.msk [tilespmem:v22+s2+$0x0], $0xffff  }
0x1d6: {  	s4 =	sadd.s32 s4, s28;
	s6 =	sand.u32 $0x300, s6;
	v13 =	vadd.s32 s9, v7;
	v15 =	vadd.s32 s7, v7;
	s7 =	sadd.s32 $0xFFFFFF00, s31;
	v17 =	vadd.f32 v17, v16  }
0x1d7: {  	v26 =	vmul.f32 v11, v2;
	v24 =	vadd.s32 s8, v7;
	v27 =	vmul.f32 v12, v2;
	s5 =	sand.u32 $0x200, s5;
	s8 =	sadd.s32 s6, s4;
	s7 =	sand.u32 $0x280, s7  }
0x1d8: {  	s6 =	sadd.s32 s5, s4;
	s5 =	sadd.s32 s7, s4;
	s7 =	sand.u32 $0x380, s31;
	v16 =	vld.idx.msk [tilespmem:v20+s2+$0x0], $0xffff;
	v20 =	vmul.f32 v11, v3;
	[tilespmem:v0+s8+$0x0 ss:$0x1] =	vst.idx.msk $0xffff, v17;
	v17 =	vmul.f32 v14, v2  }
.Ltmp6:
0x1d9: {  	v28 =	vmul.f32 v12, v3;
	v26 =	vadd.f32 v26, v4;
	v27 =	vadd.f32 v27, v4;
	s4 =	sadd.s32 s7, s4;
	(pc) =	sbr.rel @p0 .LBB2_16-.Ltmp6, $4  }
0x1da: {  	v14 =	vmul.f32 v14, v3;
	v11 =	vld.idx.msk [tilespmem:v18+s2+$0x0], $0xffff;
	v18 =	vadd.f32 v20, v1;
	v20 =	vadd.f32 v17, v4  }
0x1db: {  	v23 =	vmul.f32 v26, v23;
	v26 =	vadd.f32 v28, v1;
	v25 =	vmul.f32 v27, v25;
	v12 =	vld.idx.msk [tilespmem:v19+s2+$0x0], $0xffff  }
0x1dc: {  	v19 =	vadd.f32 v10, v9;
	v9 =	vadd.f32 v14, v1;
	v17 =	vld.idx.msk [tilespmem:v24+s2+$0x0], $0xffff;
	v10 =	vmul.f32 v20, v8  }
0x1dd: {  	s0 =	sadd.s32 $0x2000, s0;
	v20 =	vadd.f32 v23, v18;
	v18 =	vadd.f32 v25, v26;
	v8 =	vmov v22;
	v14 =	vld.idx.msk [tilespmem:v21+s2+$0x0], $0xffff  }
0x1de: {  	_ =	sdelay $0x3  }
0x1df: {  	v5 =	vmul.f32 v16, v2;
	v6 =	vmul.f32 v16, v3;
	[tilespmem:v0+s30+$0x0 ss:$0x1] =	vst.idx.msk $0xffff, v19  }
0x1e0: {  	v7 =	vld.idx.msk [tilespmem:v13+s2+$0x0], $0xffff;
	v60 =	vadd.f32 v10, v9;
	[tilespmem:v0+s6+$0x0 ss:$0x1] =	vst.idx.msk $0xffff, v20;
	v49 =	vmul.f32 v11, v2  }
0x1e1: {  	v48 =	vld.idx.msk [tilespmem:v15+s2+$0x0], $0xffff;
	[tilespmem:v0+s5+$0x0 ss:$0x1] =	vst.idx.msk $0xffff, v18;
	v51 =	vmul.f32 v11, v3;
	v5 =	vadd.f32 v5, v4  }
0x1e2: {  	v6 =	vadd.f32 v6, v1;
	v50 =	vmul.f32 v12, v2;
	v54 =	vmul.f32 v12, v3  }
0x1e3: {  	s1 =	sadd.s32 $0x400, s29;
	[tilespmem:v0+s4+$0x0 ss:$0x1] =	vst.idx.msk $0xffff, v60;
	v53 =	vadd.f32 v49, v4;
	v52 =	vmul.f32 v14, v2  }
0x1e4: {  	s0 =	sadd.s32 $0x200, s31;
	s26 =	sadd.s32 $0x1, s26;
	s1 =	sand.u32 $0x1800, s1;
	v11 =	vadd.f32 v51, v1;
	v5 =	vmul.f32 v5, v17;
	v55 =	vadd.f32 v50, v4  }
0x1e5: {  	s7 =	sadd.s32 $0xFFFFFF80, s0;
	s29 =	sadd.s32 $0xFFFFFE80, s0;
	s30 =	sadd.s32 $0xFFFFFF00, s0;
	v56 =	vmul.f32 v14, v3;
	v57 =	vmul.f32 v53, v7;
	v2 =	vadd.f32 v52, v4  }
0x1e6: {  	p0 =	sne.s32 s26, $0x10;
	s1 =	sadd.s32 s1, s28;
	s9 =	sand.u32 $0x300, s7;
	v58 =	vadd.f32 v54, v1;
	v5 =	vadd.f32 v5, v6;
	v59 =	vmul.f32 v55, v48  }
.Ltmp7:
0x1e7: {  	s5 =	sand.u32 $0x200, s29;
	s28 =	sadd.s32 s9, s1;
	v61 =	vadd.f32 v56, v1;
	v62 =	vadd.f32 v57, v11;
	v2 =	vmul.f32 v2, v8;
	(pc) =	sbr.rel @p0 .LBB2_15-.Ltmp7, $4  }
0x1e8: {  	s6 =	sand.u32 $0x280, s30;
	s5 =	sadd.s32 s5, s1;
	[tilespmem:v0+s28+$0x0 ss:$0x1] =	vst.idx.msk $0xffff, v5;
	v63 =	vadd.f32 v59, v58  }
0x1e9: {  	s0 =	sand.u32 $0x380, s0;
	s31 =	sadd.s32 s6, s1;
	[tilespmem:v0+s5+$0x0 ss:$0x1] =	vst.idx.msk $0xffff, v62;
	v1 =	vadd.f32 v2, v61  }
0x1ea: {  	s0 =	sadd.s32 s0, s1;
	[tilespmem:v0+s31+$0x0 ss:$0x1] =	vst.idx.msk $0xffff, v63  }
0x1eb: {  	[tilespmem:v0+s0+$0x0 ss:$0x1] =	vst.idx.msk $0xffff, v1  }
0x1ec: {  	p0 =	sne.s32 s21, $0xF  }
.Ltmp8:
0x1ed: {  	_ = 	snop;
	(pc) =	sbr.rel @p0 .LBB2_10-.Ltmp8, $3  }
0x1ee: {  	_ =	sdelay $0x1  }
0x1ef: {  	s0 =	sadd.s32 s24, s23  }
0x1f0: {  	[hbm4b:s0+s12] =	stream.strided.scatter [tilespmem:s17], [sflag:$0x4], $0x2000, s13, s12, $0x38;
	[tilespmem:$0x1E000] =	vst v63  }
0x1f1: {  	_ =	swait.ge [sflag:s18], $0x2000  }
0x1f2: {  	[sflag:s18] =	ssyncset.done $0x0  }
0x1f3: {  	[sflag:s18] =	ssyncadd.s32 $0xFFFFE000  }
0x1f4: {  	_ =	swait.ge [sflag:s19], $0x2000  }
0x1f5: {  	s20 =	sadd.s32 $0x1, s20;
	s0 =	rddreg [dreg:$0x18]  }
0x1f6: {  	p0 =	sne.s32 s20, s0  }
.Ltmp9:
0x1f7: {  	_ = 	snop;
	(pc) =	sbr.rel @p0 .LBB2_1-.Ltmp9, $3  }
0x1f8: {  	_ =	sdelay $0x1  }
0x1f9: {  	[sflag:s19] =	ssyncset.done $0x0  }
0x1fa: {  	[sflag:s19] =	ssyncadd.s32 $0xFFFFE000  }
0x1fb: {  	_ =	sfence.sel $0x180000  }
0x1fc: {  	[bflag:$0x0] =	sbarrier.arrive $0xFFFF  }
0x1fd: {  	_ =	strace $0x90000047  }
0x1fe: {  	s0 =	stileid.u32;
	[bflag:$0x2] =	sbarrier.arrive $0xFFFF  }
0x1ff: {  	p0 =	sne.s32 s0, $0x0;
	s0 =	rddreg [dreg:$0x3]  }
0x200: {  	s0 =	sadd.s32 @!p0 $0x100000, s0  }
0x201: {  	[sflag:s0] =	ssyncadd.tile.s32 @!p0 $0x1;
	_ =	shalt  }
.Lfunc_end2:
_tile_overlayer_lowered:
.L_overlay_start_2:
0x202: {  	(tag) =	ssettag $0x2  }
0x203: {  	s0 =	rddreg [dreg:$0x0];
	s2 =	stileid.u32  }
0x204: {  	s1 =	rddreg [dreg:$0x1];
	p0 =	sne.s32 s2, $0x0  }
0x205: {  	s3 =	rddreg [dreg:$0x2];
	[bflag:$0x3] =	sbarrier.arrive $0xFFFF;
	s2 =	simm.s32 @!p0 $0x1C05  }
0x206: {  	[timem:s3], [sflag:s2] =	dma.local @!p0 [hbm:s0], s1  }
0x207: {  	s0 =	simm.s32 @!p0 $0x5  }
0x208: {  	_ =	swait.ge @!p0 [sflag:s0], s1  }
0x209: {  	s1 =	ssub.s32 @!p0 $0x0, s1;
	[sflag:s0] =	ssyncset.done @!p0 $0x0  }
0x20a: {  	[sflag:s0] =	ssyncadd.s32 @!p0 s1  }
0x20b: {  	[bflag:$0x3] =	sbarrier.arrive $0xFFFF  }
0x20c: {  	_ =	shalt  }

</sc_bundles>
